<compile_context>
chip_gen: v7x
topology: tpu7x:2x2x1
jax: 0.10.2.dev20260603
libtpu: 0.0.44.dev20260713+nightly
codegen_flags: <defaults>
</compile_context>

<pallas_src>
import functools

import jax
import jax.numpy as jnp
from jax import lax
from jax.experimental import pallas as pl
from jax.experimental.pallas import tpu as pltpu
from jax.experimental.pallas import tpu_sc as plsc

NC = 2
NS = 16
K = 128

_MESH = dict(core_axis_name="c", subcore_axis_name="s", num_cores=NC,
             num_subcores=NS)


DW = 128


def _deg_kernel(rows, npad):
    per_sc = rows // NC
    per_tile = rows // (NC * NS)
    nslab = npad // NS
    nchunks = nslab // K

    @functools.partial(
        pl.kernel,
        out_type=jax.ShapeDtypeStruct((NC, npad, DW), jnp.float32),
        mesh=plsc.VectorSubcoreMesh(**_MESH),
        scratch_types=[
            pltpu.VMEM((per_tile, K), jnp.int32),
            pltpu.VMEM((K, DW), jnp.float32),
            pltpu.VMEM((K, DW), jnp.float32),
            pltpu.VMEM_SHARED((npad, DW), jnp.float32),
            pltpu.SemaphoreType.DMA,
        ],
    )
    def k(col_hbm, deg_out, col_v, ones_v, buf, deg_sh, sem):
        c = lax.axis_index("c")
        s = lax.axis_index("s")
        pltpu.sync_copy(col_hbm.at[pl.ds(c * per_sc + s * per_tile, per_tile)],
                        col_v)
        ones_v[...] = jnp.ones((K, DW), jnp.float32)
        buf[...] = jnp.zeros((K, DW), jnp.float32)
        for t in range(nchunks):
            pltpu.sync_copy(buf, deg_sh.at[pl.ds(s * nslab + t * K, K)])
        plsc.subcore_barrier()

        def step(j, carry):
            pltpu.async_copy(ones_v, deg_sh.at[col_v.at[j]], sem, add=True)
            return carry

        lax.fori_loop(0, per_tile, step, 0)

        def dstep(j, carry):
            pltpu.make_async_copy(ones_v, deg_sh.at[col_v.at[0]], sem).wait()
            return carry

        lax.fori_loop(0, per_tile, dstep, 0)
        plsc.subcore_barrier()
        for t in range(nchunks):
            pltpu.sync_copy(deg_sh.at[pl.ds(s * nslab + t * K, K)], buf)
            pltpu.sync_copy(buf, deg_out.at[c, pl.ds(s * nslab + t * K, K)])

    return k


NBLK = 2


def _scatter_kernel(rows, npad):
    per_tile = rows // NS
    hblk = per_tile // NBLK
    nslab = npad // NS
    nchunks = nslab // K

    @functools.partial(
        pl.kernel,
        out_type=jax.ShapeDtypeStruct((NC, npad, 128), jnp.float32),
        mesh=plsc.VectorSubcoreMesh(**_MESH),
        scratch_types=[
            pltpu.VMEM((hblk, K), jnp.int32),
            pltpu.VMEM((hblk, K), jnp.int32),
            pltpu.VMEM((K, 128), jnp.float32),
            pltpu.VMEM((K, 128), jnp.float32),
            pltpu.VMEM_SHARED((npad, 128), jnp.float32),
            pltpu.SemaphoreType.DMA,
            pltpu.SemaphoreType.DMA,
        ],
    )
    def k(row_hbm, col_hbm, y_hbm, zer_hbm, s_out,
          row_v, col_v, b0, b1, s_sh, g0, g1):
        c = lax.axis_index("c")
        s = lax.axis_index("s")
        pltpu.sync_copy(zer_hbm, b0)
        for t in range(nchunks):
            pltpu.sync_copy(b0, s_sh.at[pl.ds(s * nslab + t * K, K)])
        plsc.subcore_barrier()

        def gather(j, buf, sem):
            pltpu.async_copy(y_hbm.at[row_v.at[j]], buf, sem)

        def drain(j, buf, sem):
            pltpu.make_async_copy(y_hbm.at[row_v.at[j]], buf, sem).wait()

        def scat(buf, j):
            pltpu.sync_copy(buf, s_sh.at[col_v.at[j]], add=True)

        for blk in range(NBLK):
            base = s * per_tile + blk * hblk
            pltpu.sync_copy(row_hbm.at[c, pl.ds(base, hblk)], row_v)
            pltpu.sync_copy(col_hbm.at[pl.ds(base, hblk)], col_v)
            gather(0, b0, g0)

            def step(i, carry):
                j = 2 * i
                gather(j + 1, b1, g1)
                drain(j, b0, g0)
                scat(b0, j)
                gather(j + 2, b0, g0)
                drain(j + 1, b1, g1)
                scat(b1, j + 1)
                return carry

            lax.fori_loop(0, hblk // 2 - 1, step, 0)
            gather(hblk - 1, b1, g1)
            drain(hblk - 2, b0, g0)
            scat(b0, hblk - 2)
            drain(hblk - 1, b1, g1)
            scat(b1, hblk - 1)
        plsc.subcore_barrier()
        for t in range(nchunks):
            pltpu.sync_copy(s_sh.at[pl.ds(s * nslab + t * K, K)], b0)
            pltpu.sync_copy(b0, s_out.at[c, pl.ds(s * nslab + t * K, K)])

    return k


def _scale_body(x_ref, d_ref, y_ref, dis_ref):
    deg = d_ref[0, :, 0:1] + d_ref[1, :, 0:1] + 1.0
    dis = lax.rsqrt(deg)
    y = x_ref[...] * dis
    y_ref[0] = y[:, :128]
    y_ref[1] = y[:, 128:]
    dis_ref[...] = jnp.broadcast_to(dis, dis_ref.shape)


def _out_body(s_ref, x_ref, dis_ref, w_ref, b_ref, o_ref):
    dis = dis_ref[:, 0:1]
    s_full = jnp.concatenate([s_ref[0], s_ref[1]], axis=1)
    z = (s_full + x_ref[...] * dis) * dis
    acc = jnp.dot(z, w_ref[...], preferred_element_type=jnp.float32)
    acc = acc + b_ref[...]
    o_ref[...] = jnp.where(acc > 0, acc, 0.1 * acc)


def kernel(x, edge_index, W, b):
    n, in_ch = x.shape
    out_ch = W.shape[1]
    e = edge_index.shape[1]
    assert in_ch == 256

    npad = -(-(n + 1) // 2048) * 2048
    rows = -(-e // (K * 32)) * 32
    epad = rows * K

    row = edge_index[0]
    col = edge_index[1]
    fill = jnp.full((epad - e,), n, dtype=jnp.int32)
    rowp = jnp.concatenate([row, fill])
    colp = jnp.concatenate([col, fill])
    col2 = colp.reshape(rows, K)
    row_both = jnp.stack([rowp, rowp + npad]).reshape(NC, rows, K)
    x_pad = jnp.pad(x, ((0, npad - n), (0, 0)))

    zer_k = jnp.zeros((K, 128), jnp.float32)

    deg2 = _deg_kernel(rows, npad)(col2)

    blk = 1024
    grid = (npad // blk,)
    y2, dis = pl.pallas_call(
        _scale_body,
        grid=grid,
        in_specs=[
            pl.BlockSpec((blk, in_ch), lambda i: (i, 0)),
            pl.BlockSpec((NC, blk, DW), lambda i: (0, i, 0)),
        ],
        out_specs=[
            pl.BlockSpec((NC, blk, 128), lambda i: (0, i, 0)),
            pl.BlockSpec((blk, 128), lambda i: (i, 0)),
        ],
        out_shape=[
            jax.ShapeDtypeStruct((NC, npad, 128), jnp.float32),
            jax.ShapeDtypeStruct((npad, 128), jnp.float32),
        ],
    )(x_pad, deg2)

    yflat = y2.reshape(NC * npad, 128)
    s_agg = _scatter_kernel(rows, npad)(row_both, col2, yflat, zer_k)

    out = pl.pallas_call(
        _out_body,
        grid=grid,
        in_specs=[
            pl.BlockSpec((NC, blk, 128), lambda i: (0, i, 0)),
            pl.BlockSpec((blk, in_ch), lambda i: (i, 0)),
            pl.BlockSpec((blk, 128), lambda i: (i, 0)),
            pl.BlockSpec((in_ch, out_ch), lambda i: (0, 0)),
            pl.BlockSpec((1, out_ch), lambda i: (0, 0)),
        ],
        out_specs=pl.BlockSpec((blk, out_ch), lambda i: (i, 0)),
        out_shape=jax.ShapeDtypeStruct((npad, out_ch), jnp.float32),
    )(s_agg, x_pad, dis, W, b.reshape(1, out_ch))

    return out[:n]

# --- scband reference (transcript-rebuilt; emitter-appended) ---
"""Pipeline reference for scband-conv-block-33990371181515 (READ-ONLY COPY).

The authoritative reference and input builder live on the scoring server;
editing this copy changes nothing except your own understanding.
"""

import jax, jax.numpy as jnp
import numpy as np

N = 10000
E = 160000
IN_CH = 256
OUT_CH = 512


def setup_inputs(seed: int = 0) -> dict:
    key = jax.random.key(seed)
    k1, k2, k3, k4 = jax.random.split(key, 4)
    x = jax.random.normal(k1, (N, IN_CH), dtype=jnp.float32)
    edge_index = jax.random.randint(k2, (2, E), 0, N, dtype=jnp.int32)
    # GCNConv learned parameters (glorot-style init for W, zeros for bias)
    limit = float(np.sqrt(6.0 / (IN_CH + OUT_CH)))
    W = jax.random.uniform(k3, (IN_CH, OUT_CH), dtype=jnp.float32, minval=-limit, maxval=limit)
    b = jnp.zeros((OUT_CH,), dtype=jnp.float32)
    return {"x": x, "edge_index": edge_index, "W": W, "b": b}


def reference(x, edge_index, W, b):
    # GCNConv: out = D^{-1/2} (A + I) D^{-1/2} (x @ W) + b, then LeakyReLU(0.1)
    row = edge_index[0]
    col = edge_index[1]
    # add self loops
    loop = jnp.arange(N, dtype=row.dtype)
    row = jnp.concatenate([row, loop])
    col = jnp.concatenate([col, loop])
    # linear transform
    xw = x @ W
    # symmetric normalization based on in-degree (includes self loops)
    deg = jnp.zeros((N,), dtype=jnp.float32).at[col].add(1.0)
    deg_inv_sqrt = jax.lax.rsqrt(jnp.maximum(deg, 1e-12))
    norm = deg_inv_sqrt[row] * deg_inv_sqrt[col]
    # gather source features, scale, scatter-add to destination
    msg = xw[row] * norm[:, None]
    aggregated = jnp.zeros((N, OUT_CH), dtype=jnp.float32).at[col].add(msg)
    out = aggregated + b
    # LeakyReLU(negative_slope=0.1)
    return jnp.where(out > 0, out, 0.1 * out)

if __name__ == "__main__":
    import jax
    _d = setup_inputs()
    print(jax.jit(kernel)(*tuple(_d.values())))

</pallas_src>

<mosaic_0001>
#map = affine_map<(d0, d1) -> (0, 0)>
#map1 = affine_map<(d0, d1) -> (0, 0, 0)>
module attributes {stable_mosaic.version = 14 : i64} {
  func.func @k(%arg0: i32, %arg1: i32, %arg2: memref<1280x128xi32, #tpu.memory_space<hbm>>, %arg3: memref<2x10240x128xf32, #tpu.memory_space<hbm>>, %arg4: memref<40x128xi32, #tpu.memory_space<vmem>>, %arg5: memref<128x128xf32, #tpu.memory_space<vmem>>, %arg6: memref<128x128xf32, #tpu.memory_space<vmem>>, %arg7: memref<10240x128xf32, #tpu.memory_space<vmem_shared>>, %arg8: memref<!tpu.dma_semaphore, #tpu.memory_space<semaphore_mem>>) attributes {dimension_semantics = [#tpu.dimension_semantics<core_parallel>, #tpu.dimension_semantics<subcore_parallel>], iteration_bounds = array<i64: 2, 16>, scalar_prefetch = 0 : i64, scratch_operands = 5 : i64, tpu.core_type = #tpu.core_type<sc_vector_subcore>, window_params = [{transform_indices = #map}, {transform_indices = #map1}]} {
    %mul3A = arith.constant 640 : i32
    %mul3A_0 = arith.muli %arg0, %mul3A : i32
    %mul3A_1 = arith.constant 40 : i32
    %mul3A_2 = arith.muli %arg1, %mul3A_1 : i32
    %add3A = arith.addi %mul3A_0, %mul3A_2 : i32
    "tpu.region"() ({
      %run_scoped3A = tpu.sem_alloc : memref<!tpu.dma_semaphore, #tpu.memory_space<semaphore_mem>>
      %dma_start3A = arith.constant 0 : i32
      %dma_start3A_87 = tpu.memref_slice %arg2[%add3A, %dma_start3A] : memref<1280x128xi32, #tpu.memory_space<hbm>> -> memref<40x128xi32, #tpu.memory_space<hbm>>
      %dma_start3A_88 = arith.constant 0 : i32
      %dma_start3A_89 = tpu.memref_slice %arg2[%add3A, %dma_start3A_88] : memref<1280x128xi32, #tpu.memory_space<hbm>> -> memref<40x128xi32, #tpu.memory_space<hbm>>
      tpu.enqueue_dma source(%dma_start3A_89 : memref<40x128xi32, #tpu.memory_space<hbm>>) target(%arg4 : memref<40x128xi32, #tpu.memory_space<vmem>>) target_semaphore(%run_scoped3A : memref<!tpu.dma_semaphore, #tpu.memory_space<semaphore_mem>>)
      %dma_wait3A = arith.constant 0 : i32
      %dma_wait3A_90 = tpu.memref_slice %arg2[%add3A, %dma_wait3A] : memref<1280x128xi32, #tpu.memory_space<hbm>> -> memref<40x128xi32, #tpu.memory_space<hbm>>
      %dma_wait3A_91 = arith.constant 0 : i32
      %dma_wait3A_92 = tpu.memref_slice %arg2[%add3A, %dma_wait3A_91] : memref<1280x128xi32, #tpu.memory_space<hbm>> -> memref<40x128xi32, #tpu.memory_space<hbm>>
      tpu.wait_dma2 semaphore(%run_scoped3A : memref<!tpu.dma_semaphore, #tpu.memory_space<semaphore_mem>>) src(%dma_wait3A_92 : memref<40x128xi32, #tpu.memory_space<hbm>>) dst(%arg4 : memref<40x128xi32, #tpu.memory_space<vmem>>)
      tpu.yield
    }) : () -> ()
    %broadcast_in_dim3A = arith.constant 1.000000e+00 : f32
    %broadcast_in_dim3A_3 = vector.broadcast %broadcast_in_dim3A : f32 to vector<128x128xf32>
    %swap3A = arith.constant 0 : index
    %swap3A_4 = arith.constant 0 : index
    %swap3A_5 = tpu.vector_load %arg5[%swap3A, %swap3A_4] {strides = array<i32>} : memref<128x128xf32, #tpu.memory_space<vmem>>, vector<128x128xf32>,
    %swap3A_6 = vector.shape_cast %swap3A_5 : vector<128x128xf32> to vector<128x128xf32>
    %swap3A_7 = vector.shape_cast %broadcast_in_dim3A_3 : vector<128x128xf32> to vector<128x128xf32>
    tpu.vector_store %arg5[%swap3A, %swap3A_4], %swap3A_7 {strides = array<i32>} : memref<128x128xf32, #tpu.memory_space<vmem>>, vector<128x128xf32>,
    %broadcast_in_dim3A_8 = arith.constant 0.000000e+00 : f32
    %broadcast_in_dim3A_9 = vector.broadcast %broadcast_in_dim3A_8 : f32 to vector<128x128xf32>
    %swap3A_10 = arith.constant 0 : index
    %swap3A_11 = arith.constant 0 : index
    %swap3A_12 = tpu.vector_load %arg6[%swap3A_10, %swap3A_11] {strides = array<i32>} : memref<128x128xf32, #tpu.memory_space<vmem>>, vector<128x128xf32>,
    %swap3A_13 = vector.shape_cast %swap3A_12 : vector<128x128xf32> to vector<128x128xf32>
    %swap3A_14 = vector.shape_cast %broadcast_in_dim3A_9 : vector<128x128xf32> to vector<128x128xf32>
    tpu.vector_store %arg6[%swap3A_10, %swap3A_11], %swap3A_14 {strides = array<i32>} : memref<128x128xf32, #tpu.memory_space<vmem>>, vector<128x128xf32>,
    %mul3A_15 = arith.constant 640 : i32
    %mul3A_16 = arith.muli %arg1, %mul3A_15 : i32
    %add3A_17 = arith.constant 0 : i32
    %add3A_18 = arith.addi %mul3A_16, %add3A_17 : i32
    "tpu.region"() ({
      %run_scoped3A = tpu.sem_alloc : memref<!tpu.dma_semaphore, #tpu.memory_space<semaphore_mem>>
      %dma_start3A = arith.constant 0 : i32
      %dma_start3A_87 = tpu.memref_slice %arg7[%add3A_18, %dma_start3A] : memref<10240x128xf32, #tpu.memory_space<vmem_shared>> -> memref<128x128xf32, #tpu.memory_space<vmem_shared>>
      %dma_start3A_88 = arith.constant 0 : i32
      %dma_start3A_89 = tpu.memref_slice %arg7[%add3A_18, %dma_start3A_88] : memref<10240x128xf32, #tpu.memory_space<vmem_shared>> -> memref<128x128xf32, #tpu.memory_space<vmem_shared>>
      tpu.enqueue_dma source(%arg6 : memref<128x128xf32, #tpu.memory_space<vmem>>) target(%dma_start3A_89 : memref<128x128xf32, #tpu.memory_space<vmem_shared>>) target_semaphore(%run_scoped3A : memref<!tpu.dma_semaphore, #tpu.memory_space<semaphore_mem>>)
      %dma_wait3A = arith.constant 0 : i32
      %dma_wait3A_90 = tpu.memref_slice %arg7[%add3A_18, %dma_wait3A] : memref<10240x128xf32, #tpu.memory_space<vmem_shared>> -> memref<128x128xf32, #tpu.memory_space<vmem_shared>>
      %dma_wait3A_91 = arith.constant 0 : i32
      %dma_wait3A_92 = tpu.memref_slice %arg7[%add3A_18, %dma_wait3A_91] : memref<10240x128xf32, #tpu.memory_space<vmem_shared>> -> memref<128x128xf32, #tpu.memory_space<vmem_shared>>
      tpu.wait_dma2 semaphore(%run_scoped3A : memref<!tpu.dma_semaphore, #tpu.memory_space<semaphore_mem>>) src(%arg6 : memref<128x128xf32, #tpu.memory_space<vmem>>) dst(%dma_wait3A_92 : memref<128x128xf32, #tpu.memory_space<vmem_shared>>)
      tpu.yield
    }) : () -> ()
    %mul3A_19 = arith.constant 640 : i32
    %mul3A_20 = arith.muli %arg1, %mul3A_19 : i32
    %add3A_21 = arith.constant 128 : i32
    %add3A_22 = arith.addi %mul3A_20, %add3A_21 : i32
    "tpu.region"() ({
      %run_scoped3A = tpu.sem_alloc : memref<!tpu.dma_semaphore, #tpu.memory_space<semaphore_mem>>
      %dma_start3A = arith.constant 0 : i32
      %dma_start3A_87 = tpu.memref_slice %arg7[%add3A_22, %dma_start3A] : memref<10240x128xf32, #tpu.memory_space<vmem_shared>> -> memref<128x128xf32, #tpu.memory_space<vmem_shared>>
      %dma_start3A_88 = arith.constant 0 : i32
      %dma_start3A_89 = tpu.memref_slice %arg7[%add3A_22, %dma_start3A_88] : memref<10240x128xf32, #tpu.memory_space<vmem_shared>> -> memref<128x128xf32, #tpu.memory_space<vmem_shared>>
      tpu.enqueue_dma source(%arg6 : memref<128x128xf32, #tpu.memory_space<vmem>>) target(%dma_start3A_89 : memref<128x128xf32, #tpu.memory_space<vmem_shared>>) target_semaphore(%run_scoped3A : memref<!tpu.dma_semaphore, #tpu.memory_space<semaphore_mem>>)
      %dma_wait3A = arith.constant 0 : i32
      %dma_wait3A_90 = tpu.memref_slice %arg7[%add3A_22, %dma_wait3A] : memref<10240x128xf32, #tpu.memory_space<vmem_shared>> -> memref<128x128xf32, #tpu.memory_space<vmem_shared>>
      %dma_wait3A_91 = arith.constant 0 : i32
      %dma_wait3A_92 = tpu.memref_slice %arg7[%add3A_22, %dma_wait3A_91] : memref<10240x128xf32, #tpu.memory_space<vmem_shared>> -> memref<128x128xf32, #tpu.memory_space<vmem_shared>>
      tpu.wait_dma2 semaphore(%run_scoped3A : memref<!tpu.dma_semaphore, #tpu.memory_space<semaphore_mem>>) src(%arg6 : memref<128x128xf32, #tpu.memory_space<vmem>>) dst(%dma_wait3A_92 : memref<128x128xf32, #tpu.memory_space<vmem_shared>>)
      tpu.yield
    }) : () -> ()
    %mul3A_23 = arith.constant 640 : i32
    %mul3A_24 = arith.muli %arg1, %mul3A_23 : i32
    %add3A_25 = arith.constant 256 : i32
    %add3A_26 = arith.addi %mul3A_24, %add3A_25 : i32
    "tpu.region"() ({
      %run_scoped3A = tpu.sem_alloc : memref<!tpu.dma_semaphore, #tpu.memory_space<semaphore_mem>>
      %dma_start3A = arith.constant 0 : i32
      %dma_start3A_87 = tpu.memref_slice %arg7[%add3A_26, %dma_start3A] : memref<10240x128xf32, #tpu.memory_space<vmem_shared>> -> memref<128x128xf32, #tpu.memory_space<vmem_shared>>
      %dma_start3A_88 = arith.constant 0 : i32
      %dma_start3A_89 = tpu.memref_slice %arg7[%add3A_26, %dma_start3A_88] : memref<10240x128xf32, #tpu.memory_space<vmem_shared>> -> memref<128x128xf32, #tpu.memory_space<vmem_shared>>
      tpu.enqueue_dma source(%arg6 : memref<128x128xf32, #tpu.memory_space<vmem>>) target(%dma_start3A_89 : memref<128x128xf32, #tpu.memory_space<vmem_shared>>) target_semaphore(%run_scoped3A : memref<!tpu.dma_semaphore, #tpu.memory_space<semaphore_mem>>)
      %dma_wait3A = arith.constant 0 : i32
      %dma_wait3A_90 = tpu.memref_slice %arg7[%add3A_26, %dma_wait3A] : memref<10240x128xf32, #tpu.memory_space<vmem_shared>> -> memref<128x128xf32, #tpu.memory_space<vmem_shared>>
      %dma_wait3A_91 = arith.constant 0 : i32
      %dma_wait3A_92 = tpu.memref_slice %arg7[%add3A_26, %dma_wait3A_91] : memref<10240x128xf32, #tpu.memory_space<vmem_shared>> -> memref<128x128xf32, #tpu.memory_space<vmem_shared>>
      tpu.wait_dma2 semaphore(%run_scoped3A : memref<!tpu.dma_semaphore, #tpu.memory_space<semaphore_mem>>) src(%arg6 : memref<128x128xf32, #tpu.memory_space<vmem>>) dst(%dma_wait3A_92 : memref<128x128xf32, #tpu.memory_space<vmem_shared>>)
      tpu.yield
    }) : () -> ()
    %mul3A_27 = arith.constant 640 : i32
    %mul3A_28 = arith.muli %arg1, %mul3A_27 : i32
    %add3A_29 = arith.constant 384 : i32
    %add3A_30 = arith.addi %mul3A_28, %add3A_29 : i32
    "tpu.region"() ({
      %run_scoped3A = tpu.sem_alloc : memref<!tpu.dma_semaphore, #tpu.memory_space<semaphore_mem>>
      %dma_start3A = arith.constant 0 : i32
      %dma_start3A_87 = tpu.memref_slice %arg7[%add3A_30, %dma_start3A] : memref<10240x128xf32, #tpu.memory_space<vmem_shared>> -> memref<128x128xf32, #tpu.memory_space<vmem_shared>>
      %dma_start3A_88 = arith.constant 0 : i32
      %dma_start3A_89 = tpu.memref_slice %arg7[%add3A_30, %dma_start3A_88] : memref<10240x128xf32, #tpu.memory_space<vmem_shared>> -> memref<128x128xf32, #tpu.memory_space<vmem_shared>>
      tpu.enqueue_dma source(%arg6 : memref<128x128xf32, #tpu.memory_space<vmem>>) target(%dma_start3A_89 : memref<128x128xf32, #tpu.memory_space<vmem_shared>>) target_semaphore(%run_scoped3A : memref<!tpu.dma_semaphore, #tpu.memory_space<semaphore_mem>>)
      %dma_wait3A = arith.constant 0 : i32
      %dma_wait3A_90 = tpu.memref_slice %arg7[%add3A_30, %dma_wait3A] : memref<10240x128xf32, #tpu.memory_space<vmem_shared>> -> memref<128x128xf32, #tpu.memory_space<vmem_shared>>
      %dma_wait3A_91 = arith.constant 0 : i32
      %dma_wait3A_92 = tpu.memref_slice %arg7[%add3A_30, %dma_wait3A_91] : memref<10240x128xf32, #tpu.memory_space<vmem_shared>> -> memref<128x128xf32, #tpu.memory_space<vmem_shared>>
      tpu.wait_dma2 semaphore(%run_scoped3A : memref<!tpu.dma_semaphore, #tpu.memory_space<semaphore_mem>>) src(%arg6 : memref<128x128xf32, #tpu.memory_space<vmem>>) dst(%dma_wait3A_92 : memref<128x128xf32, #tpu.memory_space<vmem_shared>>)
      tpu.yield
    }) : () -> ()
    %mul3A_31 = arith.constant 640 : i32
    %mul3A_32 = arith.muli %arg1, %mul3A_31 : i32
    %add3A_33 = arith.constant 512 : i32
    %add3A_34 = arith.addi %mul3A_32, %add3A_33 : i32
    "tpu.region"() ({
      %run_scoped3A = tpu.sem_alloc : memref<!tpu.dma_semaphore, #tpu.memory_space<semaphore_mem>>
      %dma_start3A = arith.constant 0 : i32
      %dma_start3A_87 = tpu.memref_slice %arg7[%add3A_34, %dma_start3A] : memref<10240x128xf32, #tpu.memory_space<vmem_shared>> -> memref<128x128xf32, #tpu.memory_space<vmem_shared>>
      %dma_start3A_88 = arith.constant 0 : i32
      %dma_start3A_89 = tpu.memref_slice %arg7[%add3A_34, %dma_start3A_88] : memref<10240x128xf32, #tpu.memory_space<vmem_shared>> -> memref<128x128xf32, #tpu.memory_space<vmem_shared>>
      tpu.enqueue_dma source(%arg6 : memref<128x128xf32, #tpu.memory_space<vmem>>) target(%dma_start3A_89 : memref<128x128xf32, #tpu.memory_space<vmem_shared>>) target_semaphore(%run_scoped3A : memref<!tpu.dma_semaphore, #tpu.memory_space<semaphore_mem>>)
      %dma_wait3A = arith.constant 0 : i32
      %dma_wait3A_90 = tpu.memref_slice %arg7[%add3A_34, %dma_wait3A] : memref<10240x128xf32, #tpu.memory_space<vmem_shared>> -> memref<128x128xf32, #tpu.memory_space<vmem_shared>>
      %dma_wait3A_91 = arith.constant 0 : i32
      %dma_wait3A_92 = tpu.memref_slice %arg7[%add3A_34, %dma_wait3A_91] : memref<10240x128xf32, #tpu.memory_space<vmem_shared>> -> memref<128x128xf32, #tpu.memory_space<vmem_shared>>
      tpu.wait_dma2 semaphore(%run_scoped3A : memref<!tpu.dma_semaphore, #tpu.memory_space<semaphore_mem>>) src(%arg6 : memref<128x128xf32, #tpu.memory_space<vmem>>) dst(%dma_wait3A_92 : memref<128x128xf32, #tpu.memory_space<vmem_shared>>)
      tpu.yield
    }) : () -> ()
    %barrier3A = arith.constant 0 : index
    tpu.barrier barrier_id(%barrier3A)
    %scan3A = arith.constant 0 : i32
    %scan3A_35 = arith.constant 0 : i32
    %scan3A_36 = arith.constant 40 : i32
    %scan3A_37 = arith.addi %scan3A_35, %scan3A_36 : i32
    %scan3A_38 = arith.constant 1 : i32
    scf.for %scan3A_87 = %scan3A_35 to %scan3A_37 step %scan3A_38  : i32 {
      %dma_start3A = arith.constant 0 : i32
      %dma_start3A_88 = tpu.memref_slice %arg4[%scan3A_87, %dma_start3A] : memref<40x128xi32, #tpu.memory_space<vmem>> -> memref<1x128xi32, #tpu.memory_space<vmem>>
      %dma_start3A_89 = tpu.memref_squeeze %dma_start3A_88 : memref<1x128xi32, #tpu.memory_space<vmem>> -> memref<128xi32, #tpu.memory_space<vmem>>
      %dma_start3A_90 = arith.constant 0 : i32
      %dma_start3A_91 = arith.constant 0 : i32
      %dma_start3A_92 = tpu.memref_slice %arg7[%dma_start3A_90, %dma_start3A_91] : memref<10240x128xf32, #tpu.memory_space<vmem_shared>> -> memref<10240x128xf32, #tpu.memory_space<vmem_shared>>
      tpu.enqueue_indirect_dma source(%arg5 : memref<128x128xf32, #tpu.memory_space<vmem>>) target(%dma_start3A_92 : memref<10240x128xf32, #tpu.memory_space<vmem_shared>>) offsets(%dma_start3A_89 : memref<128xi32, #tpu.memory_space<vmem>>) semaphore(%arg8 : memref<!tpu.dma_semaphore, #tpu.memory_space<semaphore_mem>>) {add = true}
    }
    %scan3A_39 = arith.constant 40 : i32
    %scan3A_40 = arith.constant 0 : i32
    %scan3A_41 = arith.constant 0 : i32
    %scan3A_42 = arith.constant 40 : i32
    %scan3A_43 = arith.addi %scan3A_41, %scan3A_42 : i32
    %scan3A_44 = arith.constant 1 : i32
    scf.for %scan3A_87 = %scan3A_41 to %scan3A_43 step %scan3A_44  : i32 {
      %dma_wait3A = arith.constant 0 : i32
      %dma_wait3A_88 = arith.constant 0 : i32
      %dma_wait3A_89 = tpu.memref_slice %arg4[%dma_wait3A, %dma_wait3A_88] : memref<40x128xi32, #tpu.memory_space<vmem>> -> memref<1x128xi32, #tpu.memory_space<vmem>>
      %dma_wait3A_90 = tpu.memref_squeeze %dma_wait3A_89 : memref<1x128xi32, #tpu.memory_space<vmem>> -> memref<128xi32, #tpu.memory_space<vmem>>
      %dma_wait3A_91 = arith.constant 0 : i32
      %dma_wait3A_92 = arith.constant 0 : i32
      %dma_wait3A_93 = tpu.memref_slice %arg7[%dma_wait3A_91, %dma_wait3A_92] : memref<10240x128xf32, #tpu.memory_space<vmem_shared>> -> memref<10240x128xf32, #tpu.memory_space<vmem_shared>>
      tpu.wait_indirect_dma semaphore(%arg8 : memref<!tpu.dma_semaphore, #tpu.memory_space<semaphore_mem>>) src(%arg5 : memref<128x128xf32, #tpu.memory_space<vmem>>) dst(%dma_wait3A_93 : memref<10240x128xf32, #tpu.memory_space<vmem_shared>>)
    }
    %scan3A_45 = arith.constant 40 : i32
    %barrier3A_46 = arith.constant 0 : index
    tpu.barrier barrier_id(%barrier3A_46)
    %mul3A_47 = arith.constant 640 : i32
    %mul3A_48 = arith.muli %arg1, %mul3A_47 : i32
    %add3A_49 = arith.constant 0 : i32
    %add3A_50 = arith.addi %mul3A_48, %add3A_49 : i32
    "tpu.region"() ({
      %run_scoped3A = tpu.sem_alloc : memref<!tpu.dma_semaphore, #tpu.memory_space<semaphore_mem>>
      %dma_start3A = arith.constant 0 : i32
      %dma_start3A_87 = tpu.memref_slice %arg7[%add3A_50, %dma_start3A] : memref<10240x128xf32, #tpu.memory_space<vmem_shared>> -> memref<128x128xf32, #tpu.memory_space<vmem_shared>>
      %dma_start3A_88 = arith.constant 0 : i32
      %dma_start3A_89 = tpu.memref_slice %arg7[%add3A_50, %dma_start3A_88] : memref<10240x128xf32, #tpu.memory_space<vmem_shared>> -> memref<128x128xf32, #tpu.memory_space<vmem_shared>>
      tpu.enqueue_dma source(%dma_start3A_89 : memref<128x128xf32, #tpu.memory_space<vmem_shared>>) target(%arg6 : memref<128x128xf32, #tpu.memory_space<vmem>>) target_semaphore(%run_scoped3A : memref<!tpu.dma_semaphore, #tpu.memory_space<semaphore_mem>>)
      %dma_wait3A = arith.constant 0 : i32
      %dma_wait3A_90 = tpu.memref_slice %arg7[%add3A_50, %dma_wait3A] : memref<10240x128xf32, #tpu.memory_space<vmem_shared>> -> memref<128x128xf32, #tpu.memory_space<vmem_shared>>
      %dma_wait3A_91 = arith.constant 0 : i32
      %dma_wait3A_92 = tpu.memref_slice %arg7[%add3A_50, %dma_wait3A_91] : memref<10240x128xf32, #tpu.memory_space<vmem_shared>> -> memref<128x128xf32, #tpu.memory_space<vmem_shared>>
      tpu.wait_dma2 semaphore(%run_scoped3A : memref<!tpu.dma_semaphore, #tpu.memory_space<semaphore_mem>>) src(%dma_wait3A_92 : memref<128x128xf32, #tpu.memory_space<vmem_shared>>) dst(%arg6 : memref<128x128xf32, #tpu.memory_space<vmem>>)
      tpu.yield
    }) : () -> ()
    %mul3A_51 = arith.constant 640 : i32
    %mul3A_52 = arith.muli %arg1, %mul3A_51 : i32
    %add3A_53 = arith.constant 0 : i32
    %add3A_54 = arith.addi %mul3A_52, %add3A_53 : i32
    "tpu.region"() ({
      %run_scoped3A = tpu.sem_alloc : memref<!tpu.dma_semaphore, #tpu.memory_space<semaphore_mem>>
      %dma_start3A = arith.constant 0 : i32
      %dma_start3A_87 = tpu.memref_slice %arg3[%arg0, %add3A_54, %dma_start3A] : memref<2x10240x128xf32, #tpu.memory_space<hbm>> -> memref<1x128x128xf32, #tpu.memory_space<hbm>>
      %dma_start3A_88 = tpu.memref_squeeze %dma_start3A_87 : memref<1x128x128xf32, #tpu.memory_space<hbm>> -> memref<128x128xf32, #tpu.memory_space<hbm>>
      %dma_start3A_89 = arith.constant 0 : i32
      %dma_start3A_90 = tpu.memref_slice %arg3[%arg0, %add3A_54, %dma_start3A_89] : memref<2x10240x128xf32, #tpu.memory_space<hbm>> -> memref<1x128x128xf32, #tpu.memory_space<hbm>>
      %dma_start3A_91 = tpu.memref_squeeze %dma_start3A_90 : memref<1x128x128xf32, #tpu.memory_space<hbm>> -> memref<128x128xf32, #tpu.memory_space<hbm>>
      tpu.enqueue_dma source(%arg6 : memref<128x128xf32, #tpu.memory_space<vmem>>) target(%dma_start3A_91 : memref<128x128xf32, #tpu.memory_space<hbm>>) target_semaphore(%run_scoped3A : memref<!tpu.dma_semaphore, #tpu.memory_space<semaphore_mem>>)
      %dma_wait3A = arith.constant 0 : i32
      %dma_wait3A_92 = tpu.memref_slice %arg3[%arg0, %add3A_54, %dma_wait3A] : memref<2x10240x128xf32, #tpu.memory_space<hbm>> -> memref<1x128x128xf32, #tpu.memory_space<hbm>>
      %dma_wait3A_93 = tpu.memref_squeeze %dma_wait3A_92 : memref<1x128x128xf32, #tpu.memory_space<hbm>> -> memref<128x128xf32, #tpu.memory_space<hbm>>
      %dma_wait3A_94 = arith.constant 0 : i32
      %dma_wait3A_95 = tpu.memref_slice %arg3[%arg0, %add3A_54, %dma_wait3A_94] : memref<2x10240x128xf32, #tpu.memory_space<hbm>> -> memref<1x128x128xf32, #tpu.memory_space<hbm>>
      %dma_wait3A_96 = tpu.memref_squeeze %dma_wait3A_95 : memref<1x128x128xf32, #tpu.memory_space<hbm>> -> memref<128x128xf32, #tpu.memory_space<hbm>>
      tpu.wait_dma2 semaphore(%run_scoped3A : memref<!tpu.dma_semaphore, #tpu.memory_space<semaphore_mem>>) src(%arg6 : memref<128x128xf32, #tpu.memory_space<vmem>>) dst(%dma_wait3A_96 : memref<128x128xf32, #tpu.memory_space<hbm>>)
      tpu.yield
    }) : () -> ()
    %mul3A_55 = arith.constant 640 : i32
    %mul3A_56 = arith.muli %arg1, %mul3A_55 : i32
    %add3A_57 = arith.constant 128 : i32
    %add3A_58 = arith.addi %mul3A_56, %add3A_57 : i32
    "tpu.region"() ({
      %run_scoped3A = tpu.sem_alloc : memref<!tpu.dma_semaphore, #tpu.memory_space<semaphore_mem>>
      %dma_start3A = arith.constant 0 : i32
      %dma_start3A_87 = tpu.memref_slice %arg7[%add3A_58, %dma_start3A] : memref<10240x128xf32, #tpu.memory_space<vmem_shared>> -> memref<128x128xf32, #tpu.memory_space<vmem_shared>>
      %dma_start3A_88 = arith.constant 0 : i32
      %dma_start3A_89 = tpu.memref_slice %arg7[%add3A_58, %dma_start3A_88] : memref<10240x128xf32, #tpu.memory_space<vmem_shared>> -> memref<128x128xf32, #tpu.memory_space<vmem_shared>>
      tpu.enqueue_dma source(%dma_start3A_89 : memref<128x128xf32, #tpu.memory_space<vmem_shared>>) target(%arg6 : memref<128x128xf32, #tpu.memory_space<vmem>>) target_semaphore(%run_scoped3A : memref<!tpu.dma_semaphore, #tpu.memory_space<semaphore_mem>>)
      %dma_wait3A = arith.constant 0 : i32
      %dma_wait3A_90 = tpu.memref_slice %arg7[%add3A_58, %dma_wait3A] : memref<10240x128xf32, #tpu.memory_space<vmem_shared>> -> memref<128x128xf32, #tpu.memory_space<vmem_shared>>
      %dma_wait3A_91 = arith.constant 0 : i32
      %dma_wait3A_92 = tpu.memref_slice %arg7[%add3A_58, %dma_wait3A_91] : memref<10240x128xf32, #tpu.memory_space<vmem_shared>> -> memref<128x128xf32, #tpu.memory_space<vmem_shared>>
      tpu.wait_dma2 semaphore(%run_scoped3A : memref<!tpu.dma_semaphore, #tpu.memory_space<semaphore_mem>>) src(%dma_wait3A_92 : memref<128x128xf32, #tpu.memory_space<vmem_shared>>) dst(%arg6 : memref<128x128xf32, #tpu.memory_space<vmem>>)
      tpu.yield
    }) : () -> ()
    %mul3A_59 = arith.constant 640 : i32
    %mul3A_60 = arith.muli %arg1, %mul3A_59 : i32
    %add3A_61 = arith.constant 128 : i32
    %add3A_62 = arith.addi %mul3A_60, %add3A_61 : i32
    "tpu.region"() ({
      %run_scoped3A = tpu.sem_alloc : memref<!tpu.dma_semaphore, #tpu.memory_space<semaphore_mem>>
      %dma_start3A = arith.constant 0 : i32
      %dma_start3A_87 = tpu.memref_slice %arg3[%arg0, %add3A_62, %dma_start3A] : memref<2x10240x128xf32, #tpu.memory_space<hbm>> -> memref<1x128x128xf32, #tpu.memory_space<hbm>>
      %dma_start3A_88 = tpu.memref_squeeze %dma_start3A_87 : memref<1x128x128xf32, #tpu.memory_space<hbm>> -> memref<128x128xf32, #tpu.memory_space<hbm>>
      %dma_start3A_89 = arith.constant 0 : i32
      %dma_start3A_90 = tpu.memref_slice %arg3[%arg0, %add3A_62, %dma_start3A_89] : memref<2x10240x128xf32, #tpu.memory_space<hbm>> -> memref<1x128x128xf32, #tpu.memory_space<hbm>>
      %dma_start3A_91 = tpu.memref_squeeze %dma_start3A_90 : memref<1x128x128xf32, #tpu.memory_space<hbm>> -> memref<128x128xf32, #tpu.memory_space<hbm>>
      tpu.enqueue_dma source(%arg6 : memref<128x128xf32, #tpu.memory_space<vmem>>) target(%dma_start3A_91 : memref<128x128xf32, #tpu.memory_space<hbm>>) target_semaphore(%run_scoped3A : memref<!tpu.dma_semaphore, #tpu.memory_space<semaphore_mem>>)
      %dma_wait3A = arith.constant 0 : i32
      %dma_wait3A_92 = tpu.memref_slice %arg3[%arg0, %add3A_62, %dma_wait3A] : memref<2x10240x128xf32, #tpu.memory_space<hbm>> -> memref<1x128x128xf32, #tpu.memory_space<hbm>>
      %dma_wait3A_93 = tpu.memref_squeeze %dma_wait3A_92 : memref<1x128x128xf32, #tpu.memory_space<hbm>> -> memref<128x128xf32, #tpu.memory_space<hbm>>
      %dma_wait3A_94 = arith.constant 0 : i32
      %dma_wait3A_95 = tpu.memref_slice %arg3[%arg0, %add3A_62, %dma_wait3A_94] : memref<2x10240x128xf32, #tpu.memory_space<hbm>> -> memref<1x128x128xf32, #tpu.memory_space<hbm>>
      %dma_wait3A_96 = tpu.memref_squeeze %dma_wait3A_95 : memref<1x128x128xf32, #tpu.memory_space<hbm>> -> memref<128x128xf32, #tpu.memory_space<hbm>>
      tpu.wait_dma2 semaphore(%run_scoped3A : memref<!tpu.dma_semaphore, #tpu.memory_space<semaphore_mem>>) src(%arg6 : memref<128x128xf32, #tpu.memory_space<vmem>>) dst(%dma_wait3A_96 : memref<128x128xf32, #tpu.memory_space<hbm>>)
      tpu.yield
    }) : () -> ()
    %mul3A_63 = arith.constant 640 : i32
    %mul3A_64 = arith.muli %arg1, %mul3A_63 : i32
    %add3A_65 = arith.constant 256 : i32
    %add3A_66 = arith.addi %mul3A_64, %add3A_65 : i32
    "tpu.region"() ({
      %run_scoped3A = tpu.sem_alloc : memref<!tpu.dma_semaphore, #tpu.memory_space<semaphore_mem>>
      %dma_start3A = arith.constant 0 : i32
      %dma_start3A_87 = tpu.memref_slice %arg7[%add3A_66, %dma_start3A] : memref<10240x128xf32, #tpu.memory_space<vmem_shared>> -> memref<128x128xf32, #tpu.memory_space<vmem_shared>>
      %dma_start3A_88 = arith.constant 0 : i32
      %dma_start3A_89 = tpu.memref_slice %arg7[%add3A_66, %dma_start3A_88] : memref<10240x128xf32, #tpu.memory_space<vmem_shared>> -> memref<128x128xf32, #tpu.memory_space<vmem_shared>>
      tpu.enqueue_dma source(%dma_start3A_89 : memref<128x128xf32, #tpu.memory_space<vmem_shared>>) target(%arg6 : memref<128x128xf32, #tpu.memory_space<vmem>>) target_semaphore(%run_scoped3A : memref<!tpu.dma_semaphore, #tpu.memory_space<semaphore_mem>>)
      %dma_wait3A = arith.constant 0 : i32
      %dma_wait3A_90 = tpu.memref_slice %arg7[%add3A_66, %dma_wait3A] : memref<10240x128xf32, #tpu.memory_space<vmem_shared>> -> memref<128x128xf32, #tpu.memory_space<vmem_shared>>
      %dma_wait3A_91 = arith.constant 0 : i32
      %dma_wait3A_92 = tpu.memref_slice %arg7[%add3A_66, %dma_wait3A_91] : memref<10240x128xf32, #tpu.memory_space<vmem_shared>> -> memref<128x128xf32, #tpu.memory_space<vmem_shared>>
      tpu.wait_dma2 semaphore(%run_scoped3A : memref<!tpu.dma_semaphore, #tpu.memory_space<semaphore_mem>>) src(%dma_wait3A_92 : memref<128x128xf32, #tpu.memory_space<vmem_shared>>) dst(%arg6 : memref<128x128xf32, #tpu.memory_space<vmem>>)
      tpu.yield
    }) : () -> ()
    %mul3A_67 = arith.constant 640 : i32
    %mul3A_68 = arith.muli %arg1, %mul3A_67 : i32
    %add3A_69 = arith.constant 256 : i32
    %add3A_70 = arith.addi %mul3A_68, %add3A_69 : i32
    "tpu.region"() ({
      %run_scoped3A = tpu.sem_alloc : memref<!tpu.dma_semaphore, #tpu.memory_space<semaphore_mem>>
      %dma_start3A = arith.constant 0 : i32
      %dma_start3A_87 = tpu.memref_slice %arg3[%arg0, %add3A_70, %dma_start3A] : memref<2x10240x128xf32, #tpu.memory_space<hbm>> -> memref<1x128x128xf32, #tpu.memory_space<hbm>>
      %dma_start3A_88 = tpu.memref_squeeze %dma_start3A_87 : memref<1x128x128xf32, #tpu.memory_space<hbm>> -> memref<128x128xf32, #tpu.memory_space<hbm>>
      %dma_start3A_89 = arith.constant 0 : i32
      %dma_start3A_90 = tpu.memref_slice %arg3[%arg0, %add3A_70, %dma_start3A_89] : memref<2x10240x128xf32, #tpu.memory_space<hbm>> -> memref<1x128x128xf32, #tpu.memory_space<hbm>>
      %dma_start3A_91 = tpu.memref_squeeze %dma_start3A_90 : memref<1x128x128xf32, #tpu.memory_space<hbm>> -> memref<128x128xf32, #tpu.memory_space<hbm>>
      tpu.enqueue_dma source(%arg6 : memref<128x128xf32, #tpu.memory_space<vmem>>) target(%dma_start3A_91 : memref<128x128xf32, #tpu.memory_space<hbm>>) target_semaphore(%run_scoped3A : memref<!tpu.dma_semaphore, #tpu.memory_space<semaphore_mem>>)
      %dma_wait3A = arith.constant 0 : i32
      %dma_wait3A_92 = tpu.memref_slice %arg3[%arg0, %add3A_70, %dma_wait3A] : memref<2x10240x128xf32, #tpu.memory_space<hbm>> -> memref<1x128x128xf32, #tpu.memory_space<hbm>>
      %dma_wait3A_93 = tpu.memref_squeeze %dma_wait3A_92 : memref<1x128x128xf32, #tpu.memory_space<hbm>> -> memref<128x128xf32, #tpu.memory_space<hbm>>
      %dma_wait3A_94 = arith.constant 0 : i32
      %dma_wait3A_95 = tpu.memref_slice %arg3[%arg0, %add3A_70, %dma_wait3A_94] : memref<2x10240x128xf32, #tpu.memory_space<hbm>> -> memref<1x128x128xf32, #tpu.memory_space<hbm>>
      %dma_wait3A_96 = tpu.memref_squeeze %dma_wait3A_95 : memref<1x128x128xf32, #tpu.memory_space<hbm>> -> memref<128x128xf32, #tpu.memory_space<hbm>>
      tpu.wait_dma2 semaphore(%run_scoped3A : memref<!tpu.dma_semaphore, #tpu.memory_space<semaphore_mem>>) src(%arg6 : memref<128x128xf32, #tpu.memory_space<vmem>>) dst(%dma_wait3A_96 : memref<128x128xf32, #tpu.memory_space<hbm>>)
      tpu.yield
    }) : () -> ()
    %mul3A_71 = arith.constant 640 : i32
    %mul3A_72 = arith.muli %arg1, %mul3A_71 : i32
    %add3A_73 = arith.constant 384 : i32
    %add3A_74 = arith.addi %mul3A_72, %add3A_73 : i32
    "tpu.region"() ({
      %run_scoped3A = tpu.sem_alloc : memref<!tpu.dma_semaphore, #tpu.memory_space<semaphore_mem>>
      %dma_start3A = arith.constant 0 : i32
      %dma_start3A_87 = tpu.memref_slice %arg7[%add3A_74, %dma_start3A] : memref<10240x128xf32, #tpu.memory_space<vmem_shared>> -> memref<128x128xf32, #tpu.memory_space<vmem_shared>>
      %dma_start3A_88 = arith.constant 0 : i32
      %dma_start3A_89 = tpu.memref_slice %arg7[%add3A_74, %dma_start3A_88] : memref<10240x128xf32, #tpu.memory_space<vmem_shared>> -> memref<128x128xf32, #tpu.memory_space<vmem_shared>>
      tpu.enqueue_dma source(%dma_start3A_89 : memref<128x128xf32, #tpu.memory_space<vmem_shared>>) target(%arg6 : memref<128x128xf32, #tpu.memory_space<vmem>>) target_semaphore(%run_scoped3A : memref<!tpu.dma_semaphore, #tpu.memory_space<semaphore_mem>>)
      %dma_wait3A = arith.constant 0 : i32
      %dma_wait3A_90 = tpu.memref_slice %arg7[%add3A_74, %dma_wait3A] : memref<10240x128xf32, #tpu.memory_space<vmem_shared>> -> memref<128x128xf32, #tpu.memory_space<vmem_shared>>
      %dma_wait3A_91 = arith.constant 0 : i32
      %dma_wait3A_92 = tpu.memref_slice %arg7[%add3A_74, %dma_wait3A_91] : memref<10240x128xf32, #tpu.memory_space<vmem_shared>> -> memref<128x128xf32, #tpu.memory_space<vmem_shared>>
      tpu.wait_dma2 semaphore(%run_scoped3A : memref<!tpu.dma_semaphore, #tpu.memory_space<semaphore_mem>>) src(%dma_wait3A_92 : memref<128x128xf32, #tpu.memory_space<vmem_shared>>) dst(%arg6 : memref<128x128xf32, #tpu.memory_space<vmem>>)
      tpu.yield
    }) : () -> ()
    %mul3A_75 = arith.constant 640 : i32
    %mul3A_76 = arith.muli %arg1, %mul3A_75 : i32
    %add3A_77 = arith.constant 384 : i32
    %add3A_78 = arith.addi %mul3A_76, %add3A_77 : i32
    "tpu.region"() ({
      %run_scoped3A = tpu.sem_alloc : memref<!tpu.dma_semaphore, #tpu.memory_space<semaphore_mem>>
      %dma_start3A = arith.constant 0 : i32
      %dma_start3A_87 = tpu.memref_slice %arg3[%arg0, %add3A_78, %dma_start3A] : memref<2x10240x128xf32, #tpu.memory_space<hbm>> -> memref<1x128x128xf32, #tpu.memory_space<hbm>>
      %dma_start3A_88 = tpu.memref_squeeze %dma_start3A_87 : memref<1x128x128xf32, #tpu.memory_space<hbm>> -> memref<128x128xf32, #tpu.memory_space<hbm>>
      %dma_start3A_89 = arith.constant 0 : i32
      %dma_start3A_90 = tpu.memref_slice %arg3[%arg0, %add3A_78, %dma_start3A_89] : memref<2x10240x128xf32, #tpu.memory_space<hbm>> -> memref<1x128x128xf32, #tpu.memory_space<hbm>>
      %dma_start3A_91 = tpu.memref_squeeze %dma_start3A_90 : memref<1x128x128xf32, #tpu.memory_space<hbm>> -> memref<128x128xf32, #tpu.memory_space<hbm>>
      tpu.enqueue_dma source(%arg6 : memref<128x128xf32, #tpu.memory_space<vmem>>) target(%dma_start3A_91 : memref<128x128xf32, #tpu.memory_space<hbm>>) target_semaphore(%run_scoped3A : memref<!tpu.dma_semaphore, #tpu.memory_space<semaphore_mem>>)
      %dma_wait3A = arith.constant 0 : i32
      %dma_wait3A_92 = tpu.memref_slice %arg3[%arg0, %add3A_78, %dma_wait3A] : memref<2x10240x128xf32, #tpu.memory_space<hbm>> -> memref<1x128x128xf32, #tpu.memory_space<hbm>>
      %dma_wait3A_93 = tpu.memref_squeeze %dma_wait3A_92 : memref<1x128x128xf32, #tpu.memory_space<hbm>> -> memref<128x128xf32, #tpu.memory_space<hbm>>
      %dma_wait3A_94 = arith.constant 0 : i32
      %dma_wait3A_95 = tpu.memref_slice %arg3[%arg0, %add3A_78, %dma_wait3A_94] : memref<2x10240x128xf32, #tpu.memory_space<hbm>> -> memref<1x128x128xf32, #tpu.memory_space<hbm>>
      %dma_wait3A_96 = tpu.memref_squeeze %dma_wait3A_95 : memref<1x128x128xf32, #tpu.memory_space<hbm>> -> memref<128x128xf32, #tpu.memory_space<hbm>>
      tpu.wait_dma2 semaphore(%run_scoped3A : memref<!tpu.dma_semaphore, #tpu.memory_space<semaphore_mem>>) src(%arg6 : memref<128x128xf32, #tpu.memory_space<vmem>>) dst(%dma_wait3A_96 : memref<128x128xf32, #tpu.memory_space<hbm>>)
      tpu.yield
    }) : () -> ()
    %mul3A_79 = arith.constant 640 : i32
    %mul3A_80 = arith.muli %arg1, %mul3A_79 : i32
    %add3A_81 = arith.constant 512 : i32
    %add3A_82 = arith.addi %mul3A_80, %add3A_81 : i32
    "tpu.region"() ({
      %run_scoped3A = tpu.sem_alloc : memref<!tpu.dma_semaphore, #tpu.memory_space<semaphore_mem>>
      %dma_start3A = arith.constant 0 : i32
      %dma_start3A_87 = tpu.memref_slice %arg7[%add3A_82, %dma_start3A] : memref<10240x128xf32, #tpu.memory_space<vmem_shared>> -> memref<128x128xf32, #tpu.memory_space<vmem_shared>>
      %dma_start3A_88 = arith.constant 0 : i32
      %dma_start3A_89 = tpu.memref_slice %arg7[%add3A_82, %dma_start3A_88] : memref<10240x128xf32, #tpu.memory_space<vmem_shared>> -> memref<128x128xf32, #tpu.memory_space<vmem_shared>>
      tpu.enqueue_dma source(%dma_start3A_89 : memref<128x128xf32, #tpu.memory_space<vmem_shared>>) target(%arg6 : memref<128x128xf32, #tpu.memory_space<vmem>>) target_semaphore(%run_scoped3A : memref<!tpu.dma_semaphore, #tpu.memory_space<semaphore_mem>>)
      %dma_wait3A = arith.constant 0 : i32
      %dma_wait3A_90 = tpu.memref_slice %arg7[%add3A_82, %dma_wait3A] : memref<10240x128xf32, #tpu.memory_space<vmem_shared>> -> memref<128x128xf32, #tpu.memory_space<vmem_shared>>
      %dma_wait3A_91 = arith.constant 0 : i32
      %dma_wait3A_92 = tpu.memref_slice %arg7[%add3A_82, %dma_wait3A_91] : memref<10240x128xf32, #tpu.memory_space<vmem_shared>> -> memref<128x128xf32, #tpu.memory_space<vmem_shared>>
      tpu.wait_dma2 semaphore(%run_scoped3A : memref<!tpu.dma_semaphore, #tpu.memory_space<semaphore_mem>>) src(%dma_wait3A_92 : memref<128x128xf32, #tpu.memory_space<vmem_shared>>) dst(%arg6 : memref<128x128xf32, #tpu.memory_space<vmem>>)
      tpu.yield
    }) : () -> ()
    %mul3A_83 = arith.constant 640 : i32
    %mul3A_84 = arith.muli %arg1, %mul3A_83 : i32
    %add3A_85 = arith.constant 512 : i32
    %add3A_86 = arith.addi %mul3A_84, %add3A_85 : i32
    "tpu.region"() ({
      %run_scoped3A = tpu.sem_alloc : memref<!tpu.dma_semaphore, #tpu.memory_space<semaphore_mem>>
      %dma_start3A = arith.constant 0 : i32
      %dma_start3A_87 = tpu.memref_slice %arg3[%arg0, %add3A_86, %dma_start3A] : memref<2x10240x128xf32, #tpu.memory_space<hbm>> -> memref<1x128x128xf32, #tpu.memory_space<hbm>>
      %dma_start3A_88 = tpu.memref_squeeze %dma_start3A_87 : memref<1x128x128xf32, #tpu.memory_space<hbm>> -> memref<128x128xf32, #tpu.memory_space<hbm>>
      %dma_start3A_89 = arith.constant 0 : i32
      %dma_start3A_90 = tpu.memref_slice %arg3[%arg0, %add3A_86, %dma_start3A_89] : memref<2x10240x128xf32, #tpu.memory_space<hbm>> -> memref<1x128x128xf32, #tpu.memory_space<hbm>>
      %dma_start3A_91 = tpu.memref_squeeze %dma_start3A_90 : memref<1x128x128xf32, #tpu.memory_space<hbm>> -> memref<128x128xf32, #tpu.memory_space<hbm>>
      tpu.enqueue_dma source(%arg6 : memref<128x128xf32, #tpu.memory_space<vmem>>) target(%dma_start3A_91 : memref<128x128xf32, #tpu.memory_space<hbm>>) target_semaphore(%run_scoped3A : memref<!tpu.dma_semaphore, #tpu.memory_space<semaphore_mem>>)
      %dma_wait3A = arith.constant 0 : i32
      %dma_wait3A_92 = tpu.memref_slice %arg3[%arg0, %add3A_86, %dma_wait3A] : memref<2x10240x128xf32, #tpu.memory_space<hbm>> -> memref<1x128x128xf32, #tpu.memory_space<hbm>>
      %dma_wait3A_93 = tpu.memref_squeeze %dma_wait3A_92 : memref<1x128x128xf32, #tpu.memory_space<hbm>> -> memref<128x128xf32, #tpu.memory_space<hbm>>
      %dma_wait3A_94 = arith.constant 0 : i32
      %dma_wait3A_95 = tpu.memref_slice %arg3[%arg0, %add3A_86, %dma_wait3A_94] : memref<2x10240x128xf32, #tpu.memory_space<hbm>> -> memref<1x128x128xf32, #tpu.memory_space<hbm>>
      %dma_wait3A_96 = tpu.memref_squeeze %dma_wait3A_95 : memref<1x128x128xf32, #tpu.memory_space<hbm>> -> memref<128x128xf32, #tpu.memory_space<hbm>>
      tpu.wait_dma2 semaphore(%run_scoped3A : memref<!tpu.dma_semaphore, #tpu.memory_space<semaphore_mem>>) src(%arg6 : memref<128x128xf32, #tpu.memory_space<vmem>>) dst(%dma_wait3A_96 : memref<128x128xf32, #tpu.memory_space<hbm>>)
      tpu.yield
    }) : () -> ()
    return
  }
}

#map = affine_map<(d0, d1) -> (0, 0, 0)>
#map1 = affine_map<(d0, d1) -> (0, 0)>
module attributes {stable_mosaic.version = 14 : i64} {
  func.func @k(%arg0: i32, %arg1: i32, %arg2: memref<2x1280x128xi32, #tpu.memory_space<hbm>>, %arg3: memref<1280x128xi32, #tpu.memory_space<hbm>>, %arg4: memref<20480x128xf32, #tpu.memory_space<hbm>>, %arg5: memref<128x128xf32, #tpu.memory_space<hbm>>, %arg6: memref<2x10240x128xf32, #tpu.memory_space<hbm>>, %arg7: memref<40x128xi32, #tpu.memory_space<vmem>>, %arg8: memref<40x128xi32, #tpu.memory_space<vmem>>, %arg9: memref<128x128xf32, #tpu.memory_space<vmem>>, %arg10: memref<128x128xf32, #tpu.memory_space<vmem>>, %arg11: memref<10240x128xf32, #tpu.memory_space<vmem_shared>>, %arg12: memref<!tpu.dma_semaphore, #tpu.memory_space<semaphore_mem>>, %arg13: memref<!tpu.dma_semaphore, #tpu.memory_space<semaphore_mem>>) attributes {dimension_semantics = [#tpu.dimension_semantics<core_parallel>, #tpu.dimension_semantics<subcore_parallel>], iteration_bounds = array<i64: 2, 16>, scalar_prefetch = 0 : i64, scratch_operands = 7 : i64, tpu.core_type = #tpu.core_type<sc_vector_subcore>, window_params = [{transform_indices = #map}, {transform_indices = #map1}, {transform_indices = #map1}, {transform_indices = #map1}, {transform_indices = #map}]} {
    "tpu.region"() ({
      %run_scoped3A_135 = tpu.sem_alloc : memref<!tpu.dma_semaphore, #tpu.memory_space<semaphore_mem>>
      tpu.enqueue_dma source(%arg5 : memref<128x128xf32, #tpu.memory_space<hbm>>) target(%arg9 : memref<128x128xf32, #tpu.memory_space<vmem>>) target_semaphore(%run_scoped3A_135 : memref<!tpu.dma_semaphore, #tpu.memory_space<semaphore_mem>>)
      tpu.wait_dma2 semaphore(%run_scoped3A_135 : memref<!tpu.dma_semaphore, #tpu.memory_space<semaphore_mem>>) src(%arg5 : memref<128x128xf32, #tpu.memory_space<hbm>>) dst(%arg9 : memref<128x128xf32, #tpu.memory_space<vmem>>)
      tpu.yield
    }) : () -> ()
    %mul3A = arith.constant 640 : i32
    %mul3A_0 = arith.muli %arg1, %mul3A : i32
    %add3A = arith.constant 0 : i32
    %add3A_1 = arith.addi %mul3A_0, %add3A : i32
    "tpu.region"() ({
      %run_scoped3A_135 = tpu.sem_alloc : memref<!tpu.dma_semaphore, #tpu.memory_space<semaphore_mem>>
      %dma_start3A_136 = arith.constant 0 : i32
      %dma_start3A_137 = tpu.memref_slice %arg11[%add3A_1, %dma_start3A_136] : memref<10240x128xf32, #tpu.memory_space<vmem_shared>> -> memref<128x128xf32, #tpu.memory_space<vmem_shared>>
      %dma_start3A_138 = arith.constant 0 : i32
      %dma_start3A_139 = tpu.memref_slice %arg11[%add3A_1, %dma_start3A_138] : memref<10240x128xf32, #tpu.memory_space<vmem_shared>> -> memref<128x128xf32, #tpu.memory_space<vmem_shared>>
      tpu.enqueue_dma source(%arg9 : memref<128x128xf32, #tpu.memory_space<vmem>>) target(%dma_start3A_139 : memref<128x128xf32, #tpu.memory_space<vmem_shared>>) target_semaphore(%run_scoped3A_135 : memref<!tpu.dma_semaphore, #tpu.memory_space<semaphore_mem>>)
      %dma_wait3A_140 = arith.constant 0 : i32
      %dma_wait3A_141 = tpu.memref_slice %arg11[%add3A_1, %dma_wait3A_140] : memref<10240x128xf32, #tpu.memory_space<vmem_shared>> -> memref<128x128xf32, #tpu.memory_space<vmem_shared>>
      %dma_wait3A_142 = arith.constant 0 : i32
      %dma_wait3A_143 = tpu.memref_slice %arg11[%add3A_1, %dma_wait3A_142] : memref<10240x128xf32, #tpu.memory_space<vmem_shared>> -> memref<128x128xf32, #tpu.memory_space<vmem_shared>>
      tpu.wait_dma2 semaphore(%run_scoped3A_135 : memref<!tpu.dma_semaphore, #tpu.memory_space<semaphore_mem>>) src(%arg9 : memref<128x128xf32, #tpu.memory_space<vmem>>) dst(%dma_wait3A_143 : memref<128x128xf32, #tpu.memory_space<vmem_shared>>)
      tpu.yield
    }) : () -> ()
    %mul3A_2 = arith.constant 640 : i32
    %mul3A_3 = arith.muli %arg1, %mul3A_2 : i32
    %add3A_4 = arith.constant 128 : i32
    %add3A_5 = arith.addi %mul3A_3, %add3A_4 : i32
    "tpu.region"() ({
      %run_scoped3A_135 = tpu.sem_alloc : memref<!tpu.dma_semaphore, #tpu.memory_space<semaphore_mem>>
      %dma_start3A_136 = arith.constant 0 : i32
      %dma_start3A_137 = tpu.memref_slice %arg11[%add3A_5, %dma_start3A_136] : memref<10240x128xf32, #tpu.memory_space<vmem_shared>> -> memref<128x128xf32, #tpu.memory_space<vmem_shared>>
      %dma_start3A_138 = arith.constant 0 : i32
      %dma_start3A_139 = tpu.memref_slice %arg11[%add3A_5, %dma_start3A_138] : memref<10240x128xf32, #tpu.memory_space<vmem_shared>> -> memref<128x128xf32, #tpu.memory_space<vmem_shared>>
      tpu.enqueue_dma source(%arg9 : memref<128x128xf32, #tpu.memory_space<vmem>>) target(%dma_start3A_139 : memref<128x128xf32, #tpu.memory_space<vmem_shared>>) target_semaphore(%run_scoped3A_135 : memref<!tpu.dma_semaphore, #tpu.memory_space<semaphore_mem>>)
      %dma_wait3A_140 = arith.constant 0 : i32
      %dma_wait3A_141 = tpu.memref_slice %arg11[%add3A_5, %dma_wait3A_140] : memref<10240x128xf32, #tpu.memory_space<vmem_shared>> -> memref<128x128xf32, #tpu.memory_space<vmem_shared>>
      %dma_wait3A_142 = arith.constant 0 : i32
      %dma_wait3A_143 = tpu.memref_slice %arg11[%add3A_5, %dma_wait3A_142] : memref<10240x128xf32, #tpu.memory_space<vmem_shared>> -> memref<128x128xf32, #tpu.memory_space<vmem_shared>>
      tpu.wait_dma2 semaphore(%run_scoped3A_135 : memref<!tpu.dma_semaphore, #tpu.memory_space<semaphore_mem>>) src(%arg9 : memref<128x128xf32, #tpu.memory_space<vmem>>) dst(%dma_wait3A_143 : memref<128x128xf32, #tpu.memory_space<vmem_shared>>)
      tpu.yield
    }) : () -> ()
    %mul3A_6 = arith.constant 640 : i32
    %mul3A_7 = arith.muli %arg1, %mul3A_6 : i32
    %add3A_8 = arith.constant 256 : i32
    %add3A_9 = arith.addi %mul3A_7, %add3A_8 : i32
    "tpu.region"() ({
      %run_scoped3A_135 = tpu.sem_alloc : memref<!tpu.dma_semaphore, #tpu.memory_space<semaphore_mem>>
      %dma_start3A_136 = arith.constant 0 : i32
      %dma_start3A_137 = tpu.memref_slice %arg11[%add3A_9, %dma_start3A_136] : memref<10240x128xf32, #tpu.memory_space<vmem_shared>> -> memref<128x128xf32, #tpu.memory_space<vmem_shared>>
      %dma_start3A_138 = arith.constant 0 : i32
      %dma_start3A_139 = tpu.memref_slice %arg11[%add3A_9, %dma_start3A_138] : memref<10240x128xf32, #tpu.memory_space<vmem_shared>> -> memref<128x128xf32, #tpu.memory_space<vmem_shared>>
      tpu.enqueue_dma source(%arg9 : memref<128x128xf32, #tpu.memory_space<vmem>>) target(%dma_start3A_139 : memref<128x128xf32, #tpu.memory_space<vmem_shared>>) target_semaphore(%run_scoped3A_135 : memref<!tpu.dma_semaphore, #tpu.memory_space<semaphore_mem>>)
      %dma_wait3A_140 = arith.constant 0 : i32
      %dma_wait3A_141 = tpu.memref_slice %arg11[%add3A_9, %dma_wait3A_140] : memref<10240x128xf32, #tpu.memory_space<vmem_shared>> -> memref<128x128xf32, #tpu.memory_space<vmem_shared>>
      %dma_wait3A_142 = arith.constant 0 : i32
      %dma_wait3A_143 = tpu.memref_slice %arg11[%add3A_9, %dma_wait3A_142] : memref<10240x128xf32, #tpu.memory_space<vmem_shared>> -> memref<128x128xf32, #tpu.memory_space<vmem_shared>>
      tpu.wait_dma2 semaphore(%run_scoped3A_135 : memref<!tpu.dma_semaphore, #tpu.memory_space<semaphore_mem>>) src(%arg9 : memref<128x128xf32, #tpu.memory_space<vmem>>) dst(%dma_wait3A_143 : memref<128x128xf32, #tpu.memory_space<vmem_shared>>)
      tpu.yield
    }) : () -> ()
    %mul3A_10 = arith.constant 640 : i32
    %mul3A_11 = arith.muli %arg1, %mul3A_10 : i32
    %add3A_12 = arith.constant 384 : i32
    %add3A_13 = arith.addi %mul3A_11, %add3A_12 : i32
    "tpu.region"() ({
      %run_scoped3A_135 = tpu.sem_alloc : memref<!tpu.dma_semaphore, #tpu.memory_space<semaphore_mem>>
      %dma_start3A_136 = arith.constant 0 : i32
      %dma_start3A_137 = tpu.memref_slice %arg11[%add3A_13, %dma_start3A_136] : memref<10240x128xf32, #tpu.memory_space<vmem_shared>> -> memref<128x128xf32, #tpu.memory_space<vmem_shared>>
      %dma_start3A_138 = arith.constant 0 : i32
      %dma_start3A_139 = tpu.memref_slice %arg11[%add3A_13, %dma_start3A_138] : memref<10240x128xf32, #tpu.memory_space<vmem_shared>> -> memref<128x128xf32, #tpu.memory_space<vmem_shared>>
      tpu.enqueue_dma source(%arg9 : memref<128x128xf32, #tpu.memory_space<vmem>>) target(%dma_start3A_139 : memref<128x128xf32, #tpu.memory_space<vmem_shared>>) target_semaphore(%run_scoped3A_135 : memref<!tpu.dma_semaphore, #tpu.memory_space<semaphore_mem>>)
      %dma_wait3A_140 = arith.constant 0 : i32
      %dma_wait3A_141 = tpu.memref_slice %arg11[%add3A_13, %dma_wait3A_140] : memref<10240x128xf32, #tpu.memory_space<vmem_shared>> -> memref<128x128xf32, #tpu.memory_space<vmem_shared>>
      %dma_wait3A_142 = arith.constant 0 : i32
      %dma_wait3A_143 = tpu.memref_slice %arg11[%add3A_13, %dma_wait3A_142] : memref<10240x128xf32, #tpu.memory_space<vmem_shared>> -> memref<128x128xf32, #tpu.memory_space<vmem_shared>>
      tpu.wait_dma2 semaphore(%run_scoped3A_135 : memref<!tpu.dma_semaphore, #tpu.memory_space<semaphore_mem>>) src(%arg9 : memref<128x128xf32, #tpu.memory_space<vmem>>) dst(%dma_wait3A_143 : memref<128x128xf32, #tpu.memory_space<vmem_shared>>)
      tpu.yield
    }) : () -> ()
    %mul3A_14 = arith.constant 640 : i32
    %mul3A_15 = arith.muli %arg1, %mul3A_14 : i32
    %add3A_16 = arith.constant 512 : i32
    %add3A_17 = arith.addi %mul3A_15, %add3A_16 : i32
    "tpu.region"() ({
      %run_scoped3A_135 = tpu.sem_alloc : memref<!tpu.dma_semaphore, #tpu.memory_space<semaphore_mem>>
      %dma_start3A_136 = arith.constant 0 : i32
      %dma_start3A_137 = tpu.memref_slice %arg11[%add3A_17, %dma_start3A_136] : memref<10240x128xf32, #tpu.memory_space<vmem_shared>> -> memref<128x128xf32, #tpu.memory_space<vmem_shared>>
      %dma_start3A_138 = arith.constant 0 : i32
      %dma_start3A_139 = tpu.memref_slice %arg11[%add3A_17, %dma_start3A_138] : memref<10240x128xf32, #tpu.memory_space<vmem_shared>> -> memref<128x128xf32, #tpu.memory_space<vmem_shared>>
      tpu.enqueue_dma source(%arg9 : memref<128x128xf32, #tpu.memory_space<vmem>>) target(%dma_start3A_139 : memref<128x128xf32, #tpu.memory_space<vmem_shared>>) target_semaphore(%run_scoped3A_135 : memref<!tpu.dma_semaphore, #tpu.memory_space<semaphore_mem>>)
      %dma_wait3A_140 = arith.constant 0 : i32
      %dma_wait3A_141 = tpu.memref_slice %arg11[%add3A_17, %dma_wait3A_140] : memref<10240x128xf32, #tpu.memory_space<vmem_shared>> -> memref<128x128xf32, #tpu.memory_space<vmem_shared>>
      %dma_wait3A_142 = arith.constant 0 : i32
      %dma_wait3A_143 = tpu.memref_slice %arg11[%add3A_17, %dma_wait3A_142] : memref<10240x128xf32, #tpu.memory_space<vmem_shared>> -> memref<128x128xf32, #tpu.memory_space<vmem_shared>>
      tpu.wait_dma2 semaphore(%run_scoped3A_135 : memref<!tpu.dma_semaphore, #tpu.memory_space<semaphore_mem>>) src(%arg9 : memref<128x128xf32, #tpu.memory_space<vmem>>) dst(%dma_wait3A_143 : memref<128x128xf32, #tpu.memory_space<vmem_shared>>)
      tpu.yield
    }) : () -> ()
    %barrier3A = arith.constant 0 : index
    tpu.barrier barrier_id(%barrier3A)
    %mul3A_18 = arith.constant 80 : i32
    %mul3A_19 = arith.muli %arg1, %mul3A_18 : i32
    %add3A_20 = arith.constant 0 : i32
    %add3A_21 = arith.addi %mul3A_19, %add3A_20 : i32
    "tpu.region"() ({
      %run_scoped3A_135 = tpu.sem_alloc : memref<!tpu.dma_semaphore, #tpu.memory_space<semaphore_mem>>
      %dma_start3A_136 = arith.constant 0 : i32
      %dma_start3A_137 = tpu.memref_slice %arg2[%arg0, %add3A_21, %dma_start3A_136] : memref<2x1280x128xi32, #tpu.memory_space<hbm>> -> memref<1x40x128xi32, #tpu.memory_space<hbm>>
      %dma_start3A_138 = tpu.memref_squeeze %dma_start3A_137 : memref<1x40x128xi32, #tpu.memory_space<hbm>> -> memref<40x128xi32, #tpu.memory_space<hbm>>
      %dma_start3A_139 = arith.constant 0 : i32
      %dma_start3A_140 = tpu.memref_slice %arg2[%arg0, %add3A_21, %dma_start3A_139] : memref<2x1280x128xi32, #tpu.memory_space<hbm>> -> memref<1x40x128xi32, #tpu.memory_space<hbm>>
      %dma_start3A_141 = tpu.memref_squeeze %dma_start3A_140 : memref<1x40x128xi32, #tpu.memory_space<hbm>> -> memref<40x128xi32, #tpu.memory_space<hbm>>
      tpu.enqueue_dma source(%dma_start3A_141 : memref<40x128xi32, #tpu.memory_space<hbm>>) target(%arg7 : memref<40x128xi32, #tpu.memory_space<vmem>>) target_semaphore(%run_scoped3A_135 : memref<!tpu.dma_semaphore, #tpu.memory_space<semaphore_mem>>)
      %dma_wait3A_142 = arith.constant 0 : i32
      %dma_wait3A_143 = tpu.memref_slice %arg2[%arg0, %add3A_21, %dma_wait3A_142] : memref<2x1280x128xi32, #tpu.memory_space<hbm>> -> memref<1x40x128xi32, #tpu.memory_space<hbm>>
      %dma_wait3A_144 = tpu.memref_squeeze %dma_wait3A_143 : memref<1x40x128xi32, #tpu.memory_space<hbm>> -> memref<40x128xi32, #tpu.memory_space<hbm>>
      %dma_wait3A_145 = arith.constant 0 : i32
      %dma_wait3A_146 = tpu.memref_slice %arg2[%arg0, %add3A_21, %dma_wait3A_145] : memref<2x1280x128xi32, #tpu.memory_space<hbm>> -> memref<1x40x128xi32, #tpu.memory_space<hbm>>
      %dma_wait3A_147 = tpu.memref_squeeze %dma_wait3A_146 : memref<1x40x128xi32, #tpu.memory_space<hbm>> -> memref<40x128xi32, #tpu.memory_space<hbm>>
      tpu.wait_dma2 semaphore(%run_scoped3A_135 : memref<!tpu.dma_semaphore, #tpu.memory_space<semaphore_mem>>) src(%dma_wait3A_147 : memref<40x128xi32, #tpu.memory_space<hbm>>) dst(%arg7 : memref<40x128xi32, #tpu.memory_space<vmem>>)
      tpu.yield
    }) : () -> ()
    "tpu.region"() ({
      %run_scoped3A_135 = tpu.sem_alloc : memref<!tpu.dma_semaphore, #tpu.memory_space<semaphore_mem>>
      %dma_start3A_136 = arith.constant 0 : i32
      %dma_start3A_137 = tpu.memref_slice %arg3[%add3A_21, %dma_start3A_136] : memref<1280x128xi32, #tpu.memory_space<hbm>> -> memref<40x128xi32, #tpu.memory_space<hbm>>
      %dma_start3A_138 = arith.constant 0 : i32
      %dma_start3A_139 = tpu.memref_slice %arg3[%add3A_21, %dma_start3A_138] : memref<1280x128xi32, #tpu.memory_space<hbm>> -> memref<40x128xi32, #tpu.memory_space<hbm>>
      tpu.enqueue_dma source(%dma_start3A_139 : memref<40x128xi32, #tpu.memory_space<hbm>>) target(%arg8 : memref<40x128xi32, #tpu.memory_space<vmem>>) target_semaphore(%run_scoped3A_135 : memref<!tpu.dma_semaphore, #tpu.memory_space<semaphore_mem>>)
      %dma_wait3A_140 = arith.constant 0 : i32
      %dma_wait3A_141 = tpu.memref_slice %arg3[%add3A_21, %dma_wait3A_140] : memref<1280x128xi32, #tpu.memory_space<hbm>> -> memref<40x128xi32, #tpu.memory_space<hbm>>
      %dma_wait3A_142 = arith.constant 0 : i32
      %dma_wait3A_143 = tpu.memref_slice %arg3[%add3A_21, %dma_wait3A_142] : memref<1280x128xi32, #tpu.memory_space<hbm>> -> memref<40x128xi32, #tpu.memory_space<hbm>>
      tpu.wait_dma2 semaphore(%run_scoped3A_135 : memref<!tpu.dma_semaphore, #tpu.memory_space<semaphore_mem>>) src(%dma_wait3A_143 : memref<40x128xi32, #tpu.memory_space<hbm>>) dst(%arg8 : memref<40x128xi32, #tpu.memory_space<vmem>>)
      tpu.yield
    }) : () -> ()
    %dma_start3A = arith.constant 0 : i32
    %dma_start3A_22 = arith.constant 0 : i32
    %dma_start3A_23 = tpu.memref_slice %arg7[%dma_start3A, %dma_start3A_22] : memref<40x128xi32, #tpu.memory_space<vmem>> -> memref<1x128xi32, #tpu.memory_space<vmem>>
    %dma_start3A_24 = tpu.memref_squeeze %dma_start3A_23 : memref<1x128xi32, #tpu.memory_space<vmem>> -> memref<128xi32, #tpu.memory_space<vmem>>
    %dma_start3A_25 = arith.constant 0 : i32
    %dma_start3A_26 = arith.constant 0 : i32
    %dma_start3A_27 = tpu.memref_slice %arg4[%dma_start3A_25, %dma_start3A_26] : memref<20480x128xf32, #tpu.memory_space<hbm>> -> memref<20480x128xf32, #tpu.memory_space<hbm>>
    tpu.enqueue_indirect_dma source(%dma_start3A_27 : memref<20480x128xf32, #tpu.memory_space<hbm>>) target(%arg9 : memref<128x128xf32, #tpu.memory_space<vmem>>) offsets(%dma_start3A_24 : memref<128xi32, #tpu.memory_space<vmem>>) semaphore(%arg12 : memref<!tpu.dma_semaphore, #tpu.memory_space<semaphore_mem>>)
    %scan3A = arith.constant 0 : i32
    %scan3A_28 = arith.constant 0 : i32
    %scan3A_29 = arith.constant 19 : i32
    %scan3A_30 = arith.addi %scan3A_28, %scan3A_29 : i32
    %scan3A_31 = arith.constant 1 : i32
    scf.for %scan3A_135 = %scan3A_28 to %scan3A_30 step %scan3A_31  : i32 {
      %mul3A_136 = arith.constant 2 : i32
      %mul3A_137 = arith.muli %mul3A_136, %scan3A_135 : i32
      %add3A_138 = arith.constant 1 : i32
      %add3A_139 = arith.addi %mul3A_137, %add3A_138 : i32
      %dma_start3A_140 = arith.constant 0 : i32
      %dma_start3A_141 = tpu.memref_slice %arg7[%add3A_139, %dma_start3A_140] : memref<40x128xi32, #tpu.memory_space<vmem>> -> memref<1x128xi32, #tpu.memory_space<vmem>>
      %dma_start3A_142 = tpu.memref_squeeze %dma_start3A_141 : memref<1x128xi32, #tpu.memory_space<vmem>> -> memref<128xi32, #tpu.memory_space<vmem>>
      %dma_start3A_143 = arith.constant 0 : i32
      %dma_start3A_144 = arith.constant 0 : i32
      %dma_start3A_145 = tpu.memref_slice %arg4[%dma_start3A_143, %dma_start3A_144] : memref<20480x128xf32, #tpu.memory_space<hbm>> -> memref<20480x128xf32, #tpu.memory_space<hbm>>
      tpu.enqueue_indirect_dma source(%dma_start3A_145 : memref<20480x128xf32, #tpu.memory_space<hbm>>) target(%arg10 : memref<128x128xf32, #tpu.memory_space<vmem>>) offsets(%dma_start3A_142 : memref<128xi32, #tpu.memory_space<vmem>>) semaphore(%arg13 : memref<!tpu.dma_semaphore, #tpu.memory_space<semaphore_mem>>)
      %dma_wait3A_146 = arith.constant 0 : i32
      %dma_wait3A_147 = tpu.memref_slice %arg7[%mul3A_137, %dma_wait3A_146] : memref<40x128xi32, #tpu.memory_space<vmem>> -> memref<1x128xi32, #tpu.memory_space<vmem>>
      %dma_wait3A_148 = tpu.memref_squeeze %dma_wait3A_147 : memref<1x128xi32, #tpu.memory_space<vmem>> -> memref<128xi32, #tpu.memory_space<vmem>>
      %dma_wait3A_149 = arith.constant 0 : i32
      %dma_wait3A_150 = arith.constant 0 : i32
      %dma_wait3A_151 = tpu.memref_slice %arg4[%dma_wait3A_149, %dma_wait3A_150] : memref<20480x128xf32, #tpu.memory_space<hbm>> -> memref<20480x128xf32, #tpu.memory_space<hbm>>
      tpu.wait_indirect_dma semaphore(%arg12 : memref<!tpu.dma_semaphore, #tpu.memory_space<semaphore_mem>>) src(%dma_wait3A_151 : memref<20480x128xf32, #tpu.memory_space<hbm>>) dst(%arg9 : memref<128x128xf32, #tpu.memory_space<vmem>>)
      "tpu.region"() ({
        %run_scoped3A_170 = tpu.sem_alloc : memref<!tpu.dma_semaphore, #tpu.memory_space<semaphore_mem>>
        %dma_start3A_171 = arith.constant 0 : i32
        %dma_start3A_172 = tpu.memref_slice %arg8[%mul3A_137, %dma_start3A_171] : memref<40x128xi32, #tpu.memory_space<vmem>> -> memref<1x128xi32, #tpu.memory_space<vmem>>
        %dma_start3A_173 = tpu.memref_squeeze %dma_start3A_172 : memref<1x128xi32, #tpu.memory_space<vmem>> -> memref<128xi32, #tpu.memory_space<vmem>>
        %dma_start3A_174 = arith.constant 0 : i32
        %dma_start3A_175 = arith.constant 0 : i32
        %dma_start3A_176 = tpu.memref_slice %arg11[%dma_start3A_174, %dma_start3A_175] : memref<10240x128xf32, #tpu.memory_space<vmem_shared>> -> memref<10240x128xf32, #tpu.memory_space<vmem_shared>>
        tpu.enqueue_indirect_dma source(%arg9 : memref<128x128xf32, #tpu.memory_space<vmem>>) target(%dma_start3A_176 : memref<10240x128xf32, #tpu.memory_space<vmem_shared>>) offsets(%dma_start3A_173 : memref<128xi32, #tpu.memory_space<vmem>>) semaphore(%run_scoped3A_170 : memref<!tpu.dma_semaphore, #tpu.memory_space<semaphore_mem>>) {add = true}
        %dma_wait3A_177 = arith.constant 0 : i32
        %dma_wait3A_178 = tpu.memref_slice %arg8[%mul3A_137, %dma_wait3A_177] : memref<40x128xi32, #tpu.memory_space<vmem>> -> memref<1x128xi32, #tpu.memory_space<vmem>>
        %dma_wait3A_179 = tpu.memref_squeeze %dma_wait3A_178 : memref<1x128xi32, #tpu.memory_space<vmem>> -> memref<128xi32, #tpu.memory_space<vmem>>
        %dma_wait3A_180 = arith.constant 0 : i32
        %dma_wait3A_181 = arith.constant 0 : i32
        %dma_wait3A_182 = tpu.memref_slice %arg11[%dma_wait3A_180, %dma_wait3A_181] : memref<10240x128xf32, #tpu.memory_space<vmem_shared>> -> memref<10240x128xf32, #tpu.memory_space<vmem_shared>>
        tpu.wait_indirect_dma semaphore(%run_scoped3A_170 : memref<!tpu.dma_semaphore, #tpu.memory_space<semaphore_mem>>) src(%arg9 : memref<128x128xf32, #tpu.memory_space<vmem>>) dst(%dma_wait3A_182 : memref<10240x128xf32, #tpu.memory_space<vmem_shared>>)
        tpu.yield
      }) : () -> ()
      %add3A_152 = arith.constant 2 : i32
      %add3A_153 = arith.addi %mul3A_137, %add3A_152 : i32
      %dma_start3A_154 = arith.constant 0 : i32
      %dma_start3A_155 = tpu.memref_slice %arg7[%add3A_153, %dma_start3A_154] : memref<40x128xi32, #tpu.memory_space<vmem>> -> memref<1x128xi32, #tpu.memory_space<vmem>>
      %dma_start3A_156 = tpu.memref_squeeze %dma_start3A_155 : memref<1x128xi32, #tpu.memory_space<vmem>> -> memref<128xi32, #tpu.memory_space<vmem>>
      %dma_start3A_157 = arith.constant 0 : i32
      %dma_start3A_158 = arith.constant 0 : i32
      %dma_start3A_159 = tpu.memref_slice %arg4[%dma_start3A_157, %dma_start3A_158] : memref<20480x128xf32, #tpu.memory_space<hbm>> -> memref<20480x128xf32, #tpu.memory_space<hbm>>
      tpu.enqueue_indirect_dma source(%dma_start3A_159 : memref<20480x128xf32, #tpu.memory_space<hbm>>) target(%arg9 : memref<128x128xf32, #tpu.memory_space<vmem>>) offsets(%dma_start3A_156 : memref<128xi32, #tpu.memory_space<vmem>>) semaphore(%arg12 : memref<!tpu.dma_semaphore, #tpu.memory_space<semaphore_mem>>)
      %add3A_160 = arith.constant 1 : i32
      %add3A_161 = arith.addi %mul3A_137, %add3A_160 : i32
      %dma_wait3A_162 = arith.constant 0 : i32
      %dma_wait3A_163 = tpu.memref_slice %arg7[%add3A_161, %dma_wait3A_162] : memref<40x128xi32, #tpu.memory_space<vmem>> -> memref<1x128xi32, #tpu.memory_space<vmem>>
      %dma_wait3A_164 = tpu.memref_squeeze %dma_wait3A_163 : memref<1x128xi32, #tpu.memory_space<vmem>> -> memref<128xi32, #tpu.memory_space<vmem>>
      %dma_wait3A_165 = arith.constant 0 : i32
      %dma_wait3A_166 = arith.constant 0 : i32
      %dma_wait3A_167 = tpu.memref_slice %arg4[%dma_wait3A_165, %dma_wait3A_166] : memref<20480x128xf32, #tpu.memory_space<hbm>> -> memref<20480x128xf32, #tpu.memory_space<hbm>>
      tpu.wait_indirect_dma semaphore(%arg13 : memref<!tpu.dma_semaphore, #tpu.memory_space<semaphore_mem>>) src(%dma_wait3A_167 : memref<20480x128xf32, #tpu.memory_space<hbm>>) dst(%arg10 : memref<128x128xf32, #tpu.memory_space<vmem>>)
      %add3A_168 = arith.constant 1 : i32
      %add3A_169 = arith.addi %mul3A_137, %add3A_168 : i32
      "tpu.region"() ({
        %run_scoped3A_170 = tpu.sem_alloc : memref<!tpu.dma_semaphore, #tpu.memory_space<semaphore_mem>>
        %dma_start3A_171 = arith.constant 0 : i32
        %dma_start3A_172 = tpu.memref_slice %arg8[%add3A_169, %dma_start3A_171] : memref<40x128xi32, #tpu.memory_space<vmem>> -> memref<1x128xi32, #tpu.memory_space<vmem>>
        %dma_start3A_173 = tpu.memref_squeeze %dma_start3A_172 : memref<1x128xi32, #tpu.memory_space<vmem>> -> memref<128xi32, #tpu.memory_space<vmem>>
        %dma_start3A_174 = arith.constant 0 : i32
        %dma_start3A_175 = arith.constant 0 : i32
        %dma_start3A_176 = tpu.memref_slice %arg11[%dma_start3A_174, %dma_start3A_175] : memref<10240x128xf32, #tpu.memory_space<vmem_shared>> -> memref<10240x128xf32, #tpu.memory_space<vmem_shared>>
        tpu.enqueue_indirect_dma source(%arg10 : memref<128x128xf32, #tpu.memory_space<vmem>>) target(%dma_start3A_176 : memref<10240x128xf32, #tpu.memory_space<vmem_shared>>) offsets(%dma_start3A_173 : memref<128xi32, #tpu.memory_space<vmem>>) semaphore(%run_scoped3A_170 : memref<!tpu.dma_semaphore, #tpu.memory_space<semaphore_mem>>) {add = true}
        %dma_wait3A_177 = arith.constant 0 : i32
        %dma_wait3A_178 = tpu.memref_slice %arg8[%add3A_169, %dma_wait3A_177] : memref<40x128xi32, #tpu.memory_space<vmem>> -> memref<1x128xi32, #tpu.memory_space<vmem>>
        %dma_wait3A_179 = tpu.memref_squeeze %dma_wait3A_178 : memref<1x128xi32, #tpu.memory_space<vmem>> -> memref<128xi32, #tpu.memory_space<vmem>>
        %dma_wait3A_180 = arith.constant 0 : i32
        %dma_wait3A_181 = arith.constant 0 : i32
        %dma_wait3A_182 = tpu.memref_slice %arg11[%dma_wait3A_180, %dma_wait3A_181] : memref<10240x128xf32, #tpu.memory_space<vmem_shared>> -> memref<10240x128xf32, #tpu.memory_space<vmem_shared>>
        tpu.wait_indirect_dma semaphore(%run_scoped3A_170 : memref<!tpu.dma_semaphore, #tpu.memory_space<semaphore_mem>>) src(%arg10 : memref<128x128xf32, #tpu.memory_space<vmem>>) dst(%dma_wait3A_182 : memref<10240x128xf32, #tpu.memory_space<vmem_shared>>)
        tpu.yield
      }) : () -> ()
    }
    %scan3A_32 = arith.constant 19 : i32
    %dma_start3A_33 = arith.constant 39 : i32
    %dma_start3A_34 = arith.constant 0 : i32
    %dma_start3A_35 = tpu.memref_slice %arg7[%dma_start3A_33, %dma_start3A_34] : memref<40x128xi32, #tpu.memory_space<vmem>> -> memref<1x128xi32, #tpu.memory_space<vmem>>
    %dma_start3A_36 = tpu.memref_squeeze %dma_start3A_35 : memref<1x128xi32, #tpu.memory_space<vmem>> -> memref<128xi32, #tpu.memory_space<vmem>>
    %dma_start3A_37 = arith.constant 0 : i32
    %dma_start3A_38 = arith.constant 0 : i32
    %dma_start3A_39 = tpu.memref_slice %arg4[%dma_start3A_37, %dma_start3A_38] : memref<20480x128xf32, #tpu.memory_space<hbm>> -> memref<20480x128xf32, #tpu.memory_space<hbm>>
    tpu.enqueue_indirect_dma source(%dma_start3A_39 : memref<20480x128xf32, #tpu.memory_space<hbm>>) target(%arg10 : memref<128x128xf32, #tpu.memory_space<vmem>>) offsets(%dma_start3A_36 : memref<128xi32, #tpu.memory_space<vmem>>) semaphore(%arg13 : memref<!tpu.dma_semaphore, #tpu.memory_space<semaphore_mem>>)
    %dma_wait3A = arith.constant 38 : i32
    %dma_wait3A_40 = arith.constant 0 : i32
    %dma_wait3A_41 = tpu.memref_slice %arg7[%dma_wait3A, %dma_wait3A_40] : memref<40x128xi32, #tpu.memory_space<vmem>> -> memref<1x128xi32, #tpu.memory_space<vmem>>
    %dma_wait3A_42 = tpu.memref_squeeze %dma_wait3A_41 : memref<1x128xi32, #tpu.memory_space<vmem>> -> memref<128xi32, #tpu.memory_space<vmem>>
    %dma_wait3A_43 = arith.constant 0 : i32
    %dma_wait3A_44 = arith.constant 0 : i32
    %dma_wait3A_45 = tpu.memref_slice %arg4[%dma_wait3A_43, %dma_wait3A_44] : memref<20480x128xf32, #tpu.memory_space<hbm>> -> memref<20480x128xf32, #tpu.memory_space<hbm>>
    tpu.wait_indirect_dma semaphore(%arg12 : memref<!tpu.dma_semaphore, #tpu.memory_space<semaphore_mem>>) src(%dma_wait3A_45 : memref<20480x128xf32, #tpu.memory_space<hbm>>) dst(%arg9 : memref<128x128xf32, #tpu.memory_space<vmem>>)
    %run_scoped3A = arith.constant 38 : i32
    "tpu.region"() ({
      %run_scoped3A_135 = tpu.sem_alloc : memref<!tpu.dma_semaphore, #tpu.memory_space<semaphore_mem>>
      %dma_start3A_136 = arith.constant 0 : i32
      %dma_start3A_137 = tpu.memref_slice %arg8[%run_scoped3A, %dma_start3A_136] : memref<40x128xi32, #tpu.memory_space<vmem>> -> memref<1x128xi32, #tpu.memory_space<vmem>>
      %dma_start3A_138 = tpu.memref_squeeze %dma_start3A_137 : memref<1x128xi32, #tpu.memory_space<vmem>> -> memref<128xi32, #tpu.memory_space<vmem>>
      %dma_start3A_139 = arith.constant 0 : i32
      %dma_start3A_140 = arith.constant 0 : i32
      %dma_start3A_141 = tpu.memref_slice %arg11[%dma_start3A_139, %dma_start3A_140] : memref<10240x128xf32, #tpu.memory_space<vmem_shared>> -> memref<10240x128xf32, #tpu.memory_space<vmem_shared>>
      tpu.enqueue_indirect_dma source(%arg9 : memref<128x128xf32, #tpu.memory_space<vmem>>) target(%dma_start3A_141 : memref<10240x128xf32, #tpu.memory_space<vmem_shared>>) offsets(%dma_start3A_138 : memref<128xi32, #tpu.memory_space<vmem>>) semaphore(%run_scoped3A_135 : memref<!tpu.dma_semaphore, #tpu.memory_space<semaphore_mem>>) {add = true}
      %dma_wait3A_142 = arith.constant 0 : i32
      %dma_wait3A_143 = tpu.memref_slice %arg8[%run_scoped3A, %dma_wait3A_142] : memref<40x128xi32, #tpu.memory_space<vmem>> -> memref<1x128xi32, #tpu.memory_space<vmem>>
      %dma_wait3A_144 = tpu.memref_squeeze %dma_wait3A_143 : memref<1x128xi32, #tpu.memory_space<vmem>> -> memref<128xi32, #tpu.memory_space<vmem>>
      %dma_wait3A_145 = arith.constant 0 : i32
      %dma_wait3A_146 = arith.constant 0 : i32
      %dma_wait3A_147 = tpu.memref_slice %arg11[%dma_wait3A_145, %dma_wait3A_146] : memref<10240x128xf32, #tpu.memory_space<vmem_shared>> -> memref<10240x128xf32, #tpu.memory_space<vmem_shared>>
      tpu.wait_indirect_dma semaphore(%run_scoped3A_135 : memref<!tpu.dma_semaphore, #tpu.memory_space<semaphore_mem>>) src(%arg9 : memref<128x128xf32, #tpu.memory_space<vmem>>) dst(%dma_wait3A_147 : memref<10240x128xf32, #tpu.memory_space<vmem_shared>>)
      tpu.yield
    }) : () -> ()
    %dma_wait3A_46 = arith.constant 39 : i32
    %dma_wait3A_47 = arith.constant 0 : i32
    %dma_wait3A_48 = tpu.memref_slice %arg7[%dma_wait3A_46, %dma_wait3A_47] : memref<40x128xi32, #tpu.memory_space<vmem>> -> memref<1x128xi32, #tpu.memory_space<vmem>>
    %dma_wait3A_49 = tpu.memref_squeeze %dma_wait3A_48 : memref<1x128xi32, #tpu.memory_space<vmem>> -> memref<128xi32, #tpu.memory_space<vmem>>
    %dma_wait3A_50 = arith.constant 0 : i32
    %dma_wait3A_51 = arith.constant 0 : i32
    %dma_wait3A_52 = tpu.memref_slice %arg4[%dma_wait3A_50, %dma_wait3A_51] : memref<20480x128xf32, #tpu.memory_space<hbm>> -> memref<20480x128xf32, #tpu.memory_space<hbm>>
    tpu.wait_indirect_dma semaphore(%arg13 : memref<!tpu.dma_semaphore, #tpu.memory_space<semaphore_mem>>) src(%dma_wait3A_52 : memref<20480x128xf32, #tpu.memory_space<hbm>>) dst(%arg10 : memref<128x128xf32, #tpu.memory_space<vmem>>)
    %run_scoped3A_53 = arith.constant 39 : i32
    "tpu.region"() ({
      %run_scoped3A_135 = tpu.sem_alloc : memref<!tpu.dma_semaphore, #tpu.memory_space<semaphore_mem>>
      %dma_start3A_136 = arith.constant 0 : i32
      %dma_start3A_137 = tpu.memref_slice %arg8[%run_scoped3A_53, %dma_start3A_136] : memref<40x128xi32, #tpu.memory_space<vmem>> -> memref<1x128xi32, #tpu.memory_space<vmem>>
      %dma_start3A_138 = tpu.memref_squeeze %dma_start3A_137 : memref<1x128xi32, #tpu.memory_space<vmem>> -> memref<128xi32, #tpu.memory_space<vmem>>
      %dma_start3A_139 = arith.constant 0 : i32
      %dma_start3A_140 = arith.constant 0 : i32
      %dma_start3A_141 = tpu.memref_slice %arg11[%dma_start3A_139, %dma_start3A_140] : memref<10240x128xf32, #tpu.memory_space<vmem_shared>> -> memref<10240x128xf32, #tpu.memory_space<vmem_shared>>
      tpu.enqueue_indirect_dma source(%arg10 : memref<128x128xf32, #tpu.memory_space<vmem>>) target(%dma_start3A_141 : memref<10240x128xf32, #tpu.memory_space<vmem_shared>>) offsets(%dma_start3A_138 : memref<128xi32, #tpu.memory_space<vmem>>) semaphore(%run_scoped3A_135 : memref<!tpu.dma_semaphore, #tpu.memory_space<semaphore_mem>>) {add = true}
      %dma_wait3A_142 = arith.constant 0 : i32
      %dma_wait3A_143 = tpu.memref_slice %arg8[%run_scoped3A_53, %dma_wait3A_142] : memref<40x128xi32, #tpu.memory_space<vmem>> -> memref<1x128xi32, #tpu.memory_space<vmem>>
      %dma_wait3A_144 = tpu.memref_squeeze %dma_wait3A_143 : memref<1x128xi32, #tpu.memory_space<vmem>> -> memref<128xi32, #tpu.memory_space<vmem>>
      %dma_wait3A_145 = arith.constant 0 : i32
      %dma_wait3A_146 = arith.constant 0 : i32
      %dma_wait3A_147 = tpu.memref_slice %arg11[%dma_wait3A_145, %dma_wait3A_146] : memref<10240x128xf32, #tpu.memory_space<vmem_shared>> -> memref<10240x128xf32, #tpu.memory_space<vmem_shared>>
      tpu.wait_indirect_dma semaphore(%run_scoped3A_135 : memref<!tpu.dma_semaphore, #tpu.memory_space<semaphore_mem>>) src(%arg10 : memref<128x128xf32, #tpu.memory_space<vmem>>) dst(%dma_wait3A_147 : memref<10240x128xf32, #tpu.memory_space<vmem_shared>>)
      tpu.yield
    }) : () -> ()
    %mul3A_54 = arith.constant 80 : i32
    %mul3A_55 = arith.muli %arg1, %mul3A_54 : i32
    %add3A_56 = arith.constant 40 : i32
    %add3A_57 = arith.addi %mul3A_55, %add3A_56 : i32
    "tpu.region"() ({
      %run_scoped3A_135 = tpu.sem_alloc : memref<!tpu.dma_semaphore, #tpu.memory_space<semaphore_mem>>
      %dma_start3A_136 = arith.constant 0 : i32
      %dma_start3A_137 = tpu.memref_slice %arg2[%arg0, %add3A_57, %dma_start3A_136] : memref<2x1280x128xi32, #tpu.memory_space<hbm>> -> memref<1x40x128xi32, #tpu.memory_space<hbm>>
      %dma_start3A_138 = tpu.memref_squeeze %dma_start3A_137 : memref<1x40x128xi32, #tpu.memory_space<hbm>> -> memref<40x128xi32, #tpu.memory_space<hbm>>
      %dma_start3A_139 = arith.constant 0 : i32
      %dma_start3A_140 = tpu.memref_slice %arg2[%arg0, %add3A_57, %dma_start3A_139] : memref<2x1280x128xi32, #tpu.memory_space<hbm>> -> memref<1x40x128xi32, #tpu.memory_space<hbm>>
      %dma_start3A_141 = tpu.memref_squeeze %dma_start3A_140 : memref<1x40x128xi32, #tpu.memory_space<hbm>> -> memref<40x128xi32, #tpu.memory_space<hbm>>
      tpu.enqueue_dma source(%dma_start3A_141 : memref<40x128xi32, #tpu.memory_space<hbm>>) target(%arg7 : memref<40x128xi32, #tpu.memory_space<vmem>>) target_semaphore(%run_scoped3A_135 : memref<!tpu.dma_semaphore, #tpu.memory_space<semaphore_mem>>)
      %dma_wait3A_142 = arith.constant 0 : i32
      %dma_wait3A_143 = tpu.memref_slice %arg2[%arg0, %add3A_57, %dma_wait3A_142] : memref<2x1280x128xi32, #tpu.memory_space<hbm>> -> memref<1x40x128xi32, #tpu.memory_space<hbm>>
      %dma_wait3A_144 = tpu.memref_squeeze %dma_wait3A_143 : memref<1x40x128xi32, #tpu.memory_space<hbm>> -> memref<40x128xi32, #tpu.memory_space<hbm>>
      %dma_wait3A_145 = arith.constant 0 : i32
      %dma_wait3A_146 = tpu.memref_slice %arg2[%arg0, %add3A_57, %dma_wait3A_145] : memref<2x1280x128xi32, #tpu.memory_space<hbm>> -> memref<1x40x128xi32, #tpu.memory_space<hbm>>
      %dma_wait3A_147 = tpu.memref_squeeze %dma_wait3A_146 : memref<1x40x128xi32, #tpu.memory_space<hbm>> -> memref<40x128xi32, #tpu.memory_space<hbm>>
      tpu.wait_dma2 semaphore(%run_scoped3A_135 : memref<!tpu.dma_semaphore, #tpu.memory_space<semaphore_mem>>) src(%dma_wait3A_147 : memref<40x128xi32, #tpu.memory_space<hbm>>) dst(%arg7 : memref<40x128xi32, #tpu.memory_space<vmem>>)
      tpu.yield
    }) : () -> ()
    "tpu.region"() ({
      %run_scoped3A_135 = tpu.sem_alloc : memref<!tpu.dma_semaphore, #tpu.memory_space<semaphore_mem>>
      %dma_start3A_136 = arith.constant 0 : i32
      %dma_start3A_137 = tpu.memref_slice %arg3[%add3A_57, %dma_start3A_136] : memref<1280x128xi32, #tpu.memory_space<hbm>> -> memref<40x128xi32, #tpu.memory_space<hbm>>
      %dma_start3A_138 = arith.constant 0 : i32
      %dma_start3A_139 = tpu.memref_slice %arg3[%add3A_57, %dma_start3A_138] : memref<1280x128xi32, #tpu.memory_space<hbm>> -> memref<40x128xi32, #tpu.memory_space<hbm>>
      tpu.enqueue_dma source(%dma_start3A_139 : memref<40x128xi32, #tpu.memory_space<hbm>>) target(%arg8 : memref<40x128xi32, #tpu.memory_space<vmem>>) target_semaphore(%run_scoped3A_135 : memref<!tpu.dma_semaphore, #tpu.memory_space<semaphore_mem>>)
      %dma_wait3A_140 = arith.constant 0 : i32
      %dma_wait3A_141 = tpu.memref_slice %arg3[%add3A_57, %dma_wait3A_140] : memref<1280x128xi32, #tpu.memory_space<hbm>> -> memref<40x128xi32, #tpu.memory_space<hbm>>
      %dma_wait3A_142 = arith.constant 0 : i32
      %dma_wait3A_143 = tpu.memref_slice %arg3[%add3A_57, %dma_wait3A_142] : memref<1280x128xi32, #tpu.memory_space<hbm>> -> memref<40x128xi32, #tpu.memory_space<hbm>>
      tpu.wait_dma2 semaphore(%run_scoped3A_135 : memref<!tpu.dma_semaphore, #tpu.memory_space<semaphore_mem>>) src(%dma_wait3A_143 : memref<40x128xi32, #tpu.memory_space<hbm>>) dst(%arg8 : memref<40x128xi32, #tpu.memory_space<vmem>>)
      tpu.yield
    }) : () -> ()
    %dma_start3A_58 = arith.constant 0 : i32
    %dma_start3A_59 = arith.constant 0 : i32
    %dma_start3A_60 = tpu.memref_slice %arg7[%dma_start3A_58, %dma_start3A_59] : memref<40x128xi32, #tpu.memory_space<vmem>> -> memref<1x128xi32, #tpu.memory_space<vmem>>
    %dma_start3A_61 = tpu.memref_squeeze %dma_start3A_60 : memref<1x128xi32, #tpu.memory_space<vmem>> -> memref<128xi32, #tpu.memory_space<vmem>>
    %dma_start3A_62 = arith.constant 0 : i32
    %dma_start3A_63 = arith.constant 0 : i32
    %dma_start3A_64 = tpu.memref_slice %arg4[%dma_start3A_62, %dma_start3A_63] : memref<20480x128xf32, #tpu.memory_space<hbm>> -> memref<20480x128xf32, #tpu.memory_space<hbm>>
    tpu.enqueue_indirect_dma source(%dma_start3A_64 : memref<20480x128xf32, #tpu.memory_space<hbm>>) target(%arg9 : memref<128x128xf32, #tpu.memory_space<vmem>>) offsets(%dma_start3A_61 : memref<128xi32, #tpu.memory_space<vmem>>) semaphore(%arg12 : memref<!tpu.dma_semaphore, #tpu.memory_space<semaphore_mem>>)
    %scan3A_65 = arith.constant 0 : i32
    %scan3A_66 = arith.constant 0 : i32
    %scan3A_67 = arith.constant 19 : i32
    %scan3A_68 = arith.addi %scan3A_66, %scan3A_67 : i32
    %scan3A_69 = arith.constant 1 : i32
    scf.for %scan3A_135 = %scan3A_66 to %scan3A_68 step %scan3A_69  : i32 {
      %mul3A_136 = arith.constant 2 : i32
      %mul3A_137 = arith.muli %mul3A_136, %scan3A_135 : i32
      %add3A_138 = arith.constant 1 : i32
      %add3A_139 = arith.addi %mul3A_137, %add3A_138 : i32
      %dma_start3A_140 = arith.constant 0 : i32
      %dma_start3A_141 = tpu.memref_slice %arg7[%add3A_139, %dma_start3A_140] : memref<40x128xi32, #tpu.memory_space<vmem>> -> memref<1x128xi32, #tpu.memory_space<vmem>>
      %dma_start3A_142 = tpu.memref_squeeze %dma_start3A_141 : memref<1x128xi32, #tpu.memory_space<vmem>> -> memref<128xi32, #tpu.memory_space<vmem>>
      %dma_start3A_143 = arith.constant 0 : i32
      %dma_start3A_144 = arith.constant 0 : i32
      %dma_start3A_145 = tpu.memref_slice %arg4[%dma_start3A_143, %dma_start3A_144] : memref<20480x128xf32, #tpu.memory_space<hbm>> -> memref<20480x128xf32, #tpu.memory_space<hbm>>
      tpu.enqueue_indirect_dma source(%dma_start3A_145 : memref<20480x128xf32, #tpu.memory_space<hbm>>) target(%arg10 : memref<128x128xf32, #tpu.memory_space<vmem>>) offsets(%dma_start3A_142 : memref<128xi32, #tpu.memory_space<vmem>>) semaphore(%arg13 : memref<!tpu.dma_semaphore, #tpu.memory_space<semaphore_mem>>)
      %dma_wait3A_146 = arith.constant 0 : i32
      %dma_wait3A_147 = tpu.memref_slice %arg7[%mul3A_137, %dma_wait3A_146] : memref<40x128xi32, #tpu.memory_space<vmem>> -> memref<1x128xi32, #tpu.memory_space<vmem>>
      %dma_wait3A_148 = tpu.memref_squeeze %dma_wait3A_147 : memref<1x128xi32, #tpu.memory_space<vmem>> -> memref<128xi32, #tpu.memory_space<vmem>>
      %dma_wait3A_149 = arith.constant 0 : i32
      %dma_wait3A_150 = arith.constant 0 : i32
      %dma_wait3A_151 = tpu.memref_slice %arg4[%dma_wait3A_149, %dma_wait3A_150] : memref<20480x128xf32, #tpu.memory_space<hbm>> -> memref<20480x128xf32, #tpu.memory_space<hbm>>
      tpu.wait_indirect_dma semaphore(%arg12 : memref<!tpu.dma_semaphore, #tpu.memory_space<semaphore_mem>>) src(%dma_wait3A_151 : memref<20480x128xf32, #tpu.memory_space<hbm>>) dst(%arg9 : memref<128x128xf32, #tpu.memory_space<vmem>>)
      "tpu.region"() ({
        %run_scoped3A_170 = tpu.sem_alloc : memref<!tpu.dma_semaphore, #tpu.memory_space<semaphore_mem>>
        %dma_start3A_171 = arith.constant 0 : i32
        %dma_start3A_172 = tpu.memref_slice %arg8[%mul3A_137, %dma_start3A_171] : memref<40x128xi32, #tpu.memory_space<vmem>> -> memref<1x128xi32, #tpu.memory_space<vmem>>
        %dma_start3A_173 = tpu.memref_squeeze %dma_start3A_172 : memref<1x128xi32, #tpu.memory_space<vmem>> -> memref<128xi32, #tpu.memory_space<vmem>>
        %dma_start3A_174 = arith.constant 0 : i32
        %dma_start3A_175 = arith.constant 0 : i32
        %dma_start3A_176 = tpu.memref_slice %arg11[%dma_start3A_174, %dma_start3A_175] : memref<10240x128xf32, #tpu.memory_space<vmem_shared>> -> memref<10240x128xf32, #tpu.memory_space<vmem_shared>>
        tpu.enqueue_indirect_dma source(%arg9 : memref<128x128xf32, #tpu.memory_space<vmem>>) target(%dma_start3A_176 : memref<10240x128xf32, #tpu.memory_space<vmem_shared>>) offsets(%dma_start3A_173 : memref<128xi32, #tpu.memory_space<vmem>>) semaphore(%run_scoped3A_170 : memref<!tpu.dma_semaphore, #tpu.memory_space<semaphore_mem>>) {add = true}
        %dma_wait3A_177 = arith.constant 0 : i32
        %dma_wait3A_178 = tpu.memref_slice %arg8[%mul3A_137, %dma_wait3A_177] : memref<40x128xi32, #tpu.memory_space<vmem>> -> memref<1x128xi32, #tpu.memory_space<vmem>>
        %dma_wait3A_179 = tpu.memref_squeeze %dma_wait3A_178 : memref<1x128xi32, #tpu.memory_space<vmem>> -> memref<128xi32, #tpu.memory_space<vmem>>
        %dma_wait3A_180 = arith.constant 0 : i32
        %dma_wait3A_181 = arith.constant 0 : i32
        %dma_wait3A_182 = tpu.memref_slice %arg11[%dma_wait3A_180, %dma_wait3A_181] : memref<10240x128xf32, #tpu.memory_space<vmem_shared>> -> memref<10240x128xf32, #tpu.memory_space<vmem_shared>>
        tpu.wait_indirect_dma semaphore(%run_scoped3A_170 : memref<!tpu.dma_semaphore, #tpu.memory_space<semaphore_mem>>) src(%arg9 : memref<128x128xf32, #tpu.memory_space<vmem>>) dst(%dma_wait3A_182 : memref<10240x128xf32, #tpu.memory_space<vmem_shared>>)
        tpu.yield
      }) : () -> ()
      %add3A_152 = arith.constant 2 : i32
      %add3A_153 = arith.addi %mul3A_137, %add3A_152 : i32
      %dma_start3A_154 = arith.constant 0 : i32
      %dma_start3A_155 = tpu.memref_slice %arg7[%add3A_153, %dma_start3A_154] : memref<40x128xi32, #tpu.memory_space<vmem>> -> memref<1x128xi32, #tpu.memory_space<vmem>>
      %dma_start3A_156 = tpu.memref_squeeze %dma_start3A_155 : memref<1x128xi32, #tpu.memory_space<vmem>> -> memref<128xi32, #tpu.memory_space<vmem>>
      %dma_start3A_157 = arith.constant 0 : i32
      %dma_start3A_158 = arith.constant 0 : i32
      %dma_start3A_159 = tpu.memref_slice %arg4[%dma_start3A_157, %dma_start3A_158] : memref<20480x128xf32, #tpu.memory_space<hbm>> -> memref<20480x128xf32, #tpu.memory_space<hbm>>
      tpu.enqueue_indirect_dma source(%dma_start3A_159 : memref<20480x128xf32, #tpu.memory_space<hbm>>) target(%arg9 : memref<128x128xf32, #tpu.memory_space<vmem>>) offsets(%dma_start3A_156 : memref<128xi32, #tpu.memory_space<vmem>>) semaphore(%arg12 : memref<!tpu.dma_semaphore, #tpu.memory_space<semaphore_mem>>)
      %add3A_160 = arith.constant 1 : i32
      %add3A_161 = arith.addi %mul3A_137, %add3A_160 : i32
      %dma_wait3A_162 = arith.constant 0 : i32
      %dma_wait3A_163 = tpu.memref_slice %arg7[%add3A_161, %dma_wait3A_162] : memref<40x128xi32, #tpu.memory_space<vmem>> -> memref<1x128xi32, #tpu.memory_space<vmem>>
      %dma_wait3A_164 = tpu.memref_squeeze %dma_wait3A_163 : memref<1x128xi32, #tpu.memory_space<vmem>> -> memref<128xi32, #tpu.memory_space<vmem>>
      %dma_wait3A_165 = arith.constant 0 : i32
      %dma_wait3A_166 = arith.constant 0 : i32
      %dma_wait3A_167 = tpu.memref_slice %arg4[%dma_wait3A_165, %dma_wait3A_166] : memref<20480x128xf32, #tpu.memory_space<hbm>> -> memref<20480x128xf32, #tpu.memory_space<hbm>>
      tpu.wait_indirect_dma semaphore(%arg13 : memref<!tpu.dma_semaphore, #tpu.memory_space<semaphore_mem>>) src(%dma_wait3A_167 : memref<20480x128xf32, #tpu.memory_space<hbm>>) dst(%arg10 : memref<128x128xf32, #tpu.memory_space<vmem>>)
      %add3A_168 = arith.constant 1 : i32
      %add3A_169 = arith.addi %mul3A_137, %add3A_168 : i32
      "tpu.region"() ({
        %run_scoped3A_170 = tpu.sem_alloc : memref<!tpu.dma_semaphore, #tpu.memory_space<semaphore_mem>>
        %dma_start3A_171 = arith.constant 0 : i32
        %dma_start3A_172 = tpu.memref_slice %arg8[%add3A_169, %dma_start3A_171] : memref<40x128xi32, #tpu.memory_space<vmem>> -> memref<1x128xi32, #tpu.memory_space<vmem>>
        %dma_start3A_173 = tpu.memref_squeeze %dma_start3A_172 : memref<1x128xi32, #tpu.memory_space<vmem>> -> memref<128xi32, #tpu.memory_space<vmem>>
        %dma_start3A_174 = arith.constant 0 : i32
        %dma_start3A_175 = arith.constant 0 : i32
        %dma_start3A_176 = tpu.memref_slice %arg11[%dma_start3A_174, %dma_start3A_175] : memref<10240x128xf32, #tpu.memory_space<vmem_shared>> -> memref<10240x128xf32, #tpu.memory_space<vmem_shared>>
        tpu.enqueue_indirect_dma source(%arg10 : memref<128x128xf32, #tpu.memory_space<vmem>>) target(%dma_start3A_176 : memref<10240x128xf32, #tpu.memory_space<vmem_shared>>) offsets(%dma_start3A_173 : memref<128xi32, #tpu.memory_space<vmem>>) semaphore(%run_scoped3A_170 : memref<!tpu.dma_semaphore, #tpu.memory_space<semaphore_mem>>) {add = true}
        %dma_wait3A_177 = arith.constant 0 : i32
        %dma_wait3A_178 = tpu.memref_slice %arg8[%add3A_169, %dma_wait3A_177] : memref<40x128xi32, #tpu.memory_space<vmem>> -> memref<1x128xi32, #tpu.memory_space<vmem>>
        %dma_wait3A_179 = tpu.memref_squeeze %dma_wait3A_178 : memref<1x128xi32, #tpu.memory_space<vmem>> -> memref<128xi32, #tpu.memory_space<vmem>>
        %dma_wait3A_180 = arith.constant 0 : i32
        %dma_wait3A_181 = arith.constant 0 : i32
        %dma_wait3A_182 = tpu.memref_slice %arg11[%dma_wait3A_180, %dma_wait3A_181] : memref<10240x128xf32, #tpu.memory_space<vmem_shared>> -> memref<10240x128xf32, #tpu.memory_space<vmem_shared>>
        tpu.wait_indirect_dma semaphore(%run_scoped3A_170 : memref<!tpu.dma_semaphore, #tpu.memory_space<semaphore_mem>>) src(%arg10 : memref<128x128xf32, #tpu.memory_space<vmem>>) dst(%dma_wait3A_182 : memref<10240x128xf32, #tpu.memory_space<vmem_shared>>)
        tpu.yield
      }) : () -> ()
    }
    %scan3A_70 = arith.constant 19 : i32
    %dma_start3A_71 = arith.constant 39 : i32
    %dma_start3A_72 = arith.constant 0 : i32
    %dma_start3A_73 = tpu.memref_slice %arg7[%dma_start3A_71, %dma_start3A_72] : memref<40x128xi32, #tpu.memory_space<vmem>> -> memref<1x128xi32, #tpu.memory_space<vmem>>
    %dma_start3A_74 = tpu.memref_squeeze %dma_start3A_73 : memref<1x128xi32, #tpu.memory_space<vmem>> -> memref<128xi32, #tpu.memory_space<vmem>>
    %dma_start3A_75 = arith.constant 0 : i32
    %dma_start3A_76 = arith.constant 0 : i32
    %dma_start3A_77 = tpu.memref_slice %arg4[%dma_start3A_75, %dma_start3A_76] : memref<20480x128xf32, #tpu.memory_space<hbm>> -> memref<20480x128xf32, #tpu.memory_space<hbm>>
    tpu.enqueue_indirect_dma source(%dma_start3A_77 : memref<20480x128xf32, #tpu.memory_space<hbm>>) target(%arg10 : memref<128x128xf32, #tpu.memory_space<vmem>>) offsets(%dma_start3A_74 : memref<128xi32, #tpu.memory_space<vmem>>) semaphore(%arg13 : memref<!tpu.dma_semaphore, #tpu.memory_space<semaphore_mem>>)
    %dma_wait3A_78 = arith.constant 38 : i32
    %dma_wait3A_79 = arith.constant 0 : i32
    %dma_wait3A_80 = tpu.memref_slice %arg7[%dma_wait3A_78, %dma_wait3A_79] : memref<40x128xi32, #tpu.memory_space<vmem>> -> memref<1x128xi32, #tpu.memory_space<vmem>>
    %dma_wait3A_81 = tpu.memref_squeeze %dma_wait3A_80 : memref<1x128xi32, #tpu.memory_space<vmem>> -> memref<128xi32, #tpu.memory_space<vmem>>
    %dma_wait3A_82 = arith.constant 0 : i32
    %dma_wait3A_83 = arith.constant 0 : i32
    %dma_wait3A_84 = tpu.memref_slice %arg4[%dma_wait3A_82, %dma_wait3A_83] : memref<20480x128xf32, #tpu.memory_space<hbm>> -> memref<20480x128xf32, #tpu.memory_space<hbm>>
    tpu.wait_indirect_dma semaphore(%arg12 : memref<!tpu.dma_semaphore, #tpu.memory_space<semaphore_mem>>) src(%dma_wait3A_84 : memref<20480x128xf32, #tpu.memory_space<hbm>>) dst(%arg9 : memref<128x128xf32, #tpu.memory_space<vmem>>)
    %run_scoped3A_85 = arith.constant 38 : i32
    "tpu.region"() ({
      %run_scoped3A_135 = tpu.sem_alloc : memref<!tpu.dma_semaphore, #tpu.memory_space<semaphore_mem>>
      %dma_start3A_136 = arith.constant 0 : i32
      %dma_start3A_137 = tpu.memref_slice %arg8[%run_scoped3A_85, %dma_start3A_136] : memref<40x128xi32, #tpu.memory_space<vmem>> -> memref<1x128xi32, #tpu.memory_space<vmem>>
      %dma_start3A_138 = tpu.memref_squeeze %dma_start3A_137 : memref<1x128xi32, #tpu.memory_space<vmem>> -> memref<128xi32, #tpu.memory_space<vmem>>
      %dma_start3A_139 = arith.constant 0 : i32
      %dma_start3A_140 = arith.constant 0 : i32
      %dma_start3A_141 = tpu.memref_slice %arg11[%dma_start3A_139, %dma_start3A_140] : memref<10240x128xf32, #tpu.memory_space<vmem_shared>> -> memref<10240x128xf32, #tpu.memory_space<vmem_shared>>
      tpu.enqueue_indirect_dma source(%arg9 : memref<128x128xf32, #tpu.memory_space<vmem>>) target(%dma_start3A_141 : memref<10240x128xf32, #tpu.memory_space<vmem_shared>>) offsets(%dma_start3A_138 : memref<128xi32, #tpu.memory_space<vmem>>) semaphore(%run_scoped3A_135 : memref<!tpu.dma_semaphore, #tpu.memory_space<semaphore_mem>>) {add = true}
      %dma_wait3A_142 = arith.constant 0 : i32
      %dma_wait3A_143 = tpu.memref_slice %arg8[%run_scoped3A_85, %dma_wait3A_142] : memref<40x128xi32, #tpu.memory_space<vmem>> -> memref<1x128xi32, #tpu.memory_space<vmem>>
      %dma_wait3A_144 = tpu.memref_squeeze %dma_wait3A_143 : memref<1x128xi32, #tpu.memory_space<vmem>> -> memref<128xi32, #tpu.memory_space<vmem>>
      %dma_wait3A_145 = arith.constant 0 : i32
      %dma_wait3A_146 = arith.constant 0 : i32
      %dma_wait3A_147 = tpu.memref_slice %arg11[%dma_wait3A_145, %dma_wait3A_146] : memref<10240x128xf32, #tpu.memory_space<vmem_shared>> -> memref<10240x128xf32, #tpu.memory_space<vmem_shared>>
      tpu.wait_indirect_dma semaphore(%run_scoped3A_135 : memref<!tpu.dma_semaphore, #tpu.memory_space<semaphore_mem>>) src(%arg9 : memref<128x128xf32, #tpu.memory_space<vmem>>) dst(%dma_wait3A_147 : memref<10240x128xf32, #tpu.memory_space<vmem_shared>>)
      tpu.yield
    }) : () -> ()
    %dma_wait3A_86 = arith.constant 39 : i32
    %dma_wait3A_87 = arith.constant 0 : i32
    %dma_wait3A_88 = tpu.memref_slice %arg7[%dma_wait3A_86, %dma_wait3A_87] : memref<40x128xi32, #tpu.memory_space<vmem>> -> memref<1x128xi32, #tpu.memory_space<vmem>>
    %dma_wait3A_89 = tpu.memref_squeeze %dma_wait3A_88 : memref<1x128xi32, #tpu.memory_space<vmem>> -> memref<128xi32, #tpu.memory_space<vmem>>
    %dma_wait3A_90 = arith.constant 0 : i32
    %dma_wait3A_91 = arith.constant 0 : i32
    %dma_wait3A_92 = tpu.memref_slice %arg4[%dma_wait3A_90, %dma_wait3A_91] : memref<20480x128xf32, #tpu.memory_space<hbm>> -> memref<20480x128xf32, #tpu.memory_space<hbm>>
    tpu.wait_indirect_dma semaphore(%arg13 : memref<!tpu.dma_semaphore, #tpu.memory_space<semaphore_mem>>) src(%dma_wait3A_92 : memref<20480x128xf32, #tpu.memory_space<hbm>>) dst(%arg10 : memref<128x128xf32, #tpu.memory_space<vmem>>)
    %run_scoped3A_93 = arith.constant 39 : i32
    "tpu.region"() ({
      %run_scoped3A_135 = tpu.sem_alloc : memref<!tpu.dma_semaphore, #tpu.memory_space<semaphore_mem>>
      %dma_start3A_136 = arith.constant 0 : i32
      %dma_start3A_137 = tpu.memref_slice %arg8[%run_scoped3A_93, %dma_start3A_136] : memref<40x128xi32, #tpu.memory_space<vmem>> -> memref<1x128xi32, #tpu.memory_space<vmem>>
      %dma_start3A_138 = tpu.memref_squeeze %dma_start3A_137 : memref<1x128xi32, #tpu.memory_space<vmem>> -> memref<128xi32, #tpu.memory_space<vmem>>
      %dma_start3A_139 = arith.constant 0 : i32
      %dma_start3A_140 = arith.constant 0 : i32
      %dma_start3A_141 = tpu.memref_slice %arg11[%dma_start3A_139, %dma_start3A_140] : memref<10240x128xf32, #tpu.memory_space<vmem_shared>> -> memref<10240x128xf32, #tpu.memory_space<vmem_shared>>
      tpu.enqueue_indirect_dma source(%arg10 : memref<128x128xf32, #tpu.memory_space<vmem>>) target(%dma_start3A_141 : memref<10240x128xf32, #tpu.memory_space<vmem_shared>>) offsets(%dma_start3A_138 : memref<128xi32, #tpu.memory_space<vmem>>) semaphore(%run_scoped3A_135 : memref<!tpu.dma_semaphore, #tpu.memory_space<semaphore_mem>>) {add = true}
      %dma_wait3A_142 = arith.constant 0 : i32
      %dma_wait3A_143 = tpu.memref_slice %arg8[%run_scoped3A_93, %dma_wait3A_142] : memref<40x128xi32, #tpu.memory_space<vmem>> -> memref<1x128xi32, #tpu.memory_space<vmem>>
      %dma_wait3A_144 = tpu.memref_squeeze %dma_wait3A_143 : memref<1x128xi32, #tpu.memory_space<vmem>> -> memref<128xi32, #tpu.memory_space<vmem>>
      %dma_wait3A_145 = arith.constant 0 : i32
      %dma_wait3A_146 = arith.constant 0 : i32
      %dma_wait3A_147 = tpu.memref_slice %arg11[%dma_wait3A_145, %dma_wait3A_146] : memref<10240x128xf32, #tpu.memory_space<vmem_shared>> -> memref<10240x128xf32, #tpu.memory_space<vmem_shared>>
      tpu.wait_indirect_dma semaphore(%run_scoped3A_135 : memref<!tpu.dma_semaphore, #tpu.memory_space<semaphore_mem>>) src(%arg10 : memref<128x128xf32, #tpu.memory_space<vmem>>) dst(%dma_wait3A_147 : memref<10240x128xf32, #tpu.memory_space<vmem_shared>>)
      tpu.yield
    }) : () -> ()
    %barrier3A_94 = arith.constant 0 : index
    tpu.barrier barrier_id(%barrier3A_94)
    %mul3A_95 = arith.constant 640 : i32
    %mul3A_96 = arith.muli %arg1, %mul3A_95 : i32
    %add3A_97 = arith.constant 0 : i32
    %add3A_98 = arith.addi %mul3A_96, %add3A_97 : i32
    "tpu.region"() ({
      %run_scoped3A_135 = tpu.sem_alloc : memref<!tpu.dma_semaphore, #tpu.memory_space<semaphore_mem>>
      %dma_start3A_136 = arith.constant 0 : i32
      %dma_start3A_137 = tpu.memref_slice %arg11[%add3A_98, %dma_start3A_136] : memref<10240x128xf32, #tpu.memory_space<vmem_shared>> -> memref<128x128xf32, #tpu.memory_space<vmem_shared>>
      %dma_start3A_138 = arith.constant 0 : i32
      %dma_start3A_139 = tpu.memref_slice %arg11[%add3A_98, %dma_start3A_138] : memref<10240x128xf32, #tpu.memory_space<vmem_shared>> -> memref<128x128xf32, #tpu.memory_space<vmem_shared>>
      tpu.enqueue_dma source(%dma_start3A_139 : memref<128x128xf32, #tpu.memory_space<vmem_shared>>) target(%arg9 : memref<128x128xf32, #tpu.memory_space<vmem>>) target_semaphore(%run_scoped3A_135 : memref<!tpu.dma_semaphore, #tpu.memory_space<semaphore_mem>>)
      %dma_wait3A_140 = arith.constant 0 : i32
      %dma_wait3A_141 = tpu.memref_slice %arg11[%add3A_98, %dma_wait3A_140] : memref<10240x128xf32, #tpu.memory_space<vmem_shared>> -> memref<128x128xf32, #tpu.memory_space<vmem_shared>>
      %dma_wait3A_142 = arith.constant 0 : i32
      %dma_wait3A_143 = tpu.memref_slice %arg11[%add3A_98, %dma_wait3A_142] : memref<10240x128xf32, #tpu.memory_space<vmem_shared>> -> memref<128x128xf32, #tpu.memory_space<vmem_shared>>
      tpu.wait_dma2 semaphore(%run_scoped3A_135 : memref<!tpu.dma_semaphore, #tpu.memory_space<semaphore_mem>>) src(%dma_wait3A_143 : memref<128x128xf32, #tpu.memory_space<vmem_shared>>) dst(%arg9 : memref<128x128xf32, #tpu.memory_space<vmem>>)
      tpu.yield
    }) : () -> ()
    %mul3A_99 = arith.constant 640 : i32
    %mul3A_100 = arith.muli %arg1, %mul3A_99 : i32
    %add3A_101 = arith.constant 0 : i32
    %add3A_102 = arith.addi %mul3A_100, %add3A_101 : i32
    "tpu.region"() ({
      %run_scoped3A_135 = tpu.sem_alloc : memref<!tpu.dma_semaphore, #tpu.memory_space<semaphore_mem>>
      %dma_start3A_136 = arith.constant 0 : i32
      %dma_start3A_137 = tpu.memref_slice %arg6[%arg0, %add3A_102, %dma_start3A_136] : memref<2x10240x128xf32, #tpu.memory_space<hbm>> -> memref<1x128x128xf32, #tpu.memory_space<hbm>>
      %dma_start3A_138 = tpu.memref_squeeze %dma_start3A_137 : memref<1x128x128xf32, #tpu.memory_space<hbm>> -> memref<128x128xf32, #tpu.memory_space<hbm>>
      %dma_start3A_139 = arith.constant 0 : i32
      %dma_start3A_140 = tpu.memref_slice %arg6[%arg0, %add3A_102, %dma_start3A_139] : memref<2x10240x128xf32, #tpu.memory_space<hbm>> -> memref<1x128x128xf32, #tpu.memory_space<hbm>>
      %dma_start3A_141 = tpu.memref_squeeze %dma_start3A_140 : memref<1x128x128xf32, #tpu.memory_space<hbm>> -> memref<128x128xf32, #tpu.memory_space<hbm>>
      tpu.enqueue_dma source(%arg9 : memref<128x128xf32, #tpu.memory_space<vmem>>) target(%dma_start3A_141 : memref<128x128xf32, #tpu.memory_space<hbm>>) target_semaphore(%run_scoped3A_135 : memref<!tpu.dma_semaphore, #tpu.memory_space<semaphore_mem>>)
      %dma_wait3A_142 = arith.constant 0 : i32
      %dma_wait3A_143 = tpu.memref_slice %arg6[%arg0, %add3A_102, %dma_wait3A_142] : memref<2x10240x128xf32, #tpu.memory_space<hbm>> -> memref<1x128x128xf32, #tpu.memory_space<hbm>>
      %dma_wait3A_144 = tpu.memref_squeeze %dma_wait3A_143 : memref<1x128x128xf32, #tpu.memory_space<hbm>> -> memref<128x128xf32, #tpu.memory_space<hbm>>
      %dma_wait3A_145 = arith.constant 0 : i32
      %dma_wait3A_146 = tpu.memref_slice %arg6[%arg0, %add3A_102, %dma_wait3A_145] : memref<2x10240x128xf32, #tpu.memory_space<hbm>> -> memref<1x128x128xf32, #tpu.memory_space<hbm>>
      %dma_wait3A_147 = tpu.memref_squeeze %dma_wait3A_146 : memref<1x128x128xf32, #tpu.memory_space<hbm>> -> memref<128x128xf32, #tpu.memory_space<hbm>>
      tpu.wait_dma2 semaphore(%run_scoped3A_135 : memref<!tpu.dma_semaphore, #tpu.memory_space<semaphore_mem>>) src(%arg9 : memref<128x128xf32, #tpu.memory_space<vmem>>) dst(%dma_wait3A_147 : memref<128x128xf32, #tpu.memory_space<hbm>>)
      tpu.yield
    }) : () -> ()
    %mul3A_103 = arith.constant 640 : i32
    %mul3A_104 = arith.muli %arg1, %mul3A_103 : i32
    %add3A_105 = arith.constant 128 : i32
    %add3A_106 = arith.addi %mul3A_104, %add3A_105 : i32
    "tpu.region"() ({
      %run_scoped3A_135 = tpu.sem_alloc : memref<!tpu.dma_semaphore, #tpu.memory_space<semaphore_mem>>
      %dma_start3A_136 = arith.constant 0 : i32
      %dma_start3A_137 = tpu.memref_slice %arg11[%add3A_106, %dma_start3A_136] : memref<10240x128xf32, #tpu.memory_space<vmem_shared>> -> memref<128x128xf32, #tpu.memory_space<vmem_shared>>
      %dma_start3A_138 = arith.constant 0 : i32
      %dma_start3A_139 = tpu.memref_slice %arg11[%add3A_106, %dma_start3A_138] : memref<10240x128xf32, #tpu.memory_space<vmem_shared>> -> memref<128x128xf32, #tpu.memory_space<vmem_shared>>
      tpu.enqueue_dma source(%dma_start3A_139 : memref<128x128xf32, #tpu.memory_space<vmem_shared>>) target(%arg9 : memref<128x128xf32, #tpu.memory_space<vmem>>) target_semaphore(%run_scoped3A_135 : memref<!tpu.dma_semaphore, #tpu.memory_space<semaphore_mem>>)
      %dma_wait3A_140 = arith.constant 0 : i32
      %dma_wait3A_141 = tpu.memref_slice %arg11[%add3A_106, %dma_wait3A_140] : memref<10240x128xf32, #tpu.memory_space<vmem_shared>> -> memref<128x128xf32, #tpu.memory_space<vmem_shared>>
      %dma_wait3A_142 = arith.constant 0 : i32
      %dma_wait3A_143 = tpu.memref_slice %arg11[%add3A_106, %dma_wait3A_142] : memref<10240x128xf32, #tpu.memory_space<vmem_shared>> -> memref<128x128xf32, #tpu.memory_space<vmem_shared>>
      tpu.wait_dma2 semaphore(%run_scoped3A_135 : memref<!tpu.dma_semaphore, #tpu.memory_space<semaphore_mem>>) src(%dma_wait3A_143 : memref<128x128xf32, #tpu.memory_space<vmem_shared>>) dst(%arg9 : memref<128x128xf32, #tpu.memory_space<vmem>>)
      tpu.yield
    }) : () -> ()
    %mul3A_107 = arith.constant 640 : i32
    %mul3A_108 = arith.muli %arg1, %mul3A_107 : i32
    %add3A_109 = arith.constant 128 : i32
    %add3A_110 = arith.addi %mul3A_108, %add3A_109 : i32
    "tpu.region"() ({
      %run_scoped3A_135 = tpu.sem_alloc : memref<!tpu.dma_semaphore, #tpu.memory_space<semaphore_mem>>
      %dma_start3A_136 = arith.constant 0 : i32
      %dma_start3A_137 = tpu.memref_slice %arg6[%arg0, %add3A_110, %dma_start3A_136] : memref<2x10240x128xf32, #tpu.memory_space<hbm>> -> memref<1x128x128xf32, #tpu.memory_space<hbm>>
      %dma_start3A_138 = tpu.memref_squeeze %dma_start3A_137 : memref<1x128x128xf32, #tpu.memory_space<hbm>> -> memref<128x128xf32, #tpu.memory_space<hbm>>
      %dma_start3A_139 = arith.constant 0 : i32
      %dma_start3A_140 = tpu.memref_slice %arg6[%arg0, %add3A_110, %dma_start3A_139] : memref<2x10240x128xf32, #tpu.memory_space<hbm>> -> memref<1x128x128xf32, #tpu.memory_space<hbm>>
      %dma_start3A_141 = tpu.memref_squeeze %dma_start3A_140 : memref<1x128x128xf32, #tpu.memory_space<hbm>> -> memref<128x128xf32, #tpu.memory_space<hbm>>
      tpu.enqueue_dma source(%arg9 : memref<128x128xf32, #tpu.memory_space<vmem>>) target(%dma_start3A_141 : memref<128x128xf32, #tpu.memory_space<hbm>>) target_semaphore(%run_scoped3A_135 : memref<!tpu.dma_semaphore, #tpu.memory_space<semaphore_mem>>)
      %dma_wait3A_142 = arith.constant 0 : i32
      %dma_wait3A_143 = tpu.memref_slice %arg6[%arg0, %add3A_110, %dma_wait3A_142] : memref<2x10240x128xf32, #tpu.memory_space<hbm>> -> memref<1x128x128xf32, #tpu.memory_space<hbm>>
      %dma_wait3A_144 = tpu.memref_squeeze %dma_wait3A_143 : memref<1x128x128xf32, #tpu.memory_space<hbm>> -> memref<128x128xf32, #tpu.memory_space<hbm>>
      %dma_wait3A_145 = arith.constant 0 : i32
      %dma_wait3A_146 = tpu.memref_slice %arg6[%arg0, %add3A_110, %dma_wait3A_145] : memref<2x10240x128xf32, #tpu.memory_space<hbm>> -> memref<1x128x128xf32, #tpu.memory_space<hbm>>
      %dma_wait3A_147 = tpu.memref_squeeze %dma_wait3A_146 : memref<1x128x128xf32, #tpu.memory_space<hbm>> -> memref<128x128xf32, #tpu.memory_space<hbm>>
      tpu.wait_dma2 semaphore(%run_scoped3A_135 : memref<!tpu.dma_semaphore, #tpu.memory_space<semaphore_mem>>) src(%arg9 : memref<128x128xf32, #tpu.memory_space<vmem>>) dst(%dma_wait3A_147 : memref<128x128xf32, #tpu.memory_space<hbm>>)
      tpu.yield
    }) : () -> ()
    %mul3A_111 = arith.constant 640 : i32
    %mul3A_112 = arith.muli %arg1, %mul3A_111 : i32
    %add3A_113 = arith.constant 256 : i32
    %add3A_114 = arith.addi %mul3A_112, %add3A_113 : i32
    "tpu.region"() ({
      %run_scoped3A_135 = tpu.sem_alloc : memref<!tpu.dma_semaphore, #tpu.memory_space<semaphore_mem>>
      %dma_start3A_136 = arith.constant 0 : i32
      %dma_start3A_137 = tpu.memref_slice %arg11[%add3A_114, %dma_start3A_136] : memref<10240x128xf32, #tpu.memory_space<vmem_shared>> -> memref<128x128xf32, #tpu.memory_space<vmem_shared>>
      %dma_start3A_138 = arith.constant 0 : i32
      %dma_start3A_139 = tpu.memref_slice %arg11[%add3A_114, %dma_start3A_138] : memref<10240x128xf32, #tpu.memory_space<vmem_shared>> -> memref<128x128xf32, #tpu.memory_space<vmem_shared>>
      tpu.enqueue_dma source(%dma_start3A_139 : memref<128x128xf32, #tpu.memory_space<vmem_shared>>) target(%arg9 : memref<128x128xf32, #tpu.memory_space<vmem>>) target_semaphore(%run_scoped3A_135 : memref<!tpu.dma_semaphore, #tpu.memory_space<semaphore_mem>>)
      %dma_wait3A_140 = arith.constant 0 : i32
      %dma_wait3A_141 = tpu.memref_slice %arg11[%add3A_114, %dma_wait3A_140] : memref<10240x128xf32, #tpu.memory_space<vmem_shared>> -> memref<128x128xf32, #tpu.memory_space<vmem_shared>>
      %dma_wait3A_142 = arith.constant 0 : i32
      %dma_wait3A_143 = tpu.memref_slice %arg11[%add3A_114, %dma_wait3A_142] : memref<10240x128xf32, #tpu.memory_space<vmem_shared>> -> memref<128x128xf32, #tpu.memory_space<vmem_shared>>
      tpu.wait_dma2 semaphore(%run_scoped3A_135 : memref<!tpu.dma_semaphore, #tpu.memory_space<semaphore_mem>>) src(%dma_wait3A_143 : memref<128x128xf32, #tpu.memory_space<vmem_shared>>) dst(%arg9 : memref<128x128xf32, #tpu.memory_space<vmem>>)
      tpu.yield
    }) : () -> ()
    %mul3A_115 = arith.constant 640 : i32
    %mul3A_116 = arith.muli %arg1, %mul3A_115 : i32
    %add3A_117 = arith.constant 256 : i32
    %add3A_118 = arith.addi %mul3A_116, %add3A_117 : i32
    "tpu.region"() ({
      %run_scoped3A_135 = tpu.sem_alloc : memref<!tpu.dma_semaphore, #tpu.memory_space<semaphore_mem>>
      %dma_start3A_136 = arith.constant 0 : i32
      %dma_start3A_137 = tpu.memref_slice %arg6[%arg0, %add3A_118, %dma_start3A_136] : memref<2x10240x128xf32, #tpu.memory_space<hbm>> -> memref<1x128x128xf32, #tpu.memory_space<hbm>>
      %dma_start3A_138 = tpu.memref_squeeze %dma_start3A_137 : memref<1x128x128xf32, #tpu.memory_space<hbm>> -> memref<128x128xf32, #tpu.memory_space<hbm>>
      %dma_start3A_139 = arith.constant 0 : i32
      %dma_start3A_140 = tpu.memref_slice %arg6[%arg0, %add3A_118, %dma_start3A_139] : memref<2x10240x128xf32, #tpu.memory_space<hbm>> -> memref<1x128x128xf32, #tpu.memory_space<hbm>>
      %dma_start3A_141 = tpu.memref_squeeze %dma_start3A_140 : memref<1x128x128xf32, #tpu.memory_space<hbm>> -> memref<128x128xf32, #tpu.memory_space<hbm>>
      tpu.enqueue_dma source(%arg9 : memref<128x128xf32, #tpu.memory_space<vmem>>) target(%dma_start3A_141 : memref<128x128xf32, #tpu.memory_space<hbm>>) target_semaphore(%run_scoped3A_135 : memref<!tpu.dma_semaphore, #tpu.memory_space<semaphore_mem>>)
      %dma_wait3A_142 = arith.constant 0 : i32
      %dma_wait3A_143 = tpu.memref_slice %arg6[%arg0, %add3A_118, %dma_wait3A_142] : memref<2x10240x128xf32, #tpu.memory_space<hbm>> -> memref<1x128x128xf32, #tpu.memory_space<hbm>>
      %dma_wait3A_144 = tpu.memref_squeeze %dma_wait3A_143 : memref<1x128x128xf32, #tpu.memory_space<hbm>> -> memref<128x128xf32, #tpu.memory_space<hbm>>
      %dma_wait3A_145 = arith.constant 0 : i32
      %dma_wait3A_146 = tpu.memref_slice %arg6[%arg0, %add3A_118, %dma_wait3A_145] : memref<2x10240x128xf32, #tpu.memory_space<hbm>> -> memref<1x128x128xf32, #tpu.memory_space<hbm>>
      %dma_wait3A_147 = tpu.memref_squeeze %dma_wait3A_146 : memref<1x128x128xf32, #tpu.memory_space<hbm>> -> memref<128x128xf32, #tpu.memory_space<hbm>>
      tpu.wait_dma2 semaphore(%run_scoped3A_135 : memref<!tpu.dma_semaphore, #tpu.memory_space<semaphore_mem>>) src(%arg9 : memref<128x128xf32, #tpu.memory_space<vmem>>) dst(%dma_wait3A_147 : memref<128x128xf32, #tpu.memory_space<hbm>>)
      tpu.yield
    }) : () -> ()
    %mul3A_119 = arith.constant 640 : i32
    %mul3A_120 = arith.muli %arg1, %mul3A_119 : i32
    %add3A_121 = arith.constant 384 : i32
    %add3A_122 = arith.addi %mul3A_120, %add3A_121 : i32
    "tpu.region"() ({
      %run_scoped3A_135 = tpu.sem_alloc : memref<!tpu.dma_semaphore, #tpu.memory_space<semaphore_mem>>
      %dma_start3A_136 = arith.constant 0 : i32
      %dma_start3A_137 = tpu.memref_slice %arg11[%add3A_122, %dma_start3A_136] : memref<10240x128xf32, #tpu.memory_space<vmem_shared>> -> memref<128x128xf32, #tpu.memory_space<vmem_shared>>
      %dma_start3A_138 = arith.constant 0 : i32
      %dma_start3A_139 = tpu.memref_slice %arg11[%add3A_122, %dma_start3A_138] : memref<10240x128xf32, #tpu.memory_space<vmem_shared>> -> memref<128x128xf32, #tpu.memory_space<vmem_shared>>
      tpu.enqueue_dma source(%dma_start3A_139 : memref<128x128xf32, #tpu.memory_space<vmem_shared>>) target(%arg9 : memref<128x128xf32, #tpu.memory_space<vmem>>) target_semaphore(%run_scoped3A_135 : memref<!tpu.dma_semaphore, #tpu.memory_space<semaphore_mem>>)
      %dma_wait3A_140 = arith.constant 0 : i32
      %dma_wait3A_141 = tpu.memref_slice %arg11[%add3A_122, %dma_wait3A_140] : memref<10240x128xf32, #tpu.memory_space<vmem_shared>> -> memref<128x128xf32, #tpu.memory_space<vmem_shared>>
      %dma_wait3A_142 = arith.constant 0 : i32
      %dma_wait3A_143 = tpu.memref_slice %arg11[%add3A_122, %dma_wait3A_142] : memref<10240x128xf32, #tpu.memory_space<vmem_shared>> -> memref<128x128xf32, #tpu.memory_space<vmem_shared>>
      tpu.wait_dma2 semaphore(%run_scoped3A_135 : memref<!tpu.dma_semaphore, #tpu.memory_space<semaphore_mem>>) src(%dma_wait3A_143 : memref<128x128xf32, #tpu.memory_space<vmem_shared>>) dst(%arg9 : memref<128x128xf32, #tpu.memory_space<vmem>>)
      tpu.yield
    }) : () -> ()
    %mul3A_123 = arith.constant 640 : i32
    %mul3A_124 = arith.muli %arg1, %mul3A_123 : i32
    %add3A_125 = arith.constant 384 : i32
    %add3A_126 = arith.addi %mul3A_124, %add3A_125 : i32
    "tpu.region"() ({
      %run_scoped3A_135 = tpu.sem_alloc : memref<!tpu.dma_semaphore, #tpu.memory_space<semaphore_mem>>
      %dma_start3A_136 = arith.constant 0 : i32
      %dma_start3A_137 = tpu.memref_slice %arg6[%arg0, %add3A_126, %dma_start3A_136] : memref<2x10240x128xf32, #tpu.memory_space<hbm>> -> memref<1x128x128xf32, #tpu.memory_space<hbm>>
      %dma_start3A_138 = tpu.memref_squeeze %dma_start3A_137 : memref<1x128x128xf32, #tpu.memory_space<hbm>> -> memref<128x128xf32, #tpu.memory_space<hbm>>
      %dma_start3A_139 = arith.constant 0 : i32
      %dma_start3A_140 = tpu.memref_slice %arg6[%arg0, %add3A_126, %dma_start3A_139] : memref<2x10240x128xf32, #tpu.memory_space<hbm>> -> memref<1x128x128xf32, #tpu.memory_space<hbm>>
      %dma_start3A_141 = tpu.memref_squeeze %dma_start3A_140 : memref<1x128x128xf32, #tpu.memory_space<hbm>> -> memref<128x128xf32, #tpu.memory_space<hbm>>
      tpu.enqueue_dma source(%arg9 : memref<128x128xf32, #tpu.memory_space<vmem>>) target(%dma_start3A_141 : memref<128x128xf32, #tpu.memory_space<hbm>>) target_semaphore(%run_scoped3A_135 : memref<!tpu.dma_semaphore, #tpu.memory_space<semaphore_mem>>)
      %dma_wait3A_142 = arith.constant 0 : i32
      %dma_wait3A_143 = tpu.memref_slice %arg6[%arg0, %add3A_126, %dma_wait3A_142] : memref<2x10240x128xf32, #tpu.memory_space<hbm>> -> memref<1x128x128xf32, #tpu.memory_space<hbm>>
      %dma_wait3A_144 = tpu.memref_squeeze %dma_wait3A_143 : memref<1x128x128xf32, #tpu.memory_space<hbm>> -> memref<128x128xf32, #tpu.memory_space<hbm>>
      %dma_wait3A_145 = arith.constant 0 : i32
      %dma_wait3A_146 = tpu.memref_slice %arg6[%arg0, %add3A_126, %dma_wait3A_145] : memref<2x10240x128xf32, #tpu.memory_space<hbm>> -> memref<1x128x128xf32, #tpu.memory_space<hbm>>
      %dma_wait3A_147 = tpu.memref_squeeze %dma_wait3A_146 : memref<1x128x128xf32, #tpu.memory_space<hbm>> -> memref<128x128xf32, #tpu.memory_space<hbm>>
      tpu.wait_dma2 semaphore(%run_scoped3A_135 : memref<!tpu.dma_semaphore, #tpu.memory_space<semaphore_mem>>) src(%arg9 : memref<128x128xf32, #tpu.memory_space<vmem>>) dst(%dma_wait3A_147 : memref<128x128xf32, #tpu.memory_space<hbm>>)
      tpu.yield
    }) : () -> ()
    %mul3A_127 = arith.constant 640 : i32
    %mul3A_128 = arith.muli %arg1, %mul3A_127 : i32
    %add3A_129 = arith.constant 512 : i32
    %add3A_130 = arith.addi %mul3A_128, %add3A_129 : i32
    "tpu.region"() ({
      %run_scoped3A_135 = tpu.sem_alloc : memref<!tpu.dma_semaphore, #tpu.memory_space<semaphore_mem>>
      %dma_start3A_136 = arith.constant 0 : i32
      %dma_start3A_137 = tpu.memref_slice %arg11[%add3A_130, %dma_start3A_136] : memref<10240x128xf32, #tpu.memory_space<vmem_shared>> -> memref<128x128xf32, #tpu.memory_space<vmem_shared>>
      %dma_start3A_138 = arith.constant 0 : i32
      %dma_start3A_139 = tpu.memref_slice %arg11[%add3A_130, %dma_start3A_138] : memref<10240x128xf32, #tpu.memory_space<vmem_shared>> -> memref<128x128xf32, #tpu.memory_space<vmem_shared>>
      tpu.enqueue_dma source(%dma_start3A_139 : memref<128x128xf32, #tpu.memory_space<vmem_shared>>) target(%arg9 : memref<128x128xf32, #tpu.memory_space<vmem>>) target_semaphore(%run_scoped3A_135 : memref<!tpu.dma_semaphore, #tpu.memory_space<semaphore_mem>>)
      %dma_wait3A_140 = arith.constant 0 : i32
      %dma_wait3A_141 = tpu.memref_slice %arg11[%add3A_130, %dma_wait3A_140] : memref<10240x128xf32, #tpu.memory_space<vmem_shared>> -> memref<128x128xf32, #tpu.memory_space<vmem_shared>>
      %dma_wait3A_142 = arith.constant 0 : i32
      %dma_wait3A_143 = tpu.memref_slice %arg11[%add3A_130, %dma_wait3A_142] : memref<10240x128xf32, #tpu.memory_space<vmem_shared>> -> memref<128x128xf32, #tpu.memory_space<vmem_shared>>
      tpu.wait_dma2 semaphore(%run_scoped3A_135 : memref<!tpu.dma_semaphore, #tpu.memory_space<semaphore_mem>>) src(%dma_wait3A_143 : memref<128x128xf32, #tpu.memory_space<vmem_shared>>) dst(%arg9 : memref<128x128xf32, #tpu.memory_space<vmem>>)
      tpu.yield
    }) : () -> ()
    %mul3A_131 = arith.constant 640 : i32
    %mul3A_132 = arith.muli %arg1, %mul3A_131 : i32
    %add3A_133 = arith.constant 512 : i32
    %add3A_134 = arith.addi %mul3A_132, %add3A_133 : i32
    "tpu.region"() ({
      %run_scoped3A_135 = tpu.sem_alloc : memref<!tpu.dma_semaphore, #tpu.memory_space<semaphore_mem>>
      %dma_start3A_136 = arith.constant 0 : i32
      %dma_start3A_137 = tpu.memref_slice %arg6[%arg0, %add3A_134, %dma_start3A_136] : memref<2x10240x128xf32, #tpu.memory_space<hbm>> -> memref<1x128x128xf32, #tpu.memory_space<hbm>>
      %dma_start3A_138 = tpu.memref_squeeze %dma_start3A_137 : memref<1x128x128xf32, #tpu.memory_space<hbm>> -> memref<128x128xf32, #tpu.memory_space<hbm>>
      %dma_start3A_139 = arith.constant 0 : i32
      %dma_start3A_140 = tpu.memref_slice %arg6[%arg0, %add3A_134, %dma_start3A_139] : memref<2x10240x128xf32, #tpu.memory_space<hbm>> -> memref<1x128x128xf32, #tpu.memory_space<hbm>>
      %dma_start3A_141 = tpu.memref_squeeze %dma_start3A_140 : memref<1x128x128xf32, #tpu.memory_space<hbm>> -> memref<128x128xf32, #tpu.memory_space<hbm>>
      tpu.enqueue_dma source(%arg9 : memref<128x128xf32, #tpu.memory_space<vmem>>) target(%dma_start3A_141 : memref<128x128xf32, #tpu.memory_space<hbm>>) target_semaphore(%run_scoped3A_135 : memref<!tpu.dma_semaphore, #tpu.memory_space<semaphore_mem>>)
      %dma_wait3A_142 = arith.constant 0 : i32
      %dma_wait3A_143 = tpu.memref_slice %arg6[%arg0, %add3A_134, %dma_wait3A_142] : memref<2x10240x128xf32, #tpu.memory_space<hbm>> -> memref<1x128x128xf32, #tpu.memory_space<hbm>>
      %dma_wait3A_144 = tpu.memref_squeeze %dma_wait3A_143 : memref<1x128x128xf32, #tpu.memory_space<hbm>> -> memref<128x128xf32, #tpu.memory_space<hbm>>
      %dma_wait3A_145 = arith.constant 0 : i32
      %dma_wait3A_146 = tpu.memref_slice %arg6[%arg0, %add3A_134, %dma_wait3A_145] : memref<2x10240x128xf32, #tpu.memory_space<hbm>> -> memref<1x128x128xf32, #tpu.memory_space<hbm>>
      %dma_wait3A_147 = tpu.memref_squeeze %dma_wait3A_146 : memref<1x128x128xf32, #tpu.memory_space<hbm>> -> memref<128x128xf32, #tpu.memory_space<hbm>>
      tpu.wait_dma2 semaphore(%run_scoped3A_135 : memref<!tpu.dma_semaphore, #tpu.memory_space<semaphore_mem>>) src(%arg9 : memref<128x128xf32, #tpu.memory_space<vmem>>) dst(%dma_wait3A_147 : memref<128x128xf32, #tpu.memory_space<hbm>>)
      tpu.yield
    }) : () -> ()
    return
  }
}

module attributes {stable_mosaic.version = 14 : i64} {
  func.func @_scale_body(%arg0: i32, %arg1: memref<1024x256xf32, #tpu.memory_space<vmem>>, %arg2: memref<2x1024x128xf32, #tpu.memory_space<vmem>>, %arg3: memref<2x1024x128xf32, #tpu.memory_space<vmem>>, %arg4: memref<1024x128xf32, #tpu.memory_space<vmem>>) attributes {dimension_semantics = [#tpu.dimension_semantics<arbitrary>], iteration_bounds = array<i64: 10>, scalar_prefetch = 0 : i64, scratch_operands = 0 : i64, tpu.core_type = #tpu.core_type<tc>, window_params = [{transform_indices = @transform_0, window_bounds = array<i64: 1024, 256>}, {transform_indices = @transform_1, window_bounds = array<i64: 2, 1024, 128>}, {transform_indices = @transform_2, window_bounds = array<i64: 2, 1024, 128>}, {transform_indices = @transform_3, window_bounds = array<i64: 1024, 128>}]} {
    %get3A = arith.constant 0 : index
    %get3A_0 = arith.constant 0 : index
    %get3A_1 = arith.constant 0 : index
    %get3A_2 = vector.load %arg2[%get3A, %get3A_0, %get3A_1] : memref<2x1024x128xf32, #tpu.memory_space<vmem>>, vector<1x1024x1xf32>
    %get3A_3 = vector.shape_cast %get3A_2 : vector<1x1024x1xf32> to vector<1024x1xf32>
    %get3A_4 = arith.constant 1 : index
    %get3A_5 = arith.constant 0 : index
    %get3A_6 = arith.constant 0 : index
    %get3A_7 = vector.load %arg2[%get3A_4, %get3A_5, %get3A_6] : memref<2x1024x128xf32, #tpu.memory_space<vmem>>, vector<1x1024x1xf32>
    %get3A_8 = vector.shape_cast %get3A_7 : vector<1x1024x1xf32> to vector<1024x1xf32>
    %add3A = arith.addf %get3A_3, %get3A_8 : vector<1024x1xf32>
    %add3A_9 = arith.constant 1.000000e+00 : f32
    %add3A_10 = vector.broadcast %add3A_9 : f32 to vector<1024x1xf32>
    %add3A_11 = arith.addf %add3A, %add3A_10 : vector<1024x1xf32>
    %rsqrt3A = math.rsqrt %add3A_11 : vector<1024x1xf32>
    %get3A_12 = arith.constant 0 : index
    %get3A_13 = arith.constant 0 : index
    %get3A_14 = vector.load %arg1[%get3A_12, %get3A_13] : memref<1024x256xf32, #tpu.memory_space<vmem>>, vector<1024x256xf32>
    %mul3A = vector.broadcast %rsqrt3A : vector<1024x1xf32> to vector<1024x256xf32>
    %mul3A_15 = arith.mulf %get3A_14, %mul3A : vector<1024x256xf32>
    %slice3A = vector.extract_strided_slice %mul3A_15 {offsets = [0, 0], sizes = [1024, 128], strides = [1, 1]} : vector<1024x256xf32> to vector<1024x128xf32>
    %swap3A = arith.constant 0 : index
    %swap3A_16 = arith.constant 0 : index
    %swap3A_17 = arith.constant 0 : index
    %swap3A_18 = vector.load %arg3[%swap3A, %swap3A_16, %swap3A_17] : memref<2x1024x128xf32, #tpu.memory_space<vmem>>, vector<1x1024x128xf32>
    %swap3A_19 = vector.shape_cast %swap3A_18 : vector<1x1024x128xf32> to vector<1024x128xf32>
    %swap3A_20 = vector.shape_cast %slice3A : vector<1024x128xf32> to vector<1x1024x128xf32>
    tpu.vector_store %arg3[%swap3A, %swap3A_16, %swap3A_17], %swap3A_20 {strides = array<i32>} : memref<2x1024x128xf32, #tpu.memory_space<vmem>>, vector<1x1024x128xf32>,
    %slice3A_21 = vector.extract_strided_slice %mul3A_15 {offsets = [0, 128], sizes = [1024, 128], strides = [1, 1]} : vector<1024x256xf32> to vector<1024x128xf32>
    %swap3A_22 = arith.constant 1 : index
    %swap3A_23 = arith.constant 0 : index
    %swap3A_24 = arith.constant 0 : index
    %swap3A_25 = vector.load %arg3[%swap3A_22, %swap3A_23, %swap3A_24] : memref<2x1024x128xf32, #tpu.memory_space<vmem>>, vector<1x1024x128xf32>
    %swap3A_26 = vector.shape_cast %swap3A_25 : vector<1x1024x128xf32> to vector<1024x128xf32>
    %swap3A_27 = vector.shape_cast %slice3A_21 : vector<1024x128xf32> to vector<1x1024x128xf32>
    tpu.vector_store %arg3[%swap3A_22, %swap3A_23, %swap3A_24], %swap3A_27 {strides = array<i32>} : memref<2x1024x128xf32, #tpu.memory_space<vmem>>, vector<1x1024x128xf32>,
    %broadcast_in_dim3A = vector.shape_cast %rsqrt3A : vector<1024x1xf32> to vector<1024x1xf32>
    %broadcast_in_dim3A_28 = vector.broadcast %broadcast_in_dim3A : vector<1024x1xf32> to vector<1024x128xf32>
    %swap3A_29 = arith.constant 0 : index
    %swap3A_30 = arith.constant 0 : index
    %swap3A_31 = vector.load %arg4[%swap3A_29, %swap3A_30] : memref<1024x128xf32, #tpu.memory_space<vmem>>, vector<1024x128xf32>
    tpu.vector_store %arg4[%swap3A_29, %swap3A_30], %broadcast_in_dim3A_28 {strides = array<i32>} : memref<1024x128xf32, #tpu.memory_space<vmem>>, vector<1024x128xf32>,
    return
  }
  func.func @transform_0(%arg0: i32) -> (i32, i32) {
    %c0_i32 = arith.constant 0 : i32
    %c0_i32_0 = arith.constant 0 : i32
    return %arg0, %c0_i32 : i32, i32
  }
  func.func @transform_1(%arg0: i32) -> (i32, i32, i32) {
    %c0_i32 = arith.constant 0 : i32
    %c0_i32_0 = arith.constant 0 : i32
    %c0_i32_1 = arith.constant 0 : i32
    return %c0_i32, %arg0, %c0_i32_0 : i32, i32, i32
  }
  func.func @transform_2(%arg0: i32) -> (i32, i32, i32) {
    %c0_i32 = arith.constant 0 : i32
    %c0_i32_0 = arith.constant 0 : i32
    %c0_i32_1 = arith.constant 0 : i32
    return %c0_i32, %arg0, %c0_i32_0 : i32, i32, i32
  }
  func.func @transform_3(%arg0: i32) -> (i32, i32) {
    %c0_i32 = arith.constant 0 : i32
    %c0_i32_0 = arith.constant 0 : i32
    return %arg0, %c0_i32 : i32, i32
  }
}

module attributes {stable_mosaic.version = 14 : i64} {
  func.func @_out_body(%arg0: i32, %arg1: memref<2x1024x128xf32, #tpu.memory_space<vmem>>, %arg2: memref<1024x256xf32, #tpu.memory_space<vmem>>, %arg3: memref<1024x128xf32, #tpu.memory_space<vmem>>, %arg4: memref<256x512xf32, #tpu.memory_space<vmem>>, %arg5: memref<1x512xf32, #tpu.memory_space<vmem>>, %arg6: memref<1024x512xf32, #tpu.memory_space<vmem>>) attributes {dimension_semantics = [#tpu.dimension_semantics<arbitrary>], iteration_bounds = array<i64: 10>, scalar_prefetch = 0 : i64, scratch_operands = 0 : i64, tpu.core_type = #tpu.core_type<tc>, window_params = [{transform_indices = @transform_0, window_bounds = array<i64: 2, 1024, 128>}, {transform_indices = @transform_1, window_bounds = array<i64: 1024, 256>}, {transform_indices = @transform_2, window_bounds = array<i64: 1024, 128>}, {pipeline_mode = #tpu.pipeline_mode<synchronous>, transform_indices = @transform_3, window_bounds = array<i64: 256, 512>}, {pipeline_mode = #tpu.pipeline_mode<synchronous>, transform_indices = @transform_4, window_bounds = array<i64: 1, 512>}, {transform_indices = @transform_5, window_bounds = array<i64: 1024, 512>}]} {
    %get3A = arith.constant 0 : index
    %get3A_0 = arith.constant 0 : index
    %get3A_1 = vector.load %arg3[%get3A, %get3A_0] : memref<1024x128xf32, #tpu.memory_space<vmem>>, vector<1024x1xf32>
    %get3A_2 = arith.constant 0 : index
    %get3A_3 = arith.constant 0 : index
    %get3A_4 = arith.constant 0 : index
    %get3A_5 = vector.load %arg1[%get3A_2, %get3A_3, %get3A_4] : memref<2x1024x128xf32, #tpu.memory_space<vmem>>, vector<1x1024x128xf32>
    %get3A_6 = vector.shape_cast %get3A_5 : vector<1x1024x128xf32> to vector<1024x128xf32>
    %get3A_7 = arith.constant 1 : index
    %get3A_8 = arith.constant 0 : index
    %get3A_9 = arith.constant 0 : index
    %get3A_10 = vector.load %arg1[%get3A_7, %get3A_8, %get3A_9] : memref<2x1024x128xf32, #tpu.memory_space<vmem>>, vector<1x1024x128xf32>
    %get3A_11 = vector.shape_cast %get3A_10 : vector<1x1024x128xf32> to vector<1024x128xf32>
    %concatenate3A = tpu.concatenate %get3A_6, %get3A_11 in 1 : vector<1024x128xf32>, vector<1024x128xf32> -> vector<1024x256xf32>
    %get3A_12 = arith.constant 0 : index
    %get3A_13 = arith.constant 0 : index
    %get3A_14 = vector.load %arg2[%get3A_12, %get3A_13] : memref<1024x256xf32, #tpu.memory_space<vmem>>, vector<1024x256xf32>
    %mul3A = vector.broadcast %get3A_1 : vector<1024x1xf32> to vector<1024x256xf32>
    %mul3A_15 = arith.mulf %get3A_14, %mul3A : vector<1024x256xf32>
    %add3A = arith.addf %concatenate3A, %mul3A_15 : vector<1024x256xf32>
    %mul3A_16 = vector.broadcast %get3A_1 : vector<1024x1xf32> to vector<1024x256xf32>
    %mul3A_17 = arith.mulf %add3A, %mul3A_16 : vector<1024x256xf32>
    %get3A_18 = arith.constant 0 : index
    %get3A_19 = arith.constant 0 : index
    %get3A_20 = vector.load %arg4[%get3A_18, %get3A_19] : memref<256x512xf32, #tpu.memory_space<vmem>>, vector<256x512xf32>
    %dot_general3A = arith.constant dense<0.000000e+00> : vector<1024x512xf32>
    %dot_general3A_21 = tpu.matmul %mul3A_17, %get3A_20, %dot_general3A {dimension_numbers = #tpu.dot_dimension_numbers<[1], [0], [0], [1], [0, 0, 1, 1], [], []>, transpose_lhs_hint = false} : vector<1024x256xf32>, vector<256x512xf32>, vector<1024x512xf32> -> vector<1024x512xf32>
    %get3A_22 = arith.constant 0 : index
    %get3A_23 = arith.constant 0 : index
    %get3A_24 = vector.load %arg5[%get3A_22, %get3A_23] : memref<1x512xf32, #tpu.memory_space<vmem>>, vector<1x512xf32>
    %add3A_25 = vector.broadcast %get3A_24 : vector<1x512xf32> to vector<1024x512xf32>
    %add3A_26 = arith.addf %dot_general3A_21, %add3A_25 : vector<1024x512xf32>
    %gt3A = arith.constant 0.000000e+00 : f32
    %gt3A_27 = vector.broadcast %gt3A : f32 to vector<1024x512xf32>
    %gt3A_28 = arith.cmpf ogt, %add3A_26, %gt3A_27 : vector<1024x512xf32>
    %mul3A_29 = arith.constant 1.000000e-01 : f32
    %mul3A_30 = vector.broadcast %mul3A_29 : f32 to vector<1024x512xf32>
    %mul3A_31 = arith.mulf %mul3A_30, %add3A_26 : vector<1024x512xf32>
    %select_n3A = arith.select %gt3A_28, %add3A_26, %mul3A_31 : vector<1024x512xi1>, vector<1024x512xf32>
    %swap3A = arith.constant 0 : index
    %swap3A_32 = arith.constant 0 : index
    %swap3A_33 = vector.load %arg6[%swap3A, %swap3A_32] : memref<1024x512xf32, #tpu.memory_space<vmem>>, vector<1024x512xf32>
    tpu.vector_store %arg6[%swap3A, %swap3A_32], %select_n3A {strides = array<i32>} : memref<1024x512xf32, #tpu.memory_space<vmem>>, vector<1024x512xf32>,
    return
  }
  func.func @transform_0(%arg0: i32) -> (i32, i32, i32) {
    %c0_i32 = arith.constant 0 : i32
    %c0_i32_0 = arith.constant 0 : i32
    %c0_i32_1 = arith.constant 0 : i32
    return %c0_i32, %arg0, %c0_i32_0 : i32, i32, i32
  }
  func.func @transform_1(%arg0: i32) -> (i32, i32) {
    %c0_i32 = arith.constant 0 : i32
    %c0_i32_0 = arith.constant 0 : i32
    return %arg0, %c0_i32 : i32, i32
  }
  func.func @transform_2(%arg0: i32) -> (i32, i32) {
    %c0_i32 = arith.constant 0 : i32
    %c0_i32_0 = arith.constant 0 : i32
    return %arg0, %c0_i32 : i32, i32
  }
  func.func @transform_3(%arg0: i32) -> (i32, i32) {
    %c0_i32 = arith.constant 0 : i32
    %c0_i32_0 = arith.constant 0 : i32
    %c0_i32_1 = arith.constant 0 : i32
    return %c0_i32, %c0_i32_0 : i32, i32
  }
  func.func @transform_4(%arg0: i32) -> (i32, i32) {
    %c0_i32 = arith.constant 0 : i32
    %c0_i32_0 = arith.constant 0 : i32
    %c0_i32_1 = arith.constant 0 : i32
    return %c0_i32, %c0_i32_0 : i32, i32
  }
  func.func @transform_5(%arg0: i32) -> (i32, i32) {
    %c0_i32 = arith.constant 0 : i32
    %c0_i32_0 = arith.constant 0 : i32
    return %arg0, %c0_i32 : i32, i32
  }
}

</mosaic_0001>

<sc_bundles>
// kernel: kernel.6.cloned.1.call-start
scs
__scs_entry_jumppad:
0x0: {  	(pc) =	sbr.rel $0x88, $3  }
0x1: {  	(tag) =	ssettag $0x0;
	lr =	simm.s32 $0x1  }
0x2: {  	[smem:$0x3F9D] =	sst lr;
	_ =	strace $0xD0000000  }
0x3: {  	_ = 	snop  }
0x4: {  	_ = 	snop  }
0x5: {  	_ = 	snop  }
0x6: {  	_ = 	snop  }
0x7: {  	_ = 	snop  }
__scs_overlays_trampoline_lowered:
0x8: {  	[smem:$0x3FAC] =	sst s0  }
0x9: {  	[smem:$0x3FAD] =	sst s1  }
0xa: {  	[smem:$0x3FAE] =	sst s2  }
0xb: {  	[smem:$0x3FAF] =	sst s3  }
0xc: {  	[smem:$0x3FB0] =	sst s4  }
0xd: {  	[smem:$0x3FB1] =	sst s5  }
0xe: {  	[smem:$0x3FB2] =	sst s6  }
0xf: {  	[smem:$0x3FB3] =	sst s7  }
0x10: {  	[smem:$0x3FB4] =	sst s8  }
0x11: {  	[smem:$0x3FB5] =	sst s9;
	s0 =	simm.s32 @!p0 $0x0  }
0x12: {  	s1 =	sld [smem:$0x3F9B];
	s0 =	simm.s32 @p0 $0x1  }
0x13: {  	[smem:$0x3FB6] =	sst s0;
	s0 =	simm.s32 @!p1 $0x0  }
0x14: {  	s2 =	sld [smem:$0x3F9A];
	s0 =	simm.s32 @p1 $0x1  }
0x15: {  	[smem:$0x3FB7] =	sst s0;
	s0 =	simm.s32 @!p2 $0x0  }
0x16: {  	s3 =	sld [smem:$0x3FDB];
	s0 =	simm.s32 @p2 $0x1  }
0x17: {  	s4 =	simm.s32 $0x1BF5;
	[smem:$0x3FB9] =	sst s0  }
0x18: {  	s0 =	sld [smem:$0x3F9C];
	_ =	swait.ge [sflag:s4], $0x0  }
0x19: {  	s7 =	sld [smem:$0x3F9D]  }
0x1a: {  	s8 =	sadd.s32 $0xFFFFE003, lr  }
0x1b: {  	s9 =	sadd.s32 $0xFFFFFEF7, lr;
	s5 =	simm.s32 $0xFFFFFFFF;
	p2 =	slt.u32 s8, $0xFFFFF086  }
0x1c: {  	p1 =	slt.u32 s9, $0xF7A;
	s5 =	simm.s32 @!p2 $0x0  }
0x1d: {  	s5 =	simm.s32 @p1 $0x1;
	p0 =	seq.s32 s7, s2  }
0x1e: {  	s7 =	smul.u32 @!p0 $0xF7A, s2;
	p2 =	seq.s32 @!p0 s5, $0x0  }
0x1f: {  	s9 =	smul.u32 $0xF7A, s1;
	s8 =	simm.s32 @!p0 $0x1BF5;
	p2 =	por !p2, p0  }
0x20: {  	[sflag:s8] =	ssyncset.s32 @!p0 $0xFFFFF086;
	s6 =	sadd.s32 @!p0 s3, s7;
	s7 =	simm.s32 @!p0 $0x108  }
0x21: {  	s3 =	sadd.s32 s3, s9;
	s6 =	sadd.s32 @!p0 $0x88, s6;
	s7 =	simm.s32 @p2 $0x1082  }
0x22: {  	[simem:s7], [sflag:s8] =	dma.local @!p0 [hbm:s6], $0xF7A  }
0x23: {  	s9 =	sor.u32 $0xD0000000, s2;
	s6 =	simm.s32 $0x108;
	_ =	swait.ge @!p0 [sflag:s8], $0x0  }
0x24: {  	s3 =	sadd.s32 $0x88, s3;
	s6 =	simm.s32 @!p1 $0x1082;
	[sflag:s4] =	ssyncset.s32 $0xFFFFF086  }
0x25: {  	[simem:s6], [sflag:s4] =	dma.local [hbm:s3], $0xF7A  }
0x26: {  	[smem:$0x3F9D] =	sst s1;
	(tag) =	ssettag s2;
	_ =	strace s9  }
0x27: {  	s1 =	sld [smem:$0x3FAD]  }
0x28: {  	s2 =	sld [smem:$0x3FAE]  }
0x29: {  	s4 =	sld [smem:$0x3FB0]  }
0x2a: {  	p0 =	seq.s32 s5, $0x0;
	s5 =	sld [smem:$0x3FB1]  }
0x2b: {  	s6 =	sld [smem:$0x3FB2]  }
0x2c: {  	s7 =	sld [smem:$0x3FB3]  }
0x2d: {  	s3 =	simm.s32 $0x108;
	s8 =	sld [smem:$0x3FB4]  }
0x2e: {  	s3 =	simm.s32 @!p0 $0x1082;
	s9 =	sld [smem:$0x3FB5]  }
0x2f: {  	lr =	sadd.s32 s0, s3;
	s0 =	sld [smem:$0x3FAC]  }
0x30: {  	s3 =	sld [smem:$0x3FAF]  }
0x31: {  	[smem:$0x3FB8] =	sst s10  }
0x32: {  	s10 =	sld [smem:$0x3FB6];
	_ =	sdelay $0x3  }
0x33: {  	p0 =	seq.s32 s10, $0x1;
	s10 =	sld [smem:$0x3FB8];
	_ =	sdelay $0x3  }
0x34: {  	[smem:$0x3FB8] =	sst s10  }
0x35: {  	s10 =	sld [smem:$0x3FB7];
	_ =	sdelay $0x3  }
0x36: {  	p1 =	seq.s32 s10, $0x1;
	s10 =	sld [smem:$0x3FB8];
	_ =	sdelay $0x3  }
0x37: {  	[smem:$0x3FB8] =	sst s10  }
0x38: {  	s10 =	sld [smem:$0x3FB9]  }
0x39: {  	_ = 	snop;
	(pc) =	sbr.ind lr, $3  }
0x3a: {  	_ = 	snop  }
0x3b: {  	_ = 	snop  }
0x3c: {  	p2 =	seq.s32 s10, $0x1;
	s10 =	sld [smem:$0x3FB8]  }
0x3d: {  	_ =	shalt  }
0x3e: {  	_ =	shalt  }
0x3f: {  	_ =	shalt  }
0x40: {  	_ =	shalt  }
0x41: {  	_ =	shalt  }
0x42: {  	_ =	shalt  }
0x43: {  	_ =	shalt  }
0x44: {  	_ =	shalt  }
0x45: {  	_ =	shalt  }
0x46: {  	_ =	shalt  }
0x47: {  	_ =	shalt  }
0x48: {  	_ =	shalt  }
0x49: {  	_ =	shalt  }
0x4a: {  	_ =	shalt  }
0x4b: {  	_ =	shalt  }
0x4c: {  	_ =	shalt  }
0x4d: {  	_ =	shalt  }
0x4e: {  	_ =	shalt  }
0x4f: {  	_ =	shalt  }
0x50: {  	_ =	shalt  }
0x51: {  	_ =	shalt  }
0x52: {  	_ =	shalt  }
0x53: {  	_ =	shalt  }
0x54: {  	_ =	shalt  }
0x55: {  	_ =	shalt  }
0x56: {  	_ =	shalt  }
0x57: {  	_ =	shalt  }
0x58: {  	_ =	shalt  }
0x59: {  	_ =	shalt  }
0x5a: {  	_ =	shalt  }
0x5b: {  	_ =	shalt  }
0x5c: {  	_ =	shalt  }
0x5d: {  	_ =	shalt  }
0x5e: {  	_ =	shalt  }
0x5f: {  	_ =	shalt  }
0x60: {  	_ =	shalt  }
0x61: {  	_ =	shalt  }
0x62: {  	_ =	shalt  }
0x63: {  	_ =	shalt  }
0x64: {  	_ =	shalt  }
0x65: {  	_ =	shalt  }
0x66: {  	_ =	shalt  }
0x67: {  	_ =	shalt  }
0x68: {  	_ =	shalt  }
0x69: {  	_ =	shalt  }
0x6a: {  	_ =	shalt  }
0x6b: {  	_ =	shalt  }
0x6c: {  	_ =	shalt  }
0x6d: {  	_ =	shalt  }
0x6e: {  	_ =	shalt  }
0x6f: {  	_ =	shalt  }
0x70: {  	_ =	shalt  }
0x71: {  	_ =	shalt  }
0x72: {  	_ =	shalt  }
0x73: {  	_ =	shalt  }
0x74: {  	_ =	shalt  }
0x75: {  	_ =	shalt  }
0x76: {  	_ =	shalt  }
0x77: {  	_ =	shalt  }
0x78: {  	_ =	shalt  }
0x79: {  	_ =	shalt  }
0x7a: {  	_ =	shalt  }
0x7b: {  	_ =	shalt  }
0x7c: {  	_ =	shalt  }
0x7d: {  	_ =	shalt  }
0x7e: {  	_ =	shalt  }
0x7f: {  	_ =	shalt  }
0x80: {  	_ =	shalt  }
0x81: {  	_ =	shalt  }
0x82: {  	_ =	shalt  }
0x83: {  	_ =	shalt  }
0x84: {  	_ =	shalt  }
0x85: {  	_ =	shalt  }
0x86: {  	_ =	shalt  }
0x87: {  	_ =	shalt  }
.Lfunc_end0:
.L_simem_size_0:
called_computation_lowered:
.L_overlay_start_0:
0x88: {  	s2 =	sld [smem:$0x3FD9]  }
0x89: {  	s3 =	sld [smem:$0x3FFE];
	_ =	sdelay $0x1  }
0x8a: {  	s1 =	srdreg.scid  }
0x8b: {  	s0 =	sand.u32 $0x1, s1  }
0x8c: {  	s16 =	sshll.u32 s0, $0xA;
	s2 =	sadd.s32 s3, s2  }
0x8d: {  	s2 =	sadd.s32 s2, s16  }
0x8e: {  	[smem:$0x3FC4] =	sst s2  }
0x8f: {  	_ = 	snop  }
0x90: {  	(tm) =	ssettm $0x1  }
0x91: {  	s17 =	sld [smem:$0x3FFB];
	_ =	sdelay $0x3  }
0x92: {  	_ =	strace s17  }
0x93: {  	s2 =	sld [smem:$0x3FFC];
	_ =	sdelay $0x3  }
0x94: {  	_ =	strace s2  }
0x95: {  	s2 =	sld [smem:$0x3FFD];
	_ =	sdelay $0x3  }
0x96: {  	_ =	strace s2  }
0x97: {  	_ =	strace $0x8FFFFFFF  }
0x98: {  	s18 =	sld [smem:$0x3FDB];
	_ =	sdelay $0x1  }
0x99: {  	s19 =	simm.s32 $_scs_section_size  }
0x9a: {  	s4 =	simm.s32 $_size__tile_overlayer_lowered;
	s5 =	simm.s32 $_tile_overlayer_lowered  }
0x9b: {  	s22 =	simm.s32 $0x1BFF;
	s21 =	sshll.u32 s5, $0x1;
	s2 =	sadd.s32 s19, s18  }
0x9c: {  	s6 =	simm.s32 $0x0;
	s20 =	sshll.u32 s4, $0x1;
	s4 =	sadd.s32 s21, s2  }
0x9d: {  	[timem:s6], [sflag:s22] =	dma.local [hbm:s4], s20  }
0x9e: {  	_ =	swait.ge [sflag:s22], s20  }
0x9f: {  	s3 =	ssub.s32 $0x0, s20;
	[sflag:s22] =	ssyncset.done $0x0  }
0xa0: {  	[sflag:s22] =	ssyncadd.s32 s3;
	_ =	sdelay $0x1  }
0xa1: {  	s23 =	simm.s32 $0x1B8B  }
0xa2: {  	_ =	swait.ge [sflag:s23], $0x1  }
0xa3: {  	[sflag:s23] =	ssyncset.done $0x0  }
0xa4: {  	s25 =	simm.s32 $0x1B8E;
	s24 =	sld [smem:$0x3FFE];
	[sflag:s23] =	ssyncadd.s32 $0xFFFFFFFF  }
0xa5: {  	s26 =	simm.s32 $execute0_lowered;
	[smem:$0x3FD2] =	sst s25  }
0xa6: {  	s4 =	sshll.u32 s26, $0x1;
	_ =	strace $0x80000046;
	[dreg:$0x1] =	wrdreg $0xFFFFFFFF  }
0xa7: {  	s28 =	simm.s32 $_size_execute0_lowered;
	s2 =	sadd.s32 s2, s4;
	[dreg:$0x0] =	wrdreg $0x0  }
0xa8: {  	s4 =	sshll.u32 s28, $0x1;
	[dreg:$0x2] =	wrdreg s2  }
0xa9: {  	[dreg:$0x3] =	wrdreg s4  }
0xaa: {  	[dreg:$0x4] =	wrdreg $0xC0  }
0xab: {  	_ =	task [dreg:s6], $0x5FFFF  }
0xac: {  	[dreg:$0x1] =	wrdreg $0xFFFFFFFF  }
0xad: {  	[dreg:$0x0] =	wrdreg $0x60  }
0xae: {  	[dreg:$0x2] =	wrdreg s24  }
0xaf: {  	[dreg:$0x3] =	wrdreg $0x94000  }
0xb0: {  	[dreg:$0x4] =	wrdreg $0x9  }
0xb1: {  	_ =	task.clear_ibuf [dreg:s6], $0x5FFFF;
	_ =	strace $0x90000046  }
0xb2: {  	s29 =	simm.s32 $0x9;
	_ =	strace $0x80000048  }
0xb3: {  	_ =	swait.ge [sflag:s29], $0x1  }
0xb4: {  	[sflag:s29] =	ssyncadd.s32 $0xFFFFFFFF  }
0xb5: {  	_ =	strace $0x90000048  }
0xb6: {  	_ =	sfence  }
0xb7: {  	s30 =	sld [smem:$0x0];
	_ =	sdelay $0x2  }
0xb8: {  	s31 =	sshll.u32 s1, $0xD;
	s1 =	sshrl.u32 s1, $0x2  }
0xb9: {  	s3 =	sand.u32 $0x4000, s31;
	s1 =	sadd.s32 s1, s30  }
0xba: {  	s0 =	sor.u32 s3, s0;
	s1 =	sshll.u32 s1, $0x11  }
0xbb: {  	s0 =	sor.u32 s1, s0  }
0xbc: {  	s0 =	sadd.s32 $0x8F2B, s0  }
0xbd: {  	[sflag:s0] =	ssyncadd.remote.s32 $0x1  }
0xbe: {  	_ =	sfence.sel $0xFFFF  }
0xbf: {  	[dreg:$0x0] =	wrdreg $0xFFFFFFFF;
	(pc) =	sbr.abs _section_cstart, $3  }
0xc0: {  	[dreg:$0x1] =	wrdreg $0xFFFFFFFF  }
0xc1: {  	_ =	task.clear_ibuf [dreg:s6], $0x2FFFF;
	_ =	strace $0x9FFFFFFF  }
0xc2: {  	(tm) =	ssettm $0x7FFFFFFF  }
0xc3: {  	_ =	shalt  }
tec
execute0_lowered:
.L_overlay_start_1:
0x0: {  	(tag) =	ssettag $0x1  }
0x1: {  	s0 =	rddreg [dreg:$0x0]  }
0x2: {  	s1 =	rddreg [dreg:$0x1];
	s2 =	srdreg.scid  }
0x3: {  	s3 =	simm.s32 $0x0;
	s11 =	stileid.u32;
	s17 =	simm.s32 $0x5400  }
0x4: {  	s18 =	simm.s32 $0x80;
	s19 =	simm.s32 $0x1400;
	s22 =	simm.s32 $0xF00  }
0x5: {  	s23 =	simm.s32 $0xF80;
	s24 =	simm.s32 $0x1000;
	s25 =	simm.s32 $0x1080  }
0x6: {  	s28 =	simm.s32 $0x1180;
	s29 =	simm.s32 $0x1200;
	s6 =	smul.u32 $0x280, s11  }
0x7: {  	s30 =	simm.s32 $0x1280;
	s31 =	simm.s32 $0x1300;
	s7 =	smul.u32 $0x50000, s11  }
0x8: {  	s20 =	simm.s32 $0x0;
	s2 =	sand.u32 $0x1, s2;
	s11 =	smul.u32 $0x14000, s11  }
0x9: {  	[smem:$0x7FF] =	sst s3;
	s4 =	smul.u32 $0x2800, s2;
	s5 =	ssub.s32 $0x2, s2  }
0xa: {  	_ =	strace $0x80000047;
	s2 =	smul.u32 $0x140000, s2;
	s8 =	sshrl.u32 s5, $0x1  }
0xb: {  	s26 =	sshrl.u32 s7, $0x2;
	s9 =	sshll.u32 s6, $0x7;
	s4 =	sadd.s32 s6, s4  }
0xc: {  	s15 =	ssub.s32 s5, s8;
	s5 =	sadd.s32 s26, s1;
	s10 =	sadd.s32 $0x4000, s9  }
0xd: {  	s12 =	sadd.s32 $0x8000, s9;
	s13 =	sadd.s32 $0xC000, s9;
	s11 =	sadd.s32 s11, s2  }
0xe: {  	s14 =	sadd.s32 $0x10000, s9;
	s26 =	simm.s32 $0x1100;
	s4 =	sadd.s32 s4, s0  }
0xf: {  	s0 =	sadd.s32 $0x6800, s0;
	s6 =	sadd.s32 s10, s1;
	s7 =	sadd.s32 s12, s1  }
0x10: {  	s8 =	sadd.s32 s13, s1;
	s10 =	sadd.s32 s2, s10;
	s11 =	sshrl.u32 s11, $0x3  }
0x11: {  	s9 =	sadd.s32 s14, s1;
	s12 =	sadd.s32 s2, s12;
	s13 =	sadd.s32 s2, s13  }
0x12: {  	s2 =	sadd.s32 s2, s14;
	s15 =	smax.u32 s15, $0x1;
	s4 =	sadd.s32 $0x1800, s4  }
0x13: {  	s16 =	sshrl.u32 s10, $0x3;
	s10 =	sadd.s32 s0, s11;
	s12 =	sshrl.u32 s12, $0x3  }
0x14: {  	s13 =	sshrl.u32 s13, $0x3;
	s2 =	sshrl.u32 s2, $0x3;
	s11 =	sadd.s32 s0, s16  }
0x15: {  	s12 =	sadd.s32 s0, s12;
	s13 =	sadd.s32 s0, s13;
	s14 =	sadd.s32 s0, s2  }
0x16: {  	v0 =	vimm.f32 $1.000000000e+00;
	v1 =	vimm.f32 $0.0e+00;
	s16 =	simm.s32 $0x2;
	s0 =	simm.s32 $0x1380;
	s2 =	simm.s32 $0x1  }
.LBB2_1:
0x17: {  	[tilespmem:s3], [sflag:$0x2] =	stream.linear.gather [hbm4b:s4+s3], $0x1400, $0x38;
	[tilespmem:$0x1D400] =	vst v63  }
0x18: {  	_ =	swait.ge [sflag:s16], $0x1400  }
0x19: {  	[sflag:s16] =	ssyncset.done $0x0  }
0x1a: {  	[sflag:s16] =	ssyncadd.s32 $0xFFFFEC00  }
0x1b: {  	[tilespmem:$0x1400] =	vst v0  }
0x1c: {  	[tilespmem:$0x1410] =	vst v0  }
0x1d: {  	[tilespmem:$0x1420] =	vst v0  }
0x1e: {  	[tilespmem:$0x1430] =	vst v0  }
0x1f: {  	[tilespmem:$0x1440] =	vst v0  }
0x20: {  	[tilespmem:$0x1450] =	vst v0  }
0x21: {  	[tilespmem:$0x1460] =	vst v0  }
0x22: {  	[tilespmem:$0x1470] =	vst v0  }
0x23: {  	[tilespmem:$0x1480] =	vst v0  }
0x24: {  	[tilespmem:$0x1490] =	vst v0  }
0x25: {  	[tilespmem:$0x14A0] =	vst v0  }
0x26: {  	[tilespmem:$0x14B0] =	vst v0  }
0x27: {  	[tilespmem:$0x14C0] =	vst v0  }
0x28: {  	[tilespmem:$0x14D0] =	vst v0  }
0x29: {  	[tilespmem:$0x14E0] =	vst v0  }
0x2a: {  	[tilespmem:$0x14F0] =	vst v0  }
0x2b: {  	[tilespmem:$0x1500] =	vst v0  }
0x2c: {  	[tilespmem:$0x1510] =	vst v0  }
0x2d: {  	[tilespmem:$0x1520] =	vst v0  }
0x2e: {  	[tilespmem:$0x1530] =	vst v0  }
0x2f: {  	[tilespmem:$0x1540] =	vst v0  }
0x30: {  	[tilespmem:$0x1550] =	vst v0  }
0x31: {  	[tilespmem:$0x1560] =	vst v0  }
0x32: {  	[tilespmem:$0x1570] =	vst v0  }
0x33: {  	[tilespmem:$0x1580] =	vst v0  }
0x34: {  	[tilespmem:$0x1590] =	vst v0  }
0x35: {  	[tilespmem:$0x15A0] =	vst v0  }
0x36: {  	[tilespmem:$0x15B0] =	vst v0  }
0x37: {  	[tilespmem:$0x15C0] =	vst v0  }
0x38: {  	[tilespmem:$0x15D0] =	vst v0  }
0x39: {  	[tilespmem:$0x15E0] =	vst v0  }
0x3a: {  	[tilespmem:$0x15F0] =	vst v0  }
0x3b: {  	[tilespmem:$0x1600] =	vst v0  }
0x3c: {  	[tilespmem:$0x1610] =	vst v0  }
0x3d: {  	[tilespmem:$0x1620] =	vst v0  }
0x3e: {  	[tilespmem:$0x1630] =	vst v0  }
0x3f: {  	[tilespmem:$0x1640] =	vst v0  }
0x40: {  	[tilespmem:$0x1650] =	vst v0  }
0x41: {  	[tilespmem:$0x1660] =	vst v0  }
0x42: {  	[tilespmem:$0x1670] =	vst v0  }
0x43: {  	[tilespmem:$0x1680] =	vst v0  }
0x44: {  	[tilespmem:$0x1690] =	vst v0  }
0x45: {  	[tilespmem:$0x16A0] =	vst v0  }
0x46: {  	[tilespmem:$0x16B0] =	vst v0  }
0x47: {  	[tilespmem:$0x16C0] =	vst v0  }
0x48: {  	[tilespmem:$0x16D0] =	vst v0  }
0x49: {  	[tilespmem:$0x16E0] =	vst v0  }
0x4a: {  	[tilespmem:$0x16F0] =	vst v0  }
0x4b: {  	[tilespmem:$0x1700] =	vst v0  }
0x4c: {  	[tilespmem:$0x1710] =	vst v0  }
0x4d: {  	[tilespmem:$0x1720] =	vst v0  }
0x4e: {  	[tilespmem:$0x1730] =	vst v0  }
0x4f: {  	[tilespmem:$0x1740] =	vst v0  }
0x50: {  	[tilespmem:$0x1750] =	vst v0  }
0x51: {  	[tilespmem:$0x1760] =	vst v0  }
0x52: {  	[tilespmem:$0x1770] =	vst v0  }
0x53: {  	[tilespmem:$0x1780] =	vst v0  }
0x54: {  	[tilespmem:$0x1790] =	vst v0  }
0x55: {  	[tilespmem:$0x17A0] =	vst v0  }
0x56: {  	[tilespmem:$0x17B0] =	vst v0  }
0x57: {  	[tilespmem:$0x17C0] =	vst v0  }
0x58: {  	[tilespmem:$0x17D0] =	vst v0  }
0x59: {  	[tilespmem:$0x17E0] =	vst v0  }
0x5a: {  	[tilespmem:$0x17F0] =	vst v0  }
0x5b: {  	[tilespmem:$0x1800] =	vst v0  }
0x5c: {  	[tilespmem:$0x1810] =	vst v0  }
0x5d: {  	[tilespmem:$0x1820] =	vst v0  }
0x5e: {  	[tilespmem:$0x1830] =	vst v0  }
0x5f: {  	[tilespmem:$0x1840] =	vst v0  }
0x60: {  	[tilespmem:$0x1850] =	vst v0  }
0x61: {  	[tilespmem:$0x1860] =	vst v0  }
0x62: {  	[tilespmem:$0x1870] =	vst v0  }
0x63: {  	[tilespmem:$0x1880] =	vst v0  }
0x64: {  	[tilespmem:$0x1890] =	vst v0  }
0x65: {  	[tilespmem:$0x18A0] =	vst v0  }
0x66: {  	[tilespmem:$0x18B0] =	vst v0  }
0x67: {  	[tilespmem:$0x18C0] =	vst v0  }
0x68: {  	[tilespmem:$0x18D0] =	vst v0  }
0x69: {  	[tilespmem:$0x18E0] =	vst v0  }
0x6a: {  	[tilespmem:$0x18F0] =	vst v0  }
0x6b: {  	[tilespmem:$0x1900] =	vst v0  }
0x6c: {  	[tilespmem:$0x1910] =	vst v0  }
0x6d: {  	[tilespmem:$0x1920] =	vst v0  }
0x6e: {  	[tilespmem:$0x1930] =	vst v0  }
0x6f: {  	[tilespmem:$0x1940] =	vst v0  }
0x70: {  	[tilespmem:$0x1950] =	vst v0  }
0x71: {  	[tilespmem:$0x1960] =	vst v0  }
0x72: {  	[tilespmem:$0x1970] =	vst v0  }
0x73: {  	[tilespmem:$0x1980] =	vst v0  }
0x74: {  	[tilespmem:$0x1990] =	vst v0  }
0x75: {  	[tilespmem:$0x19A0] =	vst v0  }
0x76: {  	[tilespmem:$0x19B0] =	vst v0  }
0x77: {  	[tilespmem:$0x19C0] =	vst v0  }
0x78: {  	[tilespmem:$0x19D0] =	vst v0  }
0x79: {  	[tilespmem:$0x19E0] =	vst v0  }
0x7a: {  	[tilespmem:$0x19F0] =	vst v0  }
0x7b: {  	[tilespmem:$0x1A00] =	vst v0  }
0x7c: {  	[tilespmem:$0x1A10] =	vst v0  }
0x7d: {  	[tilespmem:$0x1A20] =	vst v0  }
0x7e: {  	[tilespmem:$0x1A30] =	vst v0  }
0x7f: {  	[tilespmem:$0x1A40] =	vst v0  }
0x80: {  	[tilespmem:$0x1A50] =	vst v0  }
0x81: {  	[tilespmem:$0x1A60] =	vst v0  }
0x82: {  	[tilespmem:$0x1A70] =	vst v0  }
0x83: {  	[tilespmem:$0x1A80] =	vst v0  }
0x84: {  	[tilespmem:$0x1A90] =	vst v0  }
0x85: {  	[tilespmem:$0x1AA0] =	vst v0  }
0x86: {  	[tilespmem:$0x1AB0] =	vst v0  }
0x87: {  	[tilespmem:$0x1AC0] =	vst v0  }
0x88: {  	[tilespmem:$0x1AD0] =	vst v0  }
0x89: {  	[tilespmem:$0x1AE0] =	vst v0  }
0x8a: {  	[tilespmem:$0x1AF0] =	vst v0  }
0x8b: {  	[tilespmem:$0x1B00] =	vst v0  }
0x8c: {  	[tilespmem:$0x1B10] =	vst v0  }
0x8d: {  	[tilespmem:$0x1B20] =	vst v0  }
0x8e: {  	[tilespmem:$0x1B30] =	vst v0  }
0x8f: {  	[tilespmem:$0x1B40] =	vst v0  }
0x90: {  	[tilespmem:$0x1B50] =	vst v0  }
0x91: {  	[tilespmem:$0x1B60] =	vst v0  }
0x92: {  	[tilespmem:$0x1B70] =	vst v0  }
0x93: {  	[tilespmem:$0x1B80] =	vst v0  }
0x94: {  	[tilespmem:$0x1B90] =	vst v0  }
0x95: {  	[tilespmem:$0x1BA0] =	vst v0  }
0x96: {  	[tilespmem:$0x1BB0] =	vst v0  }
0x97: {  	[tilespmem:$0x1BC0] =	vst v0  }
0x98: {  	[tilespmem:$0x1BD0] =	vst v0  }
0x99: {  	[tilespmem:$0x1BE0] =	vst v0  }
0x9a: {  	[tilespmem:$0x1BF0] =	vst v0  }
0x9b: {  	[tilespmem:$0x1C00] =	vst v0  }
0x9c: {  	[tilespmem:$0x1C10] =	vst v0  }
0x9d: {  	[tilespmem:$0x1C20] =	vst v0  }
0x9e: {  	[tilespmem:$0x1C30] =	vst v0  }
0x9f: {  	[tilespmem:$0x1C40] =	vst v0  }
0xa0: {  	[tilespmem:$0x1C50] =	vst v0  }
0xa1: {  	[tilespmem:$0x1C60] =	vst v0  }
0xa2: {  	[tilespmem:$0x1C70] =	vst v0  }
0xa3: {  	[tilespmem:$0x1C80] =	vst v0  }
0xa4: {  	[tilespmem:$0x1C90] =	vst v0  }
0xa5: {  	[tilespmem:$0x1CA0] =	vst v0  }
0xa6: {  	[tilespmem:$0x1CB0] =	vst v0  }
0xa7: {  	[tilespmem:$0x1CC0] =	vst v0  }
0xa8: {  	[tilespmem:$0x1CD0] =	vst v0  }
0xa9: {  	[tilespmem:$0x1CE0] =	vst v0  }
0xaa: {  	[tilespmem:$0x1CF0] =	vst v0  }
0xab: {  	[tilespmem:$0x1D00] =	vst v0  }
0xac: {  	[tilespmem:$0x1D10] =	vst v0  }
0xad: {  	[tilespmem:$0x1D20] =	vst v0  }
0xae: {  	[tilespmem:$0x1D30] =	vst v0  }
0xaf: {  	[tilespmem:$0x1D40] =	vst v0  }
0xb0: {  	[tilespmem:$0x1D50] =	vst v0  }
0xb1: {  	[tilespmem:$0x1D60] =	vst v0  }
0xb2: {  	[tilespmem:$0x1D70] =	vst v0  }
0xb3: {  	[tilespmem:$0x1D80] =	vst v0  }
0xb4: {  	[tilespmem:$0x1D90] =	vst v0  }
0xb5: {  	[tilespmem:$0x1DA0] =	vst v0  }
0xb6: {  	[tilespmem:$0x1DB0] =	vst v0  }
0xb7: {  	[tilespmem:$0x1DC0] =	vst v0  }
0xb8: {  	[tilespmem:$0x1DD0] =	vst v0  }
0xb9: {  	[tilespmem:$0x1DE0] =	vst v0  }
0xba: {  	[tilespmem:$0x1DF0] =	vst v0  }
0xbb: {  	[tilespmem:$0x1E00] =	vst v0  }
0xbc: {  	[tilespmem:$0x1E10] =	vst v0  }
0xbd: {  	[tilespmem:$0x1E20] =	vst v0  }
0xbe: {  	[tilespmem:$0x1E30] =	vst v0  }
0xbf: {  	[tilespmem:$0x1E40] =	vst v0  }
0xc0: {  	[tilespmem:$0x1E50] =	vst v0  }
0xc1: {  	[tilespmem:$0x1E60] =	vst v0  }
0xc2: {  	[tilespmem:$0x1E70] =	vst v0  }
0xc3: {  	[tilespmem:$0x1E80] =	vst v0  }
0xc4: {  	[tilespmem:$0x1E90] =	vst v0  }
0xc5: {  	[tilespmem:$0x1EA0] =	vst v0  }
0xc6: {  	[tilespmem:$0x1EB0] =	vst v0  }
0xc7: {  	[tilespmem:$0x1EC0] =	vst v0  }
0xc8: {  	[tilespmem:$0x1ED0] =	vst v0  }
0xc9: {  	[tilespmem:$0x1EE0] =	vst v0  }
0xca: {  	[tilespmem:$0x1EF0] =	vst v0  }
0xcb: {  	[tilespmem:$0x1F00] =	vst v0  }
0xcc: {  	[tilespmem:$0x1F10] =	vst v0  }
0xcd: {  	[tilespmem:$0x1F20] =	vst v0  }
0xce: {  	[tilespmem:$0x1F30] =	vst v0  }
0xcf: {  	[tilespmem:$0x1F40] =	vst v0  }
0xd0: {  	[tilespmem:$0x1F50] =	vst v0  }
0xd1: {  	[tilespmem:$0x1F60] =	vst v0  }
0xd2: {  	[tilespmem:$0x1F70] =	vst v0  }
0xd3: {  	[tilespmem:$0x1F80] =	vst v0  }
0xd4: {  	[tilespmem:$0x1F90] =	vst v0  }
0xd5: {  	[tilespmem:$0x1FA0] =	vst v0  }
0xd6: {  	[tilespmem:$0x1FB0] =	vst v0  }
0xd7: {  	[tilespmem:$0x1FC0] =	vst v0  }
0xd8: {  	[tilespmem:$0x1FD0] =	vst v0  }
0xd9: {  	[tilespmem:$0x1FE0] =	vst v0  }
0xda: {  	[tilespmem:$0x1FF0] =	vst v0  }
0xdb: {  	[tilespmem:$0x2000] =	vst v0  }
0xdc: {  	[tilespmem:$0x2010] =	vst v0  }
0xdd: {  	[tilespmem:$0x2020] =	vst v0  }
0xde: {  	[tilespmem:$0x2030] =	vst v0  }
0xdf: {  	[tilespmem:$0x2040] =	vst v0  }
0xe0: {  	[tilespmem:$0x2050] =	vst v0  }
0xe1: {  	[tilespmem:$0x2060] =	vst v0  }
0xe2: {  	[tilespmem:$0x2070] =	vst v0  }
0xe3: {  	[tilespmem:$0x2080] =	vst v0  }
0xe4: {  	[tilespmem:$0x2090] =	vst v0  }
0xe5: {  	[tilespmem:$0x20A0] =	vst v0  }
0xe6: {  	[tilespmem:$0x20B0] =	vst v0  }
0xe7: {  	[tilespmem:$0x20C0] =	vst v0  }
0xe8: {  	[tilespmem:$0x20D0] =	vst v0  }
0xe9: {  	[tilespmem:$0x20E0] =	vst v0  }
0xea: {  	[tilespmem:$0x20F0] =	vst v0  }
0xeb: {  	[tilespmem:$0x2100] =	vst v0  }
0xec: {  	[tilespmem:$0x2110] =	vst v0  }
0xed: {  	[tilespmem:$0x2120] =	vst v0  }
0xee: {  	[tilespmem:$0x2130] =	vst v0  }
0xef: {  	[tilespmem:$0x2140] =	vst v0  }
0xf0: {  	[tilespmem:$0x2150] =	vst v0  }
0xf1: {  	[tilespmem:$0x2160] =	vst v0  }
0xf2: {  	[tilespmem:$0x2170] =	vst v0  }
0xf3: {  	[tilespmem:$0x2180] =	vst v0  }
0xf4: {  	[tilespmem:$0x2190] =	vst v0  }
0xf5: {  	[tilespmem:$0x21A0] =	vst v0  }
0xf6: {  	[tilespmem:$0x21B0] =	vst v0  }
0xf7: {  	[tilespmem:$0x21C0] =	vst v0  }
0xf8: {  	[tilespmem:$0x21D0] =	vst v0  }
0xf9: {  	[tilespmem:$0x21E0] =	vst v0  }
0xfa: {  	[tilespmem:$0x21F0] =	vst v0  }
0xfb: {  	[tilespmem:$0x2200] =	vst v0  }
0xfc: {  	[tilespmem:$0x2210] =	vst v0  }
0xfd: {  	[tilespmem:$0x2220] =	vst v0  }
0xfe: {  	[tilespmem:$0x2230] =	vst v0  }
0xff: {  	[tilespmem:$0x2240] =	vst v0  }
0x100: {  	[tilespmem:$0x2250] =	vst v0  }
0x101: {  	[tilespmem:$0x2260] =	vst v0  }
0x102: {  	[tilespmem:$0x2270] =	vst v0  }
0x103: {  	[tilespmem:$0x2280] =	vst v0  }
0x104: {  	[tilespmem:$0x2290] =	vst v0  }
0x105: {  	[tilespmem:$0x22A0] =	vst v0  }
0x106: {  	[tilespmem:$0x22B0] =	vst v0  }
0x107: {  	[tilespmem:$0x22C0] =	vst v0  }
0x108: {  	[tilespmem:$0x22D0] =	vst v0  }
0x109: {  	[tilespmem:$0x22E0] =	vst v0  }
0x10a: {  	[tilespmem:$0x22F0] =	vst v0  }
0x10b: {  	[tilespmem:$0x2300] =	vst v0  }
0x10c: {  	[tilespmem:$0x2310] =	vst v0  }
0x10d: {  	[tilespmem:$0x2320] =	vst v0  }
0x10e: {  	[tilespmem:$0x2330] =	vst v0  }
0x10f: {  	[tilespmem:$0x2340] =	vst v0  }
0x110: {  	[tilespmem:$0x2350] =	vst v0  }
0x111: {  	[tilespmem:$0x2360] =	vst v0  }
0x112: {  	[tilespmem:$0x2370] =	vst v0  }
0x113: {  	[tilespmem:$0x2380] =	vst v0  }
0x114: {  	[tilespmem:$0x2390] =	vst v0  }
0x115: {  	[tilespmem:$0x23A0] =	vst v0  }
0x116: {  	[tilespmem:$0x23B0] =	vst v0  }
0x117: {  	[tilespmem:$0x23C0] =	vst v0  }
0x118: {  	[tilespmem:$0x23D0] =	vst v0  }
0x119: {  	[tilespmem:$0x23E0] =	vst v0  }
0x11a: {  	[tilespmem:$0x23F0] =	vst v0  }
0x11b: {  	[tilespmem:$0x2400] =	vst v0  }
0x11c: {  	[tilespmem:$0x2410] =	vst v0  }
0x11d: {  	[tilespmem:$0x2420] =	vst v0  }
0x11e: {  	[tilespmem:$0x2430] =	vst v0  }
0x11f: {  	[tilespmem:$0x2440] =	vst v0  }
0x120: {  	[tilespmem:$0x2450] =	vst v0  }
0x121: {  	[tilespmem:$0x2460] =	vst v0  }
0x122: {  	[tilespmem:$0x2470] =	vst v0  }
0x123: {  	[tilespmem:$0x2480] =	vst v0  }
0x124: {  	[tilespmem:$0x2490] =	vst v0  }
0x125: {  	[tilespmem:$0x24A0] =	vst v0  }
0x126: {  	[tilespmem:$0x24B0] =	vst v0  }
0x127: {  	[tilespmem:$0x24C0] =	vst v0  }
0x128: {  	[tilespmem:$0x24D0] =	vst v0  }
0x129: {  	[tilespmem:$0x24E0] =	vst v0  }
0x12a: {  	[tilespmem:$0x24F0] =	vst v0  }
0x12b: {  	[tilespmem:$0x2500] =	vst v0  }
0x12c: {  	[tilespmem:$0x2510] =	vst v0  }
0x12d: {  	[tilespmem:$0x2520] =	vst v0  }
0x12e: {  	[tilespmem:$0x2530] =	vst v0  }
0x12f: {  	[tilespmem:$0x2540] =	vst v0  }
0x130: {  	[tilespmem:$0x2550] =	vst v0  }
0x131: {  	[tilespmem:$0x2560] =	vst v0  }
0x132: {  	[tilespmem:$0x2570] =	vst v0  }
0x133: {  	[tilespmem:$0x2580] =	vst v0  }
0x134: {  	[tilespmem:$0x2590] =	vst v0  }
0x135: {  	[tilespmem:$0x25A0] =	vst v0  }
0x136: {  	[tilespmem:$0x25B0] =	vst v0  }
0x137: {  	[tilespmem:$0x25C0] =	vst v0  }
0x138: {  	[tilespmem:$0x25D0] =	vst v0  }
0x139: {  	[tilespmem:$0x25E0] =	vst v0  }
0x13a: {  	[tilespmem:$0x25F0] =	vst v0  }
0x13b: {  	[tilespmem:$0x2600] =	vst v0  }
0x13c: {  	[tilespmem:$0x2610] =	vst v0  }
0x13d: {  	[tilespmem:$0x2620] =	vst v0  }
0x13e: {  	[tilespmem:$0x2630] =	vst v0  }
0x13f: {  	[tilespmem:$0x2640] =	vst v0  }
0x140: {  	[tilespmem:$0x2650] =	vst v0  }
0x141: {  	[tilespmem:$0x2660] =	vst v0  }
0x142: {  	[tilespmem:$0x2670] =	vst v0  }
0x143: {  	[tilespmem:$0x2680] =	vst v0  }
0x144: {  	[tilespmem:$0x2690] =	vst v0  }
0x145: {  	[tilespmem:$0x26A0] =	vst v0  }
0x146: {  	[tilespmem:$0x26B0] =	vst v0  }
0x147: {  	[tilespmem:$0x26C0] =	vst v0  }
0x148: {  	[tilespmem:$0x26D0] =	vst v0  }
0x149: {  	[tilespmem:$0x26E0] =	vst v0  }
0x14a: {  	[tilespmem:$0x26F0] =	vst v0  }
0x14b: {  	[tilespmem:$0x2700] =	vst v0  }
0x14c: {  	[tilespmem:$0x2710] =	vst v0  }
0x14d: {  	[tilespmem:$0x2720] =	vst v0  }
0x14e: {  	[tilespmem:$0x2730] =	vst v0  }
0x14f: {  	[tilespmem:$0x2740] =	vst v0  }
0x150: {  	[tilespmem:$0x2750] =	vst v0  }
0x151: {  	[tilespmem:$0x2760] =	vst v0  }
0x152: {  	[tilespmem:$0x2770] =	vst v0  }
0x153: {  	[tilespmem:$0x2780] =	vst v0  }
0x154: {  	[tilespmem:$0x2790] =	vst v0  }
0x155: {  	[tilespmem:$0x27A0] =	vst v0  }
0x156: {  	[tilespmem:$0x27B0] =	vst v0  }
0x157: {  	[tilespmem:$0x27C0] =	vst v0  }
0x158: {  	[tilespmem:$0x27D0] =	vst v0  }
0x159: {  	[tilespmem:$0x27E0] =	vst v0  }
0x15a: {  	[tilespmem:$0x27F0] =	vst v0  }
0x15b: {  	[tilespmem:$0x2800] =	vst v0  }
0x15c: {  	[tilespmem:$0x2810] =	vst v0  }
0x15d: {  	[tilespmem:$0x2820] =	vst v0  }
0x15e: {  	[tilespmem:$0x2830] =	vst v0  }
0x15f: {  	[tilespmem:$0x2840] =	vst v0  }
0x160: {  	[tilespmem:$0x2850] =	vst v0  }
0x161: {  	[tilespmem:$0x2860] =	vst v0  }
0x162: {  	[tilespmem:$0x2870] =	vst v0  }
0x163: {  	[tilespmem:$0x2880] =	vst v0  }
0x164: {  	[tilespmem:$0x2890] =	vst v0  }
0x165: {  	[tilespmem:$0x28A0] =	vst v0  }
0x166: {  	[tilespmem:$0x28B0] =	vst v0  }
0x167: {  	[tilespmem:$0x28C0] =	vst v0  }
0x168: {  	[tilespmem:$0x28D0] =	vst v0  }
0x169: {  	[tilespmem:$0x28E0] =	vst v0  }
0x16a: {  	[tilespmem:$0x28F0] =	vst v0  }
0x16b: {  	[tilespmem:$0x2900] =	vst v0  }
0x16c: {  	[tilespmem:$0x2910] =	vst v0  }
0x16d: {  	[tilespmem:$0x2920] =	vst v0  }
0x16e: {  	[tilespmem:$0x2930] =	vst v0  }
0x16f: {  	[tilespmem:$0x2940] =	vst v0  }
0x170: {  	[tilespmem:$0x2950] =	vst v0  }
0x171: {  	[tilespmem:$0x2960] =	vst v0  }
0x172: {  	[tilespmem:$0x2970] =	vst v0  }
0x173: {  	[tilespmem:$0x2980] =	vst v0  }
0x174: {  	[tilespmem:$0x2990] =	vst v0  }
0x175: {  	[tilespmem:$0x29A0] =	vst v0  }
0x176: {  	[tilespmem:$0x29B0] =	vst v0  }
0x177: {  	[tilespmem:$0x29C0] =	vst v0  }
0x178: {  	[tilespmem:$0x29D0] =	vst v0  }
0x179: {  	[tilespmem:$0x29E0] =	vst v0  }
0x17a: {  	[tilespmem:$0x29F0] =	vst v0  }
0x17b: {  	[tilespmem:$0x2A00] =	vst v0  }
0x17c: {  	[tilespmem:$0x2A10] =	vst v0  }
0x17d: {  	[tilespmem:$0x2A20] =	vst v0  }
0x17e: {  	[tilespmem:$0x2A30] =	vst v0  }
0x17f: {  	[tilespmem:$0x2A40] =	vst v0  }
0x180: {  	[tilespmem:$0x2A50] =	vst v0  }
0x181: {  	[tilespmem:$0x2A60] =	vst v0  }
0x182: {  	[tilespmem:$0x2A70] =	vst v0  }
0x183: {  	[tilespmem:$0x2A80] =	vst v0  }
0x184: {  	[tilespmem:$0x2A90] =	vst v0  }
0x185: {  	[tilespmem:$0x2AA0] =	vst v0  }
0x186: {  	[tilespmem:$0x2AB0] =	vst v0  }
0x187: {  	[tilespmem:$0x2AC0] =	vst v0  }
0x188: {  	[tilespmem:$0x2AD0] =	vst v0  }
0x189: {  	[tilespmem:$0x2AE0] =	vst v0  }
0x18a: {  	[tilespmem:$0x2AF0] =	vst v0  }
0x18b: {  	[tilespmem:$0x2B00] =	vst v0  }
0x18c: {  	[tilespmem:$0x2B10] =	vst v0  }
0x18d: {  	[tilespmem:$0x2B20] =	vst v0  }
0x18e: {  	[tilespmem:$0x2B30] =	vst v0  }
0x18f: {  	[tilespmem:$0x2B40] =	vst v0  }
0x190: {  	[tilespmem:$0x2B50] =	vst v0  }
0x191: {  	[tilespmem:$0x2B60] =	vst v0  }
0x192: {  	[tilespmem:$0x2B70] =	vst v0  }
0x193: {  	[tilespmem:$0x2B80] =	vst v0  }
0x194: {  	[tilespmem:$0x2B90] =	vst v0  }
0x195: {  	[tilespmem:$0x2BA0] =	vst v0  }
0x196: {  	[tilespmem:$0x2BB0] =	vst v0  }
0x197: {  	[tilespmem:$0x2BC0] =	vst v0  }
0x198: {  	[tilespmem:$0x2BD0] =	vst v0  }
0x199: {  	[tilespmem:$0x2BE0] =	vst v0  }
0x19a: {  	[tilespmem:$0x2BF0] =	vst v0  }
0x19b: {  	[tilespmem:$0x2C00] =	vst v0  }
0x19c: {  	[tilespmem:$0x2C10] =	vst v0  }
0x19d: {  	[tilespmem:$0x2C20] =	vst v0  }
0x19e: {  	[tilespmem:$0x2C30] =	vst v0  }
0x19f: {  	[tilespmem:$0x2C40] =	vst v0  }
0x1a0: {  	[tilespmem:$0x2C50] =	vst v0  }
0x1a1: {  	[tilespmem:$0x2C60] =	vst v0  }
0x1a2: {  	[tilespmem:$0x2C70] =	vst v0  }
0x1a3: {  	[tilespmem:$0x2C80] =	vst v0  }
0x1a4: {  	[tilespmem:$0x2C90] =	vst v0  }
0x1a5: {  	[tilespmem:$0x2CA0] =	vst v0  }
0x1a6: {  	[tilespmem:$0x2CB0] =	vst v0  }
0x1a7: {  	[tilespmem:$0x2CC0] =	vst v0  }
0x1a8: {  	[tilespmem:$0x2CD0] =	vst v0  }
0x1a9: {  	[tilespmem:$0x2CE0] =	vst v0  }
0x1aa: {  	[tilespmem:$0x2CF0] =	vst v0  }
0x1ab: {  	[tilespmem:$0x2D00] =	vst v0  }
0x1ac: {  	[tilespmem:$0x2D10] =	vst v0  }
0x1ad: {  	[tilespmem:$0x2D20] =	vst v0  }
0x1ae: {  	[tilespmem:$0x2D30] =	vst v0  }
0x1af: {  	[tilespmem:$0x2D40] =	vst v0  }
0x1b0: {  	[tilespmem:$0x2D50] =	vst v0  }
0x1b1: {  	[tilespmem:$0x2D60] =	vst v0  }
0x1b2: {  	[tilespmem:$0x2D70] =	vst v0  }
0x1b3: {  	[tilespmem:$0x2D80] =	vst v0  }
0x1b4: {  	[tilespmem:$0x2D90] =	vst v0  }
0x1b5: {  	[tilespmem:$0x2DA0] =	vst v0  }
0x1b6: {  	[tilespmem:$0x2DB0] =	vst v0  }
0x1b7: {  	[tilespmem:$0x2DC0] =	vst v0  }
0x1b8: {  	[tilespmem:$0x2DD0] =	vst v0  }
0x1b9: {  	[tilespmem:$0x2DE0] =	vst v0  }
0x1ba: {  	[tilespmem:$0x2DF0] =	vst v0  }
0x1bb: {  	[tilespmem:$0x2E00] =	vst v0  }
0x1bc: {  	[tilespmem:$0x2E10] =	vst v0  }
0x1bd: {  	[tilespmem:$0x2E20] =	vst v0  }
0x1be: {  	[tilespmem:$0x2E30] =	vst v0  }
0x1bf: {  	[tilespmem:$0x2E40] =	vst v0  }
0x1c0: {  	[tilespmem:$0x2E50] =	vst v0  }
0x1c1: {  	[tilespmem:$0x2E60] =	vst v0  }
0x1c2: {  	[tilespmem:$0x2E70] =	vst v0  }
0x1c3: {  	[tilespmem:$0x2E80] =	vst v0  }
0x1c4: {  	[tilespmem:$0x2E90] =	vst v0  }
0x1c5: {  	[tilespmem:$0x2EA0] =	vst v0  }
0x1c6: {  	[tilespmem:$0x2EB0] =	vst v0  }
0x1c7: {  	[tilespmem:$0x2EC0] =	vst v0  }
0x1c8: {  	[tilespmem:$0x2ED0] =	vst v0  }
0x1c9: {  	[tilespmem:$0x2EE0] =	vst v0  }
0x1ca: {  	[tilespmem:$0x2EF0] =	vst v0  }
0x1cb: {  	[tilespmem:$0x2F00] =	vst v0  }
0x1cc: {  	[tilespmem:$0x2F10] =	vst v0  }
0x1cd: {  	[tilespmem:$0x2F20] =	vst v0  }
0x1ce: {  	[tilespmem:$0x2F30] =	vst v0  }
0x1cf: {  	[tilespmem:$0x2F40] =	vst v0  }
0x1d0: {  	[tilespmem:$0x2F50] =	vst v0  }
0x1d1: {  	[tilespmem:$0x2F60] =	vst v0  }
0x1d2: {  	[tilespmem:$0x2F70] =	vst v0  }
0x1d3: {  	[tilespmem:$0x2F80] =	vst v0  }
0x1d4: {  	[tilespmem:$0x2F90] =	vst v0  }
0x1d5: {  	[tilespmem:$0x2FA0] =	vst v0  }
0x1d6: {  	[tilespmem:$0x2FB0] =	vst v0  }
0x1d7: {  	[tilespmem:$0x2FC0] =	vst v0  }
0x1d8: {  	[tilespmem:$0x2FD0] =	vst v0  }
0x1d9: {  	[tilespmem:$0x2FE0] =	vst v0  }
0x1da: {  	[tilespmem:$0x2FF0] =	vst v0  }
0x1db: {  	[tilespmem:$0x3000] =	vst v0  }
0x1dc: {  	[tilespmem:$0x3010] =	vst v0  }
0x1dd: {  	[tilespmem:$0x3020] =	vst v0  }
0x1de: {  	[tilespmem:$0x3030] =	vst v0  }
0x1df: {  	[tilespmem:$0x3040] =	vst v0  }
0x1e0: {  	[tilespmem:$0x3050] =	vst v0  }
0x1e1: {  	[tilespmem:$0x3060] =	vst v0  }
0x1e2: {  	[tilespmem:$0x3070] =	vst v0  }
0x1e3: {  	[tilespmem:$0x3080] =	vst v0  }
0x1e4: {  	[tilespmem:$0x3090] =	vst v0  }
0x1e5: {  	[tilespmem:$0x30A0] =	vst v0  }
0x1e6: {  	[tilespmem:$0x30B0] =	vst v0  }
0x1e7: {  	[tilespmem:$0x30C0] =	vst v0  }
0x1e8: {  	[tilespmem:$0x30D0] =	vst v0  }
0x1e9: {  	[tilespmem:$0x30E0] =	vst v0  }
0x1ea: {  	[tilespmem:$0x30F0] =	vst v0  }
0x1eb: {  	[tilespmem:$0x3100] =	vst v0  }
0x1ec: {  	[tilespmem:$0x3110] =	vst v0  }
0x1ed: {  	[tilespmem:$0x3120] =	vst v0  }
0x1ee: {  	[tilespmem:$0x3130] =	vst v0  }
0x1ef: {  	[tilespmem:$0x3140] =	vst v0  }
0x1f0: {  	[tilespmem:$0x3150] =	vst v0  }
0x1f1: {  	[tilespmem:$0x3160] =	vst v0  }
0x1f2: {  	[tilespmem:$0x3170] =	vst v0  }
0x1f3: {  	[tilespmem:$0x3180] =	vst v0  }
0x1f4: {  	[tilespmem:$0x3190] =	vst v0  }
0x1f5: {  	[tilespmem:$0x31A0] =	vst v0  }
0x1f6: {  	[tilespmem:$0x31B0] =	vst v0  }
0x1f7: {  	[tilespmem:$0x31C0] =	vst v0  }
0x1f8: {  	[tilespmem:$0x31D0] =	vst v0  }
0x1f9: {  	[tilespmem:$0x31E0] =	vst v0  }
0x1fa: {  	[tilespmem:$0x31F0] =	vst v0  }
0x1fb: {  	[tilespmem:$0x3200] =	vst v0  }
0x1fc: {  	[tilespmem:$0x3210] =	vst v0  }
0x1fd: {  	[tilespmem:$0x3220] =	vst v0  }
0x1fe: {  	[tilespmem:$0x3230] =	vst v0  }
0x1ff: {  	[tilespmem:$0x3240] =	vst v0  }
0x200: {  	[tilespmem:$0x3250] =	vst v0  }
0x201: {  	[tilespmem:$0x3260] =	vst v0  }
0x202: {  	[tilespmem:$0x3270] =	vst v0  }
0x203: {  	[tilespmem:$0x3280] =	vst v0  }
0x204: {  	[tilespmem:$0x3290] =	vst v0  }
0x205: {  	[tilespmem:$0x32A0] =	vst v0  }
0x206: {  	[tilespmem:$0x32B0] =	vst v0  }
0x207: {  	[tilespmem:$0x32C0] =	vst v0  }
0x208: {  	[tilespmem:$0x32D0] =	vst v0  }
0x209: {  	[tilespmem:$0x32E0] =	vst v0  }
0x20a: {  	[tilespmem:$0x32F0] =	vst v0  }
0x20b: {  	[tilespmem:$0x3300] =	vst v0  }
0x20c: {  	[tilespmem:$0x3310] =	vst v0  }
0x20d: {  	[tilespmem:$0x3320] =	vst v0  }
0x20e: {  	[tilespmem:$0x3330] =	vst v0  }
0x20f: {  	[tilespmem:$0x3340] =	vst v0  }
0x210: {  	[tilespmem:$0x3350] =	vst v0  }
0x211: {  	[tilespmem:$0x3360] =	vst v0  }
0x212: {  	[tilespmem:$0x3370] =	vst v0  }
0x213: {  	[tilespmem:$0x3380] =	vst v0  }
0x214: {  	[tilespmem:$0x3390] =	vst v0  }
0x215: {  	[tilespmem:$0x33A0] =	vst v0  }
0x216: {  	[tilespmem:$0x33B0] =	vst v0  }
0x217: {  	[tilespmem:$0x33C0] =	vst v0  }
0x218: {  	[tilespmem:$0x33D0] =	vst v0  }
0x219: {  	[tilespmem:$0x33E0] =	vst v0  }
0x21a: {  	[tilespmem:$0x33F0] =	vst v0  }
0x21b: {  	[tilespmem:$0x3400] =	vst v0  }
0x21c: {  	[tilespmem:$0x3410] =	vst v0  }
0x21d: {  	[tilespmem:$0x3420] =	vst v0  }
0x21e: {  	[tilespmem:$0x3430] =	vst v0  }
0x21f: {  	[tilespmem:$0x3440] =	vst v0  }
0x220: {  	[tilespmem:$0x3450] =	vst v0  }
0x221: {  	[tilespmem:$0x3460] =	vst v0  }
0x222: {  	[tilespmem:$0x3470] =	vst v0  }
0x223: {  	[tilespmem:$0x3480] =	vst v0  }
0x224: {  	[tilespmem:$0x3490] =	vst v0  }
0x225: {  	[tilespmem:$0x34A0] =	vst v0  }
0x226: {  	[tilespmem:$0x34B0] =	vst v0  }
0x227: {  	[tilespmem:$0x34C0] =	vst v0  }
0x228: {  	[tilespmem:$0x34D0] =	vst v0  }
0x229: {  	[tilespmem:$0x34E0] =	vst v0  }
0x22a: {  	[tilespmem:$0x34F0] =	vst v0  }
0x22b: {  	[tilespmem:$0x3500] =	vst v0  }
0x22c: {  	[tilespmem:$0x3510] =	vst v0  }
0x22d: {  	[tilespmem:$0x3520] =	vst v0  }
0x22e: {  	[tilespmem:$0x3530] =	vst v0  }
0x22f: {  	[tilespmem:$0x3540] =	vst v0  }
0x230: {  	[tilespmem:$0x3550] =	vst v0  }
0x231: {  	[tilespmem:$0x3560] =	vst v0  }
0x232: {  	[tilespmem:$0x3570] =	vst v0  }
0x233: {  	[tilespmem:$0x3580] =	vst v0  }
0x234: {  	[tilespmem:$0x3590] =	vst v0  }
0x235: {  	[tilespmem:$0x35A0] =	vst v0  }
0x236: {  	[tilespmem:$0x35B0] =	vst v0  }
0x237: {  	[tilespmem:$0x35C0] =	vst v0  }
0x238: {  	[tilespmem:$0x35D0] =	vst v0  }
0x239: {  	[tilespmem:$0x35E0] =	vst v0  }
0x23a: {  	[tilespmem:$0x35F0] =	vst v0  }
0x23b: {  	[tilespmem:$0x3600] =	vst v0  }
0x23c: {  	[tilespmem:$0x3610] =	vst v0  }
0x23d: {  	[tilespmem:$0x3620] =	vst v0  }
0x23e: {  	[tilespmem:$0x3630] =	vst v0  }
0x23f: {  	[tilespmem:$0x3640] =	vst v0  }
0x240: {  	[tilespmem:$0x3650] =	vst v0  }
0x241: {  	[tilespmem:$0x3660] =	vst v0  }
0x242: {  	[tilespmem:$0x3670] =	vst v0  }
0x243: {  	[tilespmem:$0x3680] =	vst v0  }
0x244: {  	[tilespmem:$0x3690] =	vst v0  }
0x245: {  	[tilespmem:$0x36A0] =	vst v0  }
0x246: {  	[tilespmem:$0x36B0] =	vst v0  }
0x247: {  	[tilespmem:$0x36C0] =	vst v0  }
0x248: {  	[tilespmem:$0x36D0] =	vst v0  }
0x249: {  	[tilespmem:$0x36E0] =	vst v0  }
0x24a: {  	[tilespmem:$0x36F0] =	vst v0  }
0x24b: {  	[tilespmem:$0x3700] =	vst v0  }
0x24c: {  	[tilespmem:$0x3710] =	vst v0  }
0x24d: {  	[tilespmem:$0x3720] =	vst v0  }
0x24e: {  	[tilespmem:$0x3730] =	vst v0  }
0x24f: {  	[tilespmem:$0x3740] =	vst v0  }
0x250: {  	[tilespmem:$0x3750] =	vst v0  }
0x251: {  	[tilespmem:$0x3760] =	vst v0  }
0x252: {  	[tilespmem:$0x3770] =	vst v0  }
0x253: {  	[tilespmem:$0x3780] =	vst v0  }
0x254: {  	[tilespmem:$0x3790] =	vst v0  }
0x255: {  	[tilespmem:$0x37A0] =	vst v0  }
0x256: {  	[tilespmem:$0x37B0] =	vst v0  }
0x257: {  	[tilespmem:$0x37C0] =	vst v0  }
0x258: {  	[tilespmem:$0x37D0] =	vst v0  }
0x259: {  	[tilespmem:$0x37E0] =	vst v0  }
0x25a: {  	[tilespmem:$0x37F0] =	vst v0  }
0x25b: {  	[tilespmem:$0x3800] =	vst v0  }
0x25c: {  	[tilespmem:$0x3810] =	vst v0  }
0x25d: {  	[tilespmem:$0x3820] =	vst v0  }
0x25e: {  	[tilespmem:$0x3830] =	vst v0  }
0x25f: {  	[tilespmem:$0x3840] =	vst v0  }
0x260: {  	[tilespmem:$0x3850] =	vst v0  }
0x261: {  	[tilespmem:$0x3860] =	vst v0  }
0x262: {  	[tilespmem:$0x3870] =	vst v0  }
0x263: {  	[tilespmem:$0x3880] =	vst v0  }
0x264: {  	[tilespmem:$0x3890] =	vst v0  }
0x265: {  	[tilespmem:$0x38A0] =	vst v0  }
0x266: {  	[tilespmem:$0x38B0] =	vst v0  }
0x267: {  	[tilespmem:$0x38C0] =	vst v0  }
0x268: {  	[tilespmem:$0x38D0] =	vst v0  }
0x269: {  	[tilespmem:$0x38E0] =	vst v0  }
0x26a: {  	[tilespmem:$0x38F0] =	vst v0  }
0x26b: {  	[tilespmem:$0x3900] =	vst v0  }
0x26c: {  	[tilespmem:$0x3910] =	vst v0  }
0x26d: {  	[tilespmem:$0x3920] =	vst v0  }
0x26e: {  	[tilespmem:$0x3930] =	vst v0  }
0x26f: {  	[tilespmem:$0x3940] =	vst v0  }
0x270: {  	[tilespmem:$0x3950] =	vst v0  }
0x271: {  	[tilespmem:$0x3960] =	vst v0  }
0x272: {  	[tilespmem:$0x3970] =	vst v0  }
0x273: {  	[tilespmem:$0x3980] =	vst v0  }
0x274: {  	[tilespmem:$0x3990] =	vst v0  }
0x275: {  	[tilespmem:$0x39A0] =	vst v0  }
0x276: {  	[tilespmem:$0x39B0] =	vst v0  }
0x277: {  	[tilespmem:$0x39C0] =	vst v0  }
0x278: {  	[tilespmem:$0x39D0] =	vst v0  }
0x279: {  	[tilespmem:$0x39E0] =	vst v0  }
0x27a: {  	[tilespmem:$0x39F0] =	vst v0  }
0x27b: {  	[tilespmem:$0x3A00] =	vst v0  }
0x27c: {  	[tilespmem:$0x3A10] =	vst v0  }
0x27d: {  	[tilespmem:$0x3A20] =	vst v0  }
0x27e: {  	[tilespmem:$0x3A30] =	vst v0  }
0x27f: {  	[tilespmem:$0x3A40] =	vst v0  }
0x280: {  	[tilespmem:$0x3A50] =	vst v0  }
0x281: {  	[tilespmem:$0x3A60] =	vst v0  }
0x282: {  	[tilespmem:$0x3A70] =	vst v0  }
0x283: {  	[tilespmem:$0x3A80] =	vst v0  }
0x284: {  	[tilespmem:$0x3A90] =	vst v0  }
0x285: {  	[tilespmem:$0x3AA0] =	vst v0  }
0x286: {  	[tilespmem:$0x3AB0] =	vst v0  }
0x287: {  	[tilespmem:$0x3AC0] =	vst v0  }
0x288: {  	[tilespmem:$0x3AD0] =	vst v0  }
0x289: {  	[tilespmem:$0x3AE0] =	vst v0  }
0x28a: {  	[tilespmem:$0x3AF0] =	vst v0  }
0x28b: {  	[tilespmem:$0x3B00] =	vst v0  }
0x28c: {  	[tilespmem:$0x3B10] =	vst v0  }
0x28d: {  	[tilespmem:$0x3B20] =	vst v0  }
0x28e: {  	[tilespmem:$0x3B30] =	vst v0  }
0x28f: {  	[tilespmem:$0x3B40] =	vst v0  }
0x290: {  	[tilespmem:$0x3B50] =	vst v0  }
0x291: {  	[tilespmem:$0x3B60] =	vst v0  }
0x292: {  	[tilespmem:$0x3B70] =	vst v0  }
0x293: {  	[tilespmem:$0x3B80] =	vst v0  }
0x294: {  	[tilespmem:$0x3B90] =	vst v0  }
0x295: {  	[tilespmem:$0x3BA0] =	vst v0  }
0x296: {  	[tilespmem:$0x3BB0] =	vst v0  }
0x297: {  	[tilespmem:$0x3BC0] =	vst v0  }
0x298: {  	[tilespmem:$0x3BD0] =	vst v0  }
0x299: {  	[tilespmem:$0x3BE0] =	vst v0  }
0x29a: {  	[tilespmem:$0x3BF0] =	vst v0  }
0x29b: {  	[tilespmem:$0x3C00] =	vst v0  }
0x29c: {  	[tilespmem:$0x3C10] =	vst v0  }
0x29d: {  	[tilespmem:$0x3C20] =	vst v0  }
0x29e: {  	[tilespmem:$0x3C30] =	vst v0  }
0x29f: {  	[tilespmem:$0x3C40] =	vst v0  }
0x2a0: {  	[tilespmem:$0x3C50] =	vst v0  }
0x2a1: {  	[tilespmem:$0x3C60] =	vst v0  }
0x2a2: {  	[tilespmem:$0x3C70] =	vst v0  }
0x2a3: {  	[tilespmem:$0x3C80] =	vst v0  }
0x2a4: {  	[tilespmem:$0x3C90] =	vst v0  }
0x2a5: {  	[tilespmem:$0x3CA0] =	vst v0  }
0x2a6: {  	[tilespmem:$0x3CB0] =	vst v0  }
0x2a7: {  	[tilespmem:$0x3CC0] =	vst v0  }
0x2a8: {  	[tilespmem:$0x3CD0] =	vst v0  }
0x2a9: {  	[tilespmem:$0x3CE0] =	vst v0  }
0x2aa: {  	[tilespmem:$0x3CF0] =	vst v0  }
0x2ab: {  	[tilespmem:$0x3D00] =	vst v0  }
0x2ac: {  	[tilespmem:$0x3D10] =	vst v0  }
0x2ad: {  	[tilespmem:$0x3D20] =	vst v0  }
0x2ae: {  	[tilespmem:$0x3D30] =	vst v0  }
0x2af: {  	[tilespmem:$0x3D40] =	vst v0  }
0x2b0: {  	[tilespmem:$0x3D50] =	vst v0  }
0x2b1: {  	[tilespmem:$0x3D60] =	vst v0  }
0x2b2: {  	[tilespmem:$0x3D70] =	vst v0  }
0x2b3: {  	[tilespmem:$0x3D80] =	vst v0  }
0x2b4: {  	[tilespmem:$0x3D90] =	vst v0  }
0x2b5: {  	[tilespmem:$0x3DA0] =	vst v0  }
0x2b6: {  	[tilespmem:$0x3DB0] =	vst v0  }
0x2b7: {  	[tilespmem:$0x3DC0] =	vst v0  }
0x2b8: {  	[tilespmem:$0x3DD0] =	vst v0  }
0x2b9: {  	[tilespmem:$0x3DE0] =	vst v0  }
0x2ba: {  	[tilespmem:$0x3DF0] =	vst v0  }
0x2bb: {  	[tilespmem:$0x3E00] =	vst v0  }
0x2bc: {  	[tilespmem:$0x3E10] =	vst v0  }
0x2bd: {  	[tilespmem:$0x3E20] =	vst v0  }
0x2be: {  	[tilespmem:$0x3E30] =	vst v0  }
0x2bf: {  	[tilespmem:$0x3E40] =	vst v0  }
0x2c0: {  	[tilespmem:$0x3E50] =	vst v0  }
0x2c1: {  	[tilespmem:$0x3E60] =	vst v0  }
0x2c2: {  	[tilespmem:$0x3E70] =	vst v0  }
0x2c3: {  	[tilespmem:$0x3E80] =	vst v0  }
0x2c4: {  	[tilespmem:$0x3E90] =	vst v0  }
0x2c5: {  	[tilespmem:$0x3EA0] =	vst v0  }
0x2c6: {  	[tilespmem:$0x3EB0] =	vst v0  }
0x2c7: {  	[tilespmem:$0x3EC0] =	vst v0  }
0x2c8: {  	[tilespmem:$0x3ED0] =	vst v0  }
0x2c9: {  	[tilespmem:$0x3EE0] =	vst v0  }
0x2ca: {  	[tilespmem:$0x3EF0] =	vst v0  }
0x2cb: {  	[tilespmem:$0x3F00] =	vst v0  }
0x2cc: {  	[tilespmem:$0x3F10] =	vst v0  }
0x2cd: {  	[tilespmem:$0x3F20] =	vst v0  }
0x2ce: {  	[tilespmem:$0x3F30] =	vst v0  }
0x2cf: {  	[tilespmem:$0x3F40] =	vst v0  }
0x2d0: {  	[tilespmem:$0x3F50] =	vst v0  }
0x2d1: {  	[tilespmem:$0x3F60] =	vst v0  }
0x2d2: {  	[tilespmem:$0x3F70] =	vst v0  }
0x2d3: {  	[tilespmem:$0x3F80] =	vst v0  }
0x2d4: {  	[tilespmem:$0x3F90] =	vst v0  }
0x2d5: {  	[tilespmem:$0x3FA0] =	vst v0  }
0x2d6: {  	[tilespmem:$0x3FB0] =	vst v0  }
0x2d7: {  	[tilespmem:$0x3FC0] =	vst v0  }
0x2d8: {  	[tilespmem:$0x3FD0] =	vst v0  }
0x2d9: {  	[tilespmem:$0x3FE0] =	vst v0  }
0x2da: {  	[tilespmem:$0x3FF0] =	vst v0  }
0x2db: {  	[tilespmem:$0x4000] =	vst v0  }
0x2dc: {  	[tilespmem:$0x4010] =	vst v0  }
0x2dd: {  	[tilespmem:$0x4020] =	vst v0  }
0x2de: {  	[tilespmem:$0x4030] =	vst v0  }
0x2df: {  	[tilespmem:$0x4040] =	vst v0  }
0x2e0: {  	[tilespmem:$0x4050] =	vst v0  }
0x2e1: {  	[tilespmem:$0x4060] =	vst v0  }
0x2e2: {  	[tilespmem:$0x4070] =	vst v0  }
0x2e3: {  	[tilespmem:$0x4080] =	vst v0  }
0x2e4: {  	[tilespmem:$0x4090] =	vst v0  }
0x2e5: {  	[tilespmem:$0x40A0] =	vst v0  }
0x2e6: {  	[tilespmem:$0x40B0] =	vst v0  }
0x2e7: {  	[tilespmem:$0x40C0] =	vst v0  }
0x2e8: {  	[tilespmem:$0x40D0] =	vst v0  }
0x2e9: {  	[tilespmem:$0x40E0] =	vst v0  }
0x2ea: {  	[tilespmem:$0x40F0] =	vst v0  }
0x2eb: {  	[tilespmem:$0x4100] =	vst v0  }
0x2ec: {  	[tilespmem:$0x4110] =	vst v0  }
0x2ed: {  	[tilespmem:$0x4120] =	vst v0  }
0x2ee: {  	[tilespmem:$0x4130] =	vst v0  }
0x2ef: {  	[tilespmem:$0x4140] =	vst v0  }
0x2f0: {  	[tilespmem:$0x4150] =	vst v0  }
0x2f1: {  	[tilespmem:$0x4160] =	vst v0  }
0x2f2: {  	[tilespmem:$0x4170] =	vst v0  }
0x2f3: {  	[tilespmem:$0x4180] =	vst v0  }
0x2f4: {  	[tilespmem:$0x4190] =	vst v0  }
0x2f5: {  	[tilespmem:$0x41A0] =	vst v0  }
0x2f6: {  	[tilespmem:$0x41B0] =	vst v0  }
0x2f7: {  	[tilespmem:$0x41C0] =	vst v0  }
0x2f8: {  	[tilespmem:$0x41D0] =	vst v0  }
0x2f9: {  	[tilespmem:$0x41E0] =	vst v0  }
0x2fa: {  	[tilespmem:$0x41F0] =	vst v0  }
0x2fb: {  	[tilespmem:$0x4200] =	vst v0  }
0x2fc: {  	[tilespmem:$0x4210] =	vst v0  }
0x2fd: {  	[tilespmem:$0x4220] =	vst v0  }
0x2fe: {  	[tilespmem:$0x4230] =	vst v0  }
0x2ff: {  	[tilespmem:$0x4240] =	vst v0  }
0x300: {  	[tilespmem:$0x4250] =	vst v0  }
0x301: {  	[tilespmem:$0x4260] =	vst v0  }
0x302: {  	[tilespmem:$0x4270] =	vst v0  }
0x303: {  	[tilespmem:$0x4280] =	vst v0  }
0x304: {  	[tilespmem:$0x4290] =	vst v0  }
0x305: {  	[tilespmem:$0x42A0] =	vst v0  }
0x306: {  	[tilespmem:$0x42B0] =	vst v0  }
0x307: {  	[tilespmem:$0x42C0] =	vst v0  }
0x308: {  	[tilespmem:$0x42D0] =	vst v0  }
0x309: {  	[tilespmem:$0x42E0] =	vst v0  }
0x30a: {  	[tilespmem:$0x42F0] =	vst v0  }
0x30b: {  	[tilespmem:$0x4300] =	vst v0  }
0x30c: {  	[tilespmem:$0x4310] =	vst v0  }
0x30d: {  	[tilespmem:$0x4320] =	vst v0  }
0x30e: {  	[tilespmem:$0x4330] =	vst v0  }
0x30f: {  	[tilespmem:$0x4340] =	vst v0  }
0x310: {  	[tilespmem:$0x4350] =	vst v0  }
0x311: {  	[tilespmem:$0x4360] =	vst v0  }
0x312: {  	[tilespmem:$0x4370] =	vst v0  }
0x313: {  	[tilespmem:$0x4380] =	vst v0  }
0x314: {  	[tilespmem:$0x4390] =	vst v0  }
0x315: {  	[tilespmem:$0x43A0] =	vst v0  }
0x316: {  	[tilespmem:$0x43B0] =	vst v0  }
0x317: {  	[tilespmem:$0x43C0] =	vst v0  }
0x318: {  	[tilespmem:$0x43D0] =	vst v0  }
0x319: {  	[tilespmem:$0x43E0] =	vst v0  }
0x31a: {  	[tilespmem:$0x43F0] =	vst v0  }
0x31b: {  	[tilespmem:$0x4400] =	vst v0  }
0x31c: {  	[tilespmem:$0x4410] =	vst v0  }
0x31d: {  	[tilespmem:$0x4420] =	vst v0  }
0x31e: {  	[tilespmem:$0x4430] =	vst v0  }
0x31f: {  	[tilespmem:$0x4440] =	vst v0  }
0x320: {  	[tilespmem:$0x4450] =	vst v0  }
0x321: {  	[tilespmem:$0x4460] =	vst v0  }
0x322: {  	[tilespmem:$0x4470] =	vst v0  }
0x323: {  	[tilespmem:$0x4480] =	vst v0  }
0x324: {  	[tilespmem:$0x4490] =	vst v0  }
0x325: {  	[tilespmem:$0x44A0] =	vst v0  }
0x326: {  	[tilespmem:$0x44B0] =	vst v0  }
0x327: {  	[tilespmem:$0x44C0] =	vst v0  }
0x328: {  	[tilespmem:$0x44D0] =	vst v0  }
0x329: {  	[tilespmem:$0x44E0] =	vst v0  }
0x32a: {  	[tilespmem:$0x44F0] =	vst v0  }
0x32b: {  	[tilespmem:$0x4500] =	vst v0  }
0x32c: {  	[tilespmem:$0x4510] =	vst v0  }
0x32d: {  	[tilespmem:$0x4520] =	vst v0  }
0x32e: {  	[tilespmem:$0x4530] =	vst v0  }
0x32f: {  	[tilespmem:$0x4540] =	vst v0  }
0x330: {  	[tilespmem:$0x4550] =	vst v0  }
0x331: {  	[tilespmem:$0x4560] =	vst v0  }
0x332: {  	[tilespmem:$0x4570] =	vst v0  }
0x333: {  	[tilespmem:$0x4580] =	vst v0  }
0x334: {  	[tilespmem:$0x4590] =	vst v0  }
0x335: {  	[tilespmem:$0x45A0] =	vst v0  }
0x336: {  	[tilespmem:$0x45B0] =	vst v0  }
0x337: {  	[tilespmem:$0x45C0] =	vst v0  }
0x338: {  	[tilespmem:$0x45D0] =	vst v0  }
0x339: {  	[tilespmem:$0x45E0] =	vst v0  }
0x33a: {  	[tilespmem:$0x45F0] =	vst v0  }
0x33b: {  	[tilespmem:$0x4600] =	vst v0  }
0x33c: {  	[tilespmem:$0x4610] =	vst v0  }
0x33d: {  	[tilespmem:$0x4620] =	vst v0  }
0x33e: {  	[tilespmem:$0x4630] =	vst v0  }
0x33f: {  	[tilespmem:$0x4640] =	vst v0  }
0x340: {  	[tilespmem:$0x4650] =	vst v0  }
0x341: {  	[tilespmem:$0x4660] =	vst v0  }
0x342: {  	[tilespmem:$0x4670] =	vst v0  }
0x343: {  	[tilespmem:$0x4680] =	vst v0  }
0x344: {  	[tilespmem:$0x4690] =	vst v0  }
0x345: {  	[tilespmem:$0x46A0] =	vst v0  }
0x346: {  	[tilespmem:$0x46B0] =	vst v0  }
0x347: {  	[tilespmem:$0x46C0] =	vst v0  }
0x348: {  	[tilespmem:$0x46D0] =	vst v0  }
0x349: {  	[tilespmem:$0x46E0] =	vst v0  }
0x34a: {  	[tilespmem:$0x46F0] =	vst v0  }
0x34b: {  	[tilespmem:$0x4700] =	vst v0  }
0x34c: {  	[tilespmem:$0x4710] =	vst v0  }
0x34d: {  	[tilespmem:$0x4720] =	vst v0  }
0x34e: {  	[tilespmem:$0x4730] =	vst v0  }
0x34f: {  	[tilespmem:$0x4740] =	vst v0  }
0x350: {  	[tilespmem:$0x4750] =	vst v0  }
0x351: {  	[tilespmem:$0x4760] =	vst v0  }
0x352: {  	[tilespmem:$0x4770] =	vst v0  }
0x353: {  	[tilespmem:$0x4780] =	vst v0  }
0x354: {  	[tilespmem:$0x4790] =	vst v0  }
0x355: {  	[tilespmem:$0x47A0] =	vst v0  }
0x356: {  	[tilespmem:$0x47B0] =	vst v0  }
0x357: {  	[tilespmem:$0x47C0] =	vst v0  }
0x358: {  	[tilespmem:$0x47D0] =	vst v0  }
0x359: {  	[tilespmem:$0x47E0] =	vst v0  }
0x35a: {  	[tilespmem:$0x47F0] =	vst v0  }
0x35b: {  	[tilespmem:$0x4800] =	vst v0  }
0x35c: {  	[tilespmem:$0x4810] =	vst v0  }
0x35d: {  	[tilespmem:$0x4820] =	vst v0  }
0x35e: {  	[tilespmem:$0x4830] =	vst v0  }
0x35f: {  	[tilespmem:$0x4840] =	vst v0  }
0x360: {  	[tilespmem:$0x4850] =	vst v0  }
0x361: {  	[tilespmem:$0x4860] =	vst v0  }
0x362: {  	[tilespmem:$0x4870] =	vst v0  }
0x363: {  	[tilespmem:$0x4880] =	vst v0  }
0x364: {  	[tilespmem:$0x4890] =	vst v0  }
0x365: {  	[tilespmem:$0x48A0] =	vst v0  }
0x366: {  	[tilespmem:$0x48B0] =	vst v0  }
0x367: {  	[tilespmem:$0x48C0] =	vst v0  }
0x368: {  	[tilespmem:$0x48D0] =	vst v0  }
0x369: {  	[tilespmem:$0x48E0] =	vst v0  }
0x36a: {  	[tilespmem:$0x48F0] =	vst v0  }
0x36b: {  	[tilespmem:$0x4900] =	vst v0  }
0x36c: {  	[tilespmem:$0x4910] =	vst v0  }
0x36d: {  	[tilespmem:$0x4920] =	vst v0  }
0x36e: {  	[tilespmem:$0x4930] =	vst v0  }
0x36f: {  	[tilespmem:$0x4940] =	vst v0  }
0x370: {  	[tilespmem:$0x4950] =	vst v0  }
0x371: {  	[tilespmem:$0x4960] =	vst v0  }
0x372: {  	[tilespmem:$0x4970] =	vst v0  }
0x373: {  	[tilespmem:$0x4980] =	vst v0  }
0x374: {  	[tilespmem:$0x4990] =	vst v0  }
0x375: {  	[tilespmem:$0x49A0] =	vst v0  }
0x376: {  	[tilespmem:$0x49B0] =	vst v0  }
0x377: {  	[tilespmem:$0x49C0] =	vst v0  }
0x378: {  	[tilespmem:$0x49D0] =	vst v0  }
0x379: {  	[tilespmem:$0x49E0] =	vst v0  }
0x37a: {  	[tilespmem:$0x49F0] =	vst v0  }
0x37b: {  	[tilespmem:$0x4A00] =	vst v0  }
0x37c: {  	[tilespmem:$0x4A10] =	vst v0  }
0x37d: {  	[tilespmem:$0x4A20] =	vst v0  }
0x37e: {  	[tilespmem:$0x4A30] =	vst v0  }
0x37f: {  	[tilespmem:$0x4A40] =	vst v0  }
0x380: {  	[tilespmem:$0x4A50] =	vst v0  }
0x381: {  	[tilespmem:$0x4A60] =	vst v0  }
0x382: {  	[tilespmem:$0x4A70] =	vst v0  }
0x383: {  	[tilespmem:$0x4A80] =	vst v0  }
0x384: {  	[tilespmem:$0x4A90] =	vst v0  }
0x385: {  	[tilespmem:$0x4AA0] =	vst v0  }
0x386: {  	[tilespmem:$0x4AB0] =	vst v0  }
0x387: {  	[tilespmem:$0x4AC0] =	vst v0  }
0x388: {  	[tilespmem:$0x4AD0] =	vst v0  }
0x389: {  	[tilespmem:$0x4AE0] =	vst v0  }
0x38a: {  	[tilespmem:$0x4AF0] =	vst v0  }
0x38b: {  	[tilespmem:$0x4B00] =	vst v0  }
0x38c: {  	[tilespmem:$0x4B10] =	vst v0  }
0x38d: {  	[tilespmem:$0x4B20] =	vst v0  }
0x38e: {  	[tilespmem:$0x4B30] =	vst v0  }
0x38f: {  	[tilespmem:$0x4B40] =	vst v0  }
0x390: {  	[tilespmem:$0x4B50] =	vst v0  }
0x391: {  	[tilespmem:$0x4B60] =	vst v0  }
0x392: {  	[tilespmem:$0x4B70] =	vst v0  }
0x393: {  	[tilespmem:$0x4B80] =	vst v0  }
0x394: {  	[tilespmem:$0x4B90] =	vst v0  }
0x395: {  	[tilespmem:$0x4BA0] =	vst v0  }
0x396: {  	[tilespmem:$0x4BB0] =	vst v0  }
0x397: {  	[tilespmem:$0x4BC0] =	vst v0  }
0x398: {  	[tilespmem:$0x4BD0] =	vst v0  }
0x399: {  	[tilespmem:$0x4BE0] =	vst v0  }
0x39a: {  	[tilespmem:$0x4BF0] =	vst v0  }
0x39b: {  	[tilespmem:$0x4C00] =	vst v0  }
0x39c: {  	[tilespmem:$0x4C10] =	vst v0  }
0x39d: {  	[tilespmem:$0x4C20] =	vst v0  }
0x39e: {  	[tilespmem:$0x4C30] =	vst v0  }
0x39f: {  	[tilespmem:$0x4C40] =	vst v0  }
0x3a0: {  	[tilespmem:$0x4C50] =	vst v0  }
0x3a1: {  	[tilespmem:$0x4C60] =	vst v0  }
0x3a2: {  	[tilespmem:$0x4C70] =	vst v0  }
0x3a3: {  	[tilespmem:$0x4C80] =	vst v0  }
0x3a4: {  	[tilespmem:$0x4C90] =	vst v0  }
0x3a5: {  	[tilespmem:$0x4CA0] =	vst v0  }
0x3a6: {  	[tilespmem:$0x4CB0] =	vst v0  }
0x3a7: {  	[tilespmem:$0x4CC0] =	vst v0  }
0x3a8: {  	[tilespmem:$0x4CD0] =	vst v0  }
0x3a9: {  	[tilespmem:$0x4CE0] =	vst v0  }
0x3aa: {  	[tilespmem:$0x4CF0] =	vst v0  }
0x3ab: {  	[tilespmem:$0x4D00] =	vst v0  }
0x3ac: {  	[tilespmem:$0x4D10] =	vst v0  }
0x3ad: {  	[tilespmem:$0x4D20] =	vst v0  }
0x3ae: {  	[tilespmem:$0x4D30] =	vst v0  }
0x3af: {  	[tilespmem:$0x4D40] =	vst v0  }
0x3b0: {  	[tilespmem:$0x4D50] =	vst v0  }
0x3b1: {  	[tilespmem:$0x4D60] =	vst v0  }
0x3b2: {  	[tilespmem:$0x4D70] =	vst v0  }
0x3b3: {  	[tilespmem:$0x4D80] =	vst v0  }
0x3b4: {  	[tilespmem:$0x4D90] =	vst v0  }
0x3b5: {  	[tilespmem:$0x4DA0] =	vst v0  }
0x3b6: {  	[tilespmem:$0x4DB0] =	vst v0  }
0x3b7: {  	[tilespmem:$0x4DC0] =	vst v0  }
0x3b8: {  	[tilespmem:$0x4DD0] =	vst v0  }
0x3b9: {  	[tilespmem:$0x4DE0] =	vst v0  }
0x3ba: {  	[tilespmem:$0x4DF0] =	vst v0  }
0x3bb: {  	[tilespmem:$0x4E00] =	vst v0  }
0x3bc: {  	[tilespmem:$0x4E10] =	vst v0  }
0x3bd: {  	[tilespmem:$0x4E20] =	vst v0  }
0x3be: {  	[tilespmem:$0x4E30] =	vst v0  }
0x3bf: {  	[tilespmem:$0x4E40] =	vst v0  }
0x3c0: {  	[tilespmem:$0x4E50] =	vst v0  }
0x3c1: {  	[tilespmem:$0x4E60] =	vst v0  }
0x3c2: {  	[tilespmem:$0x4E70] =	vst v0  }
0x3c3: {  	[tilespmem:$0x4E80] =	vst v0  }
0x3c4: {  	[tilespmem:$0x4E90] =	vst v0  }
0x3c5: {  	[tilespmem:$0x4EA0] =	vst v0  }
0x3c6: {  	[tilespmem:$0x4EB0] =	vst v0  }
0x3c7: {  	[tilespmem:$0x4EC0] =	vst v0  }
0x3c8: {  	[tilespmem:$0x4ED0] =	vst v0  }
0x3c9: {  	[tilespmem:$0x4EE0] =	vst v0  }
0x3ca: {  	[tilespmem:$0x4EF0] =	vst v0  }
0x3cb: {  	[tilespmem:$0x4F00] =	vst v0  }
0x3cc: {  	[tilespmem:$0x4F10] =	vst v0  }
0x3cd: {  	[tilespmem:$0x4F20] =	vst v0  }
0x3ce: {  	[tilespmem:$0x4F30] =	vst v0  }
0x3cf: {  	[tilespmem:$0x4F40] =	vst v0  }
0x3d0: {  	[tilespmem:$0x4F50] =	vst v0  }
0x3d1: {  	[tilespmem:$0x4F60] =	vst v0  }
0x3d2: {  	[tilespmem:$0x4F70] =	vst v0  }
0x3d3: {  	[tilespmem:$0x4F80] =	vst v0  }
0x3d4: {  	[tilespmem:$0x4F90] =	vst v0  }
0x3d5: {  	[tilespmem:$0x4FA0] =	vst v0  }
0x3d6: {  	[tilespmem:$0x4FB0] =	vst v0  }
0x3d7: {  	[tilespmem:$0x4FC0] =	vst v0  }
0x3d8: {  	[tilespmem:$0x4FD0] =	vst v0  }
0x3d9: {  	[tilespmem:$0x4FE0] =	vst v0  }
0x3da: {  	[tilespmem:$0x4FF0] =	vst v0  }
0x3db: {  	[tilespmem:$0x5000] =	vst v0  }
0x3dc: {  	[tilespmem:$0x5010] =	vst v0  }
0x3dd: {  	[tilespmem:$0x5020] =	vst v0  }
0x3de: {  	[tilespmem:$0x5030] =	vst v0  }
0x3df: {  	[tilespmem:$0x5040] =	vst v0  }
0x3e0: {  	[tilespmem:$0x5050] =	vst v0  }
0x3e1: {  	[tilespmem:$0x5060] =	vst v0  }
0x3e2: {  	[tilespmem:$0x5070] =	vst v0  }
0x3e3: {  	[tilespmem:$0x5080] =	vst v0  }
0x3e4: {  	[tilespmem:$0x5090] =	vst v0  }
0x3e5: {  	[tilespmem:$0x50A0] =	vst v0  }
0x3e6: {  	[tilespmem:$0x50B0] =	vst v0  }
0x3e7: {  	[tilespmem:$0x50C0] =	vst v0  }
0x3e8: {  	[tilespmem:$0x50D0] =	vst v0  }
0x3e9: {  	[tilespmem:$0x50E0] =	vst v0  }
0x3ea: {  	[tilespmem:$0x50F0] =	vst v0  }
0x3eb: {  	[tilespmem:$0x5100] =	vst v0  }
0x3ec: {  	[tilespmem:$0x5110] =	vst v0  }
0x3ed: {  	[tilespmem:$0x5120] =	vst v0  }
0x3ee: {  	[tilespmem:$0x5130] =	vst v0  }
0x3ef: {  	[tilespmem:$0x5140] =	vst v0  }
0x3f0: {  	[tilespmem:$0x5150] =	vst v0  }
0x3f1: {  	[tilespmem:$0x5160] =	vst v0  }
0x3f2: {  	[tilespmem:$0x5170] =	vst v0  }
0x3f3: {  	[tilespmem:$0x5180] =	vst v0  }
0x3f4: {  	[tilespmem:$0x5190] =	vst v0  }
0x3f5: {  	[tilespmem:$0x51A0] =	vst v0  }
0x3f6: {  	[tilespmem:$0x51B0] =	vst v0  }
0x3f7: {  	[tilespmem:$0x51C0] =	vst v0  }
0x3f8: {  	[tilespmem:$0x51D0] =	vst v0  }
0x3f9: {  	[tilespmem:$0x51E0] =	vst v0  }
0x3fa: {  	[tilespmem:$0x51F0] =	vst v0  }
0x3fb: {  	[tilespmem:$0x5200] =	vst v0  }
0x3fc: {  	[tilespmem:$0x5210] =	vst v0  }
0x3fd: {  	[tilespmem:$0x5220] =	vst v0  }
0x3fe: {  	[tilespmem:$0x5230] =	vst v0  }
0x3ff: {  	[tilespmem:$0x5240] =	vst v0  }
0x400: {  	[tilespmem:$0x5250] =	vst v0  }
0x401: {  	[tilespmem:$0x5260] =	vst v0  }
0x402: {  	[tilespmem:$0x5270] =	vst v0  }
0x403: {  	[tilespmem:$0x5280] =	vst v0  }
0x404: {  	[tilespmem:$0x5290] =	vst v0  }
0x405: {  	[tilespmem:$0x52A0] =	vst v0  }
0x406: {  	[tilespmem:$0x52B0] =	vst v0  }
0x407: {  	[tilespmem:$0x52C0] =	vst v0  }
0x408: {  	[tilespmem:$0x52D0] =	vst v0  }
0x409: {  	[tilespmem:$0x52E0] =	vst v0  }
0x40a: {  	[tilespmem:$0x52F0] =	vst v0  }
0x40b: {  	[tilespmem:$0x5300] =	vst v0  }
0x40c: {  	[tilespmem:$0x5310] =	vst v0  }
0x40d: {  	[tilespmem:$0x5320] =	vst v0  }
0x40e: {  	[tilespmem:$0x5330] =	vst v0  }
0x40f: {  	[tilespmem:$0x5340] =	vst v0  }
0x410: {  	[tilespmem:$0x5350] =	vst v0  }
0x411: {  	[tilespmem:$0x5360] =	vst v0  }
0x412: {  	[tilespmem:$0x5370] =	vst v0  }
0x413: {  	[tilespmem:$0x5380] =	vst v0  }
0x414: {  	[tilespmem:$0x5390] =	vst v0  }
0x415: {  	[tilespmem:$0x53A0] =	vst v0  }
0x416: {  	[tilespmem:$0x53B0] =	vst v0  }
0x417: {  	[tilespmem:$0x53C0] =	vst v0  }
0x418: {  	[tilespmem:$0x53D0] =	vst v0  }
0x419: {  	[tilespmem:$0x53E0] =	vst v0  }
0x41a: {  	[tilespmem:$0x53F0] =	vst v0  }
0x41b: {  	[tilespmem:$0x5400] =	vst v1  }
0x41c: {  	[tilespmem:$0x5410] =	vst v1  }
0x41d: {  	[tilespmem:$0x5420] =	vst v1  }
0x41e: {  	[tilespmem:$0x5430] =	vst v1  }
0x41f: {  	[tilespmem:$0x5440] =	vst v1  }
0x420: {  	[tilespmem:$0x5450] =	vst v1  }
0x421: {  	[tilespmem:$0x5460] =	vst v1  }
0x422: {  	[tilespmem:$0x5470] =	vst v1  }
0x423: {  	[tilespmem:$0x5480] =	vst v1  }
0x424: {  	[tilespmem:$0x5490] =	vst v1  }
0x425: {  	[tilespmem:$0x54A0] =	vst v1  }
0x426: {  	[tilespmem:$0x54B0] =	vst v1  }
0x427: {  	[tilespmem:$0x54C0] =	vst v1  }
0x428: {  	[tilespmem:$0x54D0] =	vst v1  }
0x429: {  	[tilespmem:$0x54E0] =	vst v1  }
0x42a: {  	[tilespmem:$0x54F0] =	vst v1  }
0x42b: {  	[tilespmem:$0x5500] =	vst v1  }
0x42c: {  	[tilespmem:$0x5510] =	vst v1  }
0x42d: {  	[tilespmem:$0x5520] =	vst v1  }
0x42e: {  	[tilespmem:$0x5530] =	vst v1  }
0x42f: {  	[tilespmem:$0x5540] =	vst v1  }
0x430: {  	[tilespmem:$0x5550] =	vst v1  }
0x431: {  	[tilespmem:$0x5560] =	vst v1  }
0x432: {  	[tilespmem:$0x5570] =	vst v1  }
0x433: {  	[tilespmem:$0x5580] =	vst v1  }
0x434: {  	[tilespmem:$0x5590] =	vst v1  }
0x435: {  	[tilespmem:$0x55A0] =	vst v1  }
0x436: {  	[tilespmem:$0x55B0] =	vst v1  }
0x437: {  	[tilespmem:$0x55C0] =	vst v1  }
0x438: {  	[tilespmem:$0x55D0] =	vst v1  }
0x439: {  	[tilespmem:$0x55E0] =	vst v1  }
0x43a: {  	[tilespmem:$0x55F0] =	vst v1  }
0x43b: {  	[tilespmem:$0x5600] =	vst v1  }
0x43c: {  	[tilespmem:$0x5610] =	vst v1  }
0x43d: {  	[tilespmem:$0x5620] =	vst v1  }
0x43e: {  	[tilespmem:$0x5630] =	vst v1  }
0x43f: {  	[tilespmem:$0x5640] =	vst v1  }
0x440: {  	[tilespmem:$0x5650] =	vst v1  }
0x441: {  	[tilespmem:$0x5660] =	vst v1  }
0x442: {  	[tilespmem:$0x5670] =	vst v1  }
0x443: {  	[tilespmem:$0x5680] =	vst v1  }
0x444: {  	[tilespmem:$0x5690] =	vst v1  }
0x445: {  	[tilespmem:$0x56A0] =	vst v1  }
0x446: {  	[tilespmem:$0x56B0] =	vst v1  }
0x447: {  	[tilespmem:$0x56C0] =	vst v1  }
0x448: {  	[tilespmem:$0x56D0] =	vst v1  }
0x449: {  	[tilespmem:$0x56E0] =	vst v1  }
0x44a: {  	[tilespmem:$0x56F0] =	vst v1  }
0x44b: {  	[tilespmem:$0x5700] =	vst v1  }
0x44c: {  	[tilespmem:$0x5710] =	vst v1  }
0x44d: {  	[tilespmem:$0x5720] =	vst v1  }
0x44e: {  	[tilespmem:$0x5730] =	vst v1  }
0x44f: {  	[tilespmem:$0x5740] =	vst v1  }
0x450: {  	[tilespmem:$0x5750] =	vst v1  }
0x451: {  	[tilespmem:$0x5760] =	vst v1  }
0x452: {  	[tilespmem:$0x5770] =	vst v1  }
0x453: {  	[tilespmem:$0x5780] =	vst v1  }
0x454: {  	[tilespmem:$0x5790] =	vst v1  }
0x455: {  	[tilespmem:$0x57A0] =	vst v1  }
0x456: {  	[tilespmem:$0x57B0] =	vst v1  }
0x457: {  	[tilespmem:$0x57C0] =	vst v1  }
0x458: {  	[tilespmem:$0x57D0] =	vst v1  }
0x459: {  	[tilespmem:$0x57E0] =	vst v1  }
0x45a: {  	[tilespmem:$0x57F0] =	vst v1  }
0x45b: {  	[tilespmem:$0x5800] =	vst v1  }
0x45c: {  	[tilespmem:$0x5810] =	vst v1  }
0x45d: {  	[tilespmem:$0x5820] =	vst v1  }
0x45e: {  	[tilespmem:$0x5830] =	vst v1  }
0x45f: {  	[tilespmem:$0x5840] =	vst v1  }
0x460: {  	[tilespmem:$0x5850] =	vst v1  }
0x461: {  	[tilespmem:$0x5860] =	vst v1  }
0x462: {  	[tilespmem:$0x5870] =	vst v1  }
0x463: {  	[tilespmem:$0x5880] =	vst v1  }
0x464: {  	[tilespmem:$0x5890] =	vst v1  }
0x465: {  	[tilespmem:$0x58A0] =	vst v1  }
0x466: {  	[tilespmem:$0x58B0] =	vst v1  }
0x467: {  	[tilespmem:$0x58C0] =	vst v1  }
0x468: {  	[tilespmem:$0x58D0] =	vst v1  }
0x469: {  	[tilespmem:$0x58E0] =	vst v1  }
0x46a: {  	[tilespmem:$0x58F0] =	vst v1  }
0x46b: {  	[tilespmem:$0x5900] =	vst v1  }
0x46c: {  	[tilespmem:$0x5910] =	vst v1  }
0x46d: {  	[tilespmem:$0x5920] =	vst v1  }
0x46e: {  	[tilespmem:$0x5930] =	vst v1  }
0x46f: {  	[tilespmem:$0x5940] =	vst v1  }
0x470: {  	[tilespmem:$0x5950] =	vst v1  }
0x471: {  	[tilespmem:$0x5960] =	vst v1  }
0x472: {  	[tilespmem:$0x5970] =	vst v1  }
0x473: {  	[tilespmem:$0x5980] =	vst v1  }
0x474: {  	[tilespmem:$0x5990] =	vst v1  }
0x475: {  	[tilespmem:$0x59A0] =	vst v1  }
0x476: {  	[tilespmem:$0x59B0] =	vst v1  }
0x477: {  	[tilespmem:$0x59C0] =	vst v1  }
0x478: {  	[tilespmem:$0x59D0] =	vst v1  }
0x479: {  	[tilespmem:$0x59E0] =	vst v1  }
0x47a: {  	[tilespmem:$0x59F0] =	vst v1  }
0x47b: {  	[tilespmem:$0x5A00] =	vst v1  }
0x47c: {  	[tilespmem:$0x5A10] =	vst v1  }
0x47d: {  	[tilespmem:$0x5A20] =	vst v1  }
0x47e: {  	[tilespmem:$0x5A30] =	vst v1  }
0x47f: {  	[tilespmem:$0x5A40] =	vst v1  }
0x480: {  	[tilespmem:$0x5A50] =	vst v1  }
0x481: {  	[tilespmem:$0x5A60] =	vst v1  }
0x482: {  	[tilespmem:$0x5A70] =	vst v1  }
0x483: {  	[tilespmem:$0x5A80] =	vst v1  }
0x484: {  	[tilespmem:$0x5A90] =	vst v1  }
0x485: {  	[tilespmem:$0x5AA0] =	vst v1  }
0x486: {  	[tilespmem:$0x5AB0] =	vst v1  }
0x487: {  	[tilespmem:$0x5AC0] =	vst v1  }
0x488: {  	[tilespmem:$0x5AD0] =	vst v1  }
0x489: {  	[tilespmem:$0x5AE0] =	vst v1  }
0x48a: {  	[tilespmem:$0x5AF0] =	vst v1  }
0x48b: {  	[tilespmem:$0x5B00] =	vst v1  }
0x48c: {  	[tilespmem:$0x5B10] =	vst v1  }
0x48d: {  	[tilespmem:$0x5B20] =	vst v1  }
0x48e: {  	[tilespmem:$0x5B30] =	vst v1  }
0x48f: {  	[tilespmem:$0x5B40] =	vst v1  }
0x490: {  	[tilespmem:$0x5B50] =	vst v1  }
0x491: {  	[tilespmem:$0x5B60] =	vst v1  }
0x492: {  	[tilespmem:$0x5B70] =	vst v1  }
0x493: {  	[tilespmem:$0x5B80] =	vst v1  }
0x494: {  	[tilespmem:$0x5B90] =	vst v1  }
0x495: {  	[tilespmem:$0x5BA0] =	vst v1  }
0x496: {  	[tilespmem:$0x5BB0] =	vst v1  }
0x497: {  	[tilespmem:$0x5BC0] =	vst v1  }
0x498: {  	[tilespmem:$0x5BD0] =	vst v1  }
0x499: {  	[tilespmem:$0x5BE0] =	vst v1  }
0x49a: {  	[tilespmem:$0x5BF0] =	vst v1  }
0x49b: {  	[tilespmem:$0x5C00] =	vst v1  }
0x49c: {  	[tilespmem:$0x5C10] =	vst v1  }
0x49d: {  	[tilespmem:$0x5C20] =	vst v1  }
0x49e: {  	[tilespmem:$0x5C30] =	vst v1  }
0x49f: {  	[tilespmem:$0x5C40] =	vst v1  }
0x4a0: {  	[tilespmem:$0x5C50] =	vst v1  }
0x4a1: {  	[tilespmem:$0x5C60] =	vst v1  }
0x4a2: {  	[tilespmem:$0x5C70] =	vst v1  }
0x4a3: {  	[tilespmem:$0x5C80] =	vst v1  }
0x4a4: {  	[tilespmem:$0x5C90] =	vst v1  }
0x4a5: {  	[tilespmem:$0x5CA0] =	vst v1  }
0x4a6: {  	[tilespmem:$0x5CB0] =	vst v1  }
0x4a7: {  	[tilespmem:$0x5CC0] =	vst v1  }
0x4a8: {  	[tilespmem:$0x5CD0] =	vst v1  }
0x4a9: {  	[tilespmem:$0x5CE0] =	vst v1  }
0x4aa: {  	[tilespmem:$0x5CF0] =	vst v1  }
0x4ab: {  	[tilespmem:$0x5D00] =	vst v1  }
0x4ac: {  	[tilespmem:$0x5D10] =	vst v1  }
0x4ad: {  	[tilespmem:$0x5D20] =	vst v1  }
0x4ae: {  	[tilespmem:$0x5D30] =	vst v1  }
0x4af: {  	[tilespmem:$0x5D40] =	vst v1  }
0x4b0: {  	[tilespmem:$0x5D50] =	vst v1  }
0x4b1: {  	[tilespmem:$0x5D60] =	vst v1  }
0x4b2: {  	[tilespmem:$0x5D70] =	vst v1  }
0x4b3: {  	[tilespmem:$0x5D80] =	vst v1  }
0x4b4: {  	[tilespmem:$0x5D90] =	vst v1  }
0x4b5: {  	[tilespmem:$0x5DA0] =	vst v1  }
0x4b6: {  	[tilespmem:$0x5DB0] =	vst v1  }
0x4b7: {  	[tilespmem:$0x5DC0] =	vst v1  }
0x4b8: {  	[tilespmem:$0x5DD0] =	vst v1  }
0x4b9: {  	[tilespmem:$0x5DE0] =	vst v1  }
0x4ba: {  	[tilespmem:$0x5DF0] =	vst v1  }
0x4bb: {  	[tilespmem:$0x5E00] =	vst v1  }
0x4bc: {  	[tilespmem:$0x5E10] =	vst v1  }
0x4bd: {  	[tilespmem:$0x5E20] =	vst v1  }
0x4be: {  	[tilespmem:$0x5E30] =	vst v1  }
0x4bf: {  	[tilespmem:$0x5E40] =	vst v1  }
0x4c0: {  	[tilespmem:$0x5E50] =	vst v1  }
0x4c1: {  	[tilespmem:$0x5E60] =	vst v1  }
0x4c2: {  	[tilespmem:$0x5E70] =	vst v1  }
0x4c3: {  	[tilespmem:$0x5E80] =	vst v1  }
0x4c4: {  	[tilespmem:$0x5E90] =	vst v1  }
0x4c5: {  	[tilespmem:$0x5EA0] =	vst v1  }
0x4c6: {  	[tilespmem:$0x5EB0] =	vst v1  }
0x4c7: {  	[tilespmem:$0x5EC0] =	vst v1  }
0x4c8: {  	[tilespmem:$0x5ED0] =	vst v1  }
0x4c9: {  	[tilespmem:$0x5EE0] =	vst v1  }
0x4ca: {  	[tilespmem:$0x5EF0] =	vst v1  }
0x4cb: {  	[tilespmem:$0x5F00] =	vst v1  }
0x4cc: {  	[tilespmem:$0x5F10] =	vst v1  }
0x4cd: {  	[tilespmem:$0x5F20] =	vst v1  }
0x4ce: {  	[tilespmem:$0x5F30] =	vst v1  }
0x4cf: {  	[tilespmem:$0x5F40] =	vst v1  }
0x4d0: {  	[tilespmem:$0x5F50] =	vst v1  }
0x4d1: {  	[tilespmem:$0x5F60] =	vst v1  }
0x4d2: {  	[tilespmem:$0x5F70] =	vst v1  }
0x4d3: {  	[tilespmem:$0x5F80] =	vst v1  }
0x4d4: {  	[tilespmem:$0x5F90] =	vst v1  }
0x4d5: {  	[tilespmem:$0x5FA0] =	vst v1  }
0x4d6: {  	[tilespmem:$0x5FB0] =	vst v1  }
0x4d7: {  	[tilespmem:$0x5FC0] =	vst v1  }
0x4d8: {  	[tilespmem:$0x5FD0] =	vst v1  }
0x4d9: {  	[tilespmem:$0x5FE0] =	vst v1  }
0x4da: {  	[tilespmem:$0x5FF0] =	vst v1  }
0x4db: {  	[tilespmem:$0x6000] =	vst v1  }
0x4dc: {  	[tilespmem:$0x6010] =	vst v1  }
0x4dd: {  	[tilespmem:$0x6020] =	vst v1  }
0x4de: {  	[tilespmem:$0x6030] =	vst v1  }
0x4df: {  	[tilespmem:$0x6040] =	vst v1  }
0x4e0: {  	[tilespmem:$0x6050] =	vst v1  }
0x4e1: {  	[tilespmem:$0x6060] =	vst v1  }
0x4e2: {  	[tilespmem:$0x6070] =	vst v1  }
0x4e3: {  	[tilespmem:$0x6080] =	vst v1  }
0x4e4: {  	[tilespmem:$0x6090] =	vst v1  }
0x4e5: {  	[tilespmem:$0x60A0] =	vst v1  }
0x4e6: {  	[tilespmem:$0x60B0] =	vst v1  }
0x4e7: {  	[tilespmem:$0x60C0] =	vst v1  }
0x4e8: {  	[tilespmem:$0x60D0] =	vst v1  }
0x4e9: {  	[tilespmem:$0x60E0] =	vst v1  }
0x4ea: {  	[tilespmem:$0x60F0] =	vst v1  }
0x4eb: {  	[tilespmem:$0x6100] =	vst v1  }
0x4ec: {  	[tilespmem:$0x6110] =	vst v1  }
0x4ed: {  	[tilespmem:$0x6120] =	vst v1  }
0x4ee: {  	[tilespmem:$0x6130] =	vst v1  }
0x4ef: {  	[tilespmem:$0x6140] =	vst v1  }
0x4f0: {  	[tilespmem:$0x6150] =	vst v1  }
0x4f1: {  	[tilespmem:$0x6160] =	vst v1  }
0x4f2: {  	[tilespmem:$0x6170] =	vst v1  }
0x4f3: {  	[tilespmem:$0x6180] =	vst v1  }
0x4f4: {  	[tilespmem:$0x6190] =	vst v1  }
0x4f5: {  	[tilespmem:$0x61A0] =	vst v1  }
0x4f6: {  	[tilespmem:$0x61B0] =	vst v1  }
0x4f7: {  	[tilespmem:$0x61C0] =	vst v1  }
0x4f8: {  	[tilespmem:$0x61D0] =	vst v1  }
0x4f9: {  	[tilespmem:$0x61E0] =	vst v1  }
0x4fa: {  	[tilespmem:$0x61F0] =	vst v1  }
0x4fb: {  	[tilespmem:$0x6200] =	vst v1  }
0x4fc: {  	[tilespmem:$0x6210] =	vst v1  }
0x4fd: {  	[tilespmem:$0x6220] =	vst v1  }
0x4fe: {  	[tilespmem:$0x6230] =	vst v1  }
0x4ff: {  	[tilespmem:$0x6240] =	vst v1  }
0x500: {  	[tilespmem:$0x6250] =	vst v1  }
0x501: {  	[tilespmem:$0x6260] =	vst v1  }
0x502: {  	[tilespmem:$0x6270] =	vst v1  }
0x503: {  	[tilespmem:$0x6280] =	vst v1  }
0x504: {  	[tilespmem:$0x6290] =	vst v1  }
0x505: {  	[tilespmem:$0x62A0] =	vst v1  }
0x506: {  	[tilespmem:$0x62B0] =	vst v1  }
0x507: {  	[tilespmem:$0x62C0] =	vst v1  }
0x508: {  	[tilespmem:$0x62D0] =	vst v1  }
0x509: {  	[tilespmem:$0x62E0] =	vst v1  }
0x50a: {  	[tilespmem:$0x62F0] =	vst v1  }
0x50b: {  	[tilespmem:$0x6300] =	vst v1  }
0x50c: {  	[tilespmem:$0x6310] =	vst v1  }
0x50d: {  	[tilespmem:$0x6320] =	vst v1  }
0x50e: {  	[tilespmem:$0x6330] =	vst v1  }
0x50f: {  	[tilespmem:$0x6340] =	vst v1  }
0x510: {  	[tilespmem:$0x6350] =	vst v1  }
0x511: {  	[tilespmem:$0x6360] =	vst v1  }
0x512: {  	[tilespmem:$0x6370] =	vst v1  }
0x513: {  	[tilespmem:$0x6380] =	vst v1  }
0x514: {  	[tilespmem:$0x6390] =	vst v1  }
0x515: {  	[tilespmem:$0x63A0] =	vst v1  }
0x516: {  	[tilespmem:$0x63B0] =	vst v1  }
0x517: {  	[tilespmem:$0x63C0] =	vst v1  }
0x518: {  	[tilespmem:$0x63D0] =	vst v1  }
0x519: {  	[tilespmem:$0x63E0] =	vst v1  }
0x51a: {  	[tilespmem:$0x63F0] =	vst v1  }
0x51b: {  	[tilespmem:$0x6400] =	vst v1  }
0x51c: {  	[tilespmem:$0x6410] =	vst v1  }
0x51d: {  	[tilespmem:$0x6420] =	vst v1  }
0x51e: {  	[tilespmem:$0x6430] =	vst v1  }
0x51f: {  	[tilespmem:$0x6440] =	vst v1  }
0x520: {  	[tilespmem:$0x6450] =	vst v1  }
0x521: {  	[tilespmem:$0x6460] =	vst v1  }
0x522: {  	[tilespmem:$0x6470] =	vst v1  }
0x523: {  	[tilespmem:$0x6480] =	vst v1  }
0x524: {  	[tilespmem:$0x6490] =	vst v1  }
0x525: {  	[tilespmem:$0x64A0] =	vst v1  }
0x526: {  	[tilespmem:$0x64B0] =	vst v1  }
0x527: {  	[tilespmem:$0x64C0] =	vst v1  }
0x528: {  	[tilespmem:$0x64D0] =	vst v1  }
0x529: {  	[tilespmem:$0x64E0] =	vst v1  }
0x52a: {  	[tilespmem:$0x64F0] =	vst v1  }
0x52b: {  	[tilespmem:$0x6500] =	vst v1  }
0x52c: {  	[tilespmem:$0x6510] =	vst v1  }
0x52d: {  	[tilespmem:$0x6520] =	vst v1  }
0x52e: {  	[tilespmem:$0x6530] =	vst v1  }
0x52f: {  	[tilespmem:$0x6540] =	vst v1  }
0x530: {  	[tilespmem:$0x6550] =	vst v1  }
0x531: {  	[tilespmem:$0x6560] =	vst v1  }
0x532: {  	[tilespmem:$0x6570] =	vst v1  }
0x533: {  	[tilespmem:$0x6580] =	vst v1  }
0x534: {  	[tilespmem:$0x6590] =	vst v1  }
0x535: {  	[tilespmem:$0x65A0] =	vst v1  }
0x536: {  	[tilespmem:$0x65B0] =	vst v1  }
0x537: {  	[tilespmem:$0x65C0] =	vst v1  }
0x538: {  	[tilespmem:$0x65D0] =	vst v1  }
0x539: {  	[tilespmem:$0x65E0] =	vst v1  }
0x53a: {  	[tilespmem:$0x65F0] =	vst v1  }
0x53b: {  	[tilespmem:$0x6600] =	vst v1  }
0x53c: {  	[tilespmem:$0x6610] =	vst v1  }
0x53d: {  	[tilespmem:$0x6620] =	vst v1  }
0x53e: {  	[tilespmem:$0x6630] =	vst v1  }
0x53f: {  	[tilespmem:$0x6640] =	vst v1  }
0x540: {  	[tilespmem:$0x6650] =	vst v1  }
0x541: {  	[tilespmem:$0x6660] =	vst v1  }
0x542: {  	[tilespmem:$0x6670] =	vst v1  }
0x543: {  	[tilespmem:$0x6680] =	vst v1  }
0x544: {  	[tilespmem:$0x6690] =	vst v1  }
0x545: {  	[tilespmem:$0x66A0] =	vst v1  }
0x546: {  	[tilespmem:$0x66B0] =	vst v1  }
0x547: {  	[tilespmem:$0x66C0] =	vst v1  }
0x548: {  	[tilespmem:$0x66D0] =	vst v1  }
0x549: {  	[tilespmem:$0x66E0] =	vst v1  }
0x54a: {  	[tilespmem:$0x66F0] =	vst v1  }
0x54b: {  	[tilespmem:$0x6700] =	vst v1  }
0x54c: {  	[tilespmem:$0x6710] =	vst v1  }
0x54d: {  	[tilespmem:$0x6720] =	vst v1  }
0x54e: {  	[tilespmem:$0x6730] =	vst v1  }
0x54f: {  	[tilespmem:$0x6740] =	vst v1  }
0x550: {  	[tilespmem:$0x6750] =	vst v1  }
0x551: {  	[tilespmem:$0x6760] =	vst v1  }
0x552: {  	[tilespmem:$0x6770] =	vst v1  }
0x553: {  	[tilespmem:$0x6780] =	vst v1  }
0x554: {  	[tilespmem:$0x6790] =	vst v1  }
0x555: {  	[tilespmem:$0x67A0] =	vst v1  }
0x556: {  	[tilespmem:$0x67B0] =	vst v1  }
0x557: {  	[tilespmem:$0x67C0] =	vst v1  }
0x558: {  	[tilespmem:$0x67D0] =	vst v1  }
0x559: {  	[tilespmem:$0x67E0] =	vst v1  }
0x55a: {  	[tilespmem:$0x67F0] =	vst v1  }
0x55b: {  	[tilespmem:$0x6800] =	vst v1  }
0x55c: {  	[tilespmem:$0x6810] =	vst v1  }
0x55d: {  	[tilespmem:$0x6820] =	vst v1  }
0x55e: {  	[tilespmem:$0x6830] =	vst v1  }
0x55f: {  	[tilespmem:$0x6840] =	vst v1  }
0x560: {  	[tilespmem:$0x6850] =	vst v1  }
0x561: {  	[tilespmem:$0x6860] =	vst v1  }
0x562: {  	[tilespmem:$0x6870] =	vst v1  }
0x563: {  	[tilespmem:$0x6880] =	vst v1  }
0x564: {  	[tilespmem:$0x6890] =	vst v1  }
0x565: {  	[tilespmem:$0x68A0] =	vst v1  }
0x566: {  	[tilespmem:$0x68B0] =	vst v1  }
0x567: {  	[tilespmem:$0x68C0] =	vst v1  }
0x568: {  	[tilespmem:$0x68D0] =	vst v1  }
0x569: {  	[tilespmem:$0x68E0] =	vst v1  }
0x56a: {  	[tilespmem:$0x68F0] =	vst v1  }
0x56b: {  	[tilespmem:$0x6900] =	vst v1  }
0x56c: {  	[tilespmem:$0x6910] =	vst v1  }
0x56d: {  	[tilespmem:$0x6920] =	vst v1  }
0x56e: {  	[tilespmem:$0x6930] =	vst v1  }
0x56f: {  	[tilespmem:$0x6940] =	vst v1  }
0x570: {  	[tilespmem:$0x6950] =	vst v1  }
0x571: {  	[tilespmem:$0x6960] =	vst v1  }
0x572: {  	[tilespmem:$0x6970] =	vst v1  }
0x573: {  	[tilespmem:$0x6980] =	vst v1  }
0x574: {  	[tilespmem:$0x6990] =	vst v1  }
0x575: {  	[tilespmem:$0x69A0] =	vst v1  }
0x576: {  	[tilespmem:$0x69B0] =	vst v1  }
0x577: {  	[tilespmem:$0x69C0] =	vst v1  }
0x578: {  	[tilespmem:$0x69D0] =	vst v1  }
0x579: {  	[tilespmem:$0x69E0] =	vst v1  }
0x57a: {  	[tilespmem:$0x69F0] =	vst v1  }
0x57b: {  	[tilespmem:$0x6A00] =	vst v1  }
0x57c: {  	[tilespmem:$0x6A10] =	vst v1  }
0x57d: {  	[tilespmem:$0x6A20] =	vst v1  }
0x57e: {  	[tilespmem:$0x6A30] =	vst v1  }
0x57f: {  	[tilespmem:$0x6A40] =	vst v1  }
0x580: {  	[tilespmem:$0x6A50] =	vst v1  }
0x581: {  	[tilespmem:$0x6A60] =	vst v1  }
0x582: {  	[tilespmem:$0x6A70] =	vst v1  }
0x583: {  	[tilespmem:$0x6A80] =	vst v1  }
0x584: {  	[tilespmem:$0x6A90] =	vst v1  }
0x585: {  	[tilespmem:$0x6AA0] =	vst v1  }
0x586: {  	[tilespmem:$0x6AB0] =	vst v1  }
0x587: {  	[tilespmem:$0x6AC0] =	vst v1  }
0x588: {  	[tilespmem:$0x6AD0] =	vst v1  }
0x589: {  	[tilespmem:$0x6AE0] =	vst v1  }
0x58a: {  	[tilespmem:$0x6AF0] =	vst v1  }
0x58b: {  	[tilespmem:$0x6B00] =	vst v1  }
0x58c: {  	[tilespmem:$0x6B10] =	vst v1  }
0x58d: {  	[tilespmem:$0x6B20] =	vst v1  }
0x58e: {  	[tilespmem:$0x6B30] =	vst v1  }
0x58f: {  	[tilespmem:$0x6B40] =	vst v1  }
0x590: {  	[tilespmem:$0x6B50] =	vst v1  }
0x591: {  	[tilespmem:$0x6B60] =	vst v1  }
0x592: {  	[tilespmem:$0x6B70] =	vst v1  }
0x593: {  	[tilespmem:$0x6B80] =	vst v1  }
0x594: {  	[tilespmem:$0x6B90] =	vst v1  }
0x595: {  	[tilespmem:$0x6BA0] =	vst v1  }
0x596: {  	[tilespmem:$0x6BB0] =	vst v1  }
0x597: {  	[tilespmem:$0x6BC0] =	vst v1  }
0x598: {  	[tilespmem:$0x6BD0] =	vst v1  }
0x599: {  	[tilespmem:$0x6BE0] =	vst v1  }
0x59a: {  	[tilespmem:$0x6BF0] =	vst v1  }
0x59b: {  	[tilespmem:$0x6C00] =	vst v1  }
0x59c: {  	[tilespmem:$0x6C10] =	vst v1  }
0x59d: {  	[tilespmem:$0x6C20] =	vst v1  }
0x59e: {  	[tilespmem:$0x6C30] =	vst v1  }
0x59f: {  	[tilespmem:$0x6C40] =	vst v1  }
0x5a0: {  	[tilespmem:$0x6C50] =	vst v1  }
0x5a1: {  	[tilespmem:$0x6C60] =	vst v1  }
0x5a2: {  	[tilespmem:$0x6C70] =	vst v1  }
0x5a3: {  	[tilespmem:$0x6C80] =	vst v1  }
0x5a4: {  	[tilespmem:$0x6C90] =	vst v1  }
0x5a5: {  	[tilespmem:$0x6CA0] =	vst v1  }
0x5a6: {  	[tilespmem:$0x6CB0] =	vst v1  }
0x5a7: {  	[tilespmem:$0x6CC0] =	vst v1  }
0x5a8: {  	[tilespmem:$0x6CD0] =	vst v1  }
0x5a9: {  	[tilespmem:$0x6CE0] =	vst v1  }
0x5aa: {  	[tilespmem:$0x6CF0] =	vst v1  }
0x5ab: {  	[tilespmem:$0x6D00] =	vst v1  }
0x5ac: {  	[tilespmem:$0x6D10] =	vst v1  }
0x5ad: {  	[tilespmem:$0x6D20] =	vst v1  }
0x5ae: {  	[tilespmem:$0x6D30] =	vst v1  }
0x5af: {  	[tilespmem:$0x6D40] =	vst v1  }
0x5b0: {  	[tilespmem:$0x6D50] =	vst v1  }
0x5b1: {  	[tilespmem:$0x6D60] =	vst v1  }
0x5b2: {  	[tilespmem:$0x6D70] =	vst v1  }
0x5b3: {  	[tilespmem:$0x6D80] =	vst v1  }
0x5b4: {  	[tilespmem:$0x6D90] =	vst v1  }
0x5b5: {  	[tilespmem:$0x6DA0] =	vst v1  }
0x5b6: {  	[tilespmem:$0x6DB0] =	vst v1  }
0x5b7: {  	[tilespmem:$0x6DC0] =	vst v1  }
0x5b8: {  	[tilespmem:$0x6DD0] =	vst v1  }
0x5b9: {  	[tilespmem:$0x6DE0] =	vst v1  }
0x5ba: {  	[tilespmem:$0x6DF0] =	vst v1  }
0x5bb: {  	[tilespmem:$0x6E00] =	vst v1  }
0x5bc: {  	[tilespmem:$0x6E10] =	vst v1  }
0x5bd: {  	[tilespmem:$0x6E20] =	vst v1  }
0x5be: {  	[tilespmem:$0x6E30] =	vst v1  }
0x5bf: {  	[tilespmem:$0x6E40] =	vst v1  }
0x5c0: {  	[tilespmem:$0x6E50] =	vst v1  }
0x5c1: {  	[tilespmem:$0x6E60] =	vst v1  }
0x5c2: {  	[tilespmem:$0x6E70] =	vst v1  }
0x5c3: {  	[tilespmem:$0x6E80] =	vst v1  }
0x5c4: {  	[tilespmem:$0x6E90] =	vst v1  }
0x5c5: {  	[tilespmem:$0x6EA0] =	vst v1  }
0x5c6: {  	[tilespmem:$0x6EB0] =	vst v1  }
0x5c7: {  	[tilespmem:$0x6EC0] =	vst v1  }
0x5c8: {  	[tilespmem:$0x6ED0] =	vst v1  }
0x5c9: {  	[tilespmem:$0x6EE0] =	vst v1  }
0x5ca: {  	[tilespmem:$0x6EF0] =	vst v1  }
0x5cb: {  	[tilespmem:$0x6F00] =	vst v1  }
0x5cc: {  	[tilespmem:$0x6F10] =	vst v1  }
0x5cd: {  	[tilespmem:$0x6F20] =	vst v1  }
0x5ce: {  	[tilespmem:$0x6F30] =	vst v1  }
0x5cf: {  	[tilespmem:$0x6F40] =	vst v1  }
0x5d0: {  	[tilespmem:$0x6F50] =	vst v1  }
0x5d1: {  	[tilespmem:$0x6F60] =	vst v1  }
0x5d2: {  	[tilespmem:$0x6F70] =	vst v1  }
0x5d3: {  	[tilespmem:$0x6F80] =	vst v1  }
0x5d4: {  	[tilespmem:$0x6F90] =	vst v1  }
0x5d5: {  	[tilespmem:$0x6FA0] =	vst v1  }
0x5d6: {  	[tilespmem:$0x6FB0] =	vst v1  }
0x5d7: {  	[tilespmem:$0x6FC0] =	vst v1  }
0x5d8: {  	[tilespmem:$0x6FD0] =	vst v1  }
0x5d9: {  	[tilespmem:$0x6FE0] =	vst v1  }
0x5da: {  	[tilespmem:$0x6FF0] =	vst v1  }
0x5db: {  	[tilespmem:$0x7000] =	vst v1  }
0x5dc: {  	[tilespmem:$0x7010] =	vst v1  }
0x5dd: {  	[tilespmem:$0x7020] =	vst v1  }
0x5de: {  	[tilespmem:$0x7030] =	vst v1  }
0x5df: {  	[tilespmem:$0x7040] =	vst v1  }
0x5e0: {  	[tilespmem:$0x7050] =	vst v1  }
0x5e1: {  	[tilespmem:$0x7060] =	vst v1  }
0x5e2: {  	[tilespmem:$0x7070] =	vst v1  }
0x5e3: {  	[tilespmem:$0x7080] =	vst v1  }
0x5e4: {  	[tilespmem:$0x7090] =	vst v1  }
0x5e5: {  	[tilespmem:$0x70A0] =	vst v1  }
0x5e6: {  	[tilespmem:$0x70B0] =	vst v1  }
0x5e7: {  	[tilespmem:$0x70C0] =	vst v1  }
0x5e8: {  	[tilespmem:$0x70D0] =	vst v1  }
0x5e9: {  	[tilespmem:$0x70E0] =	vst v1  }
0x5ea: {  	[tilespmem:$0x70F0] =	vst v1  }
0x5eb: {  	[tilespmem:$0x7100] =	vst v1  }
0x5ec: {  	[tilespmem:$0x7110] =	vst v1  }
0x5ed: {  	[tilespmem:$0x7120] =	vst v1  }
0x5ee: {  	[tilespmem:$0x7130] =	vst v1  }
0x5ef: {  	[tilespmem:$0x7140] =	vst v1  }
0x5f0: {  	[tilespmem:$0x7150] =	vst v1  }
0x5f1: {  	[tilespmem:$0x7160] =	vst v1  }
0x5f2: {  	[tilespmem:$0x7170] =	vst v1  }
0x5f3: {  	[tilespmem:$0x7180] =	vst v1  }
0x5f4: {  	[tilespmem:$0x7190] =	vst v1  }
0x5f5: {  	[tilespmem:$0x71A0] =	vst v1  }
0x5f6: {  	[tilespmem:$0x71B0] =	vst v1  }
0x5f7: {  	[tilespmem:$0x71C0] =	vst v1  }
0x5f8: {  	[tilespmem:$0x71D0] =	vst v1  }
0x5f9: {  	[tilespmem:$0x71E0] =	vst v1  }
0x5fa: {  	[tilespmem:$0x71F0] =	vst v1  }
0x5fb: {  	[tilespmem:$0x7200] =	vst v1  }
0x5fc: {  	[tilespmem:$0x7210] =	vst v1  }
0x5fd: {  	[tilespmem:$0x7220] =	vst v1  }
0x5fe: {  	[tilespmem:$0x7230] =	vst v1  }
0x5ff: {  	[tilespmem:$0x7240] =	vst v1  }
0x600: {  	[tilespmem:$0x7250] =	vst v1  }
0x601: {  	[tilespmem:$0x7260] =	vst v1  }
0x602: {  	[tilespmem:$0x7270] =	vst v1  }
0x603: {  	[tilespmem:$0x7280] =	vst v1  }
0x604: {  	[tilespmem:$0x7290] =	vst v1  }
0x605: {  	[tilespmem:$0x72A0] =	vst v1  }
0x606: {  	[tilespmem:$0x72B0] =	vst v1  }
0x607: {  	[tilespmem:$0x72C0] =	vst v1  }
0x608: {  	[tilespmem:$0x72D0] =	vst v1  }
0x609: {  	[tilespmem:$0x72E0] =	vst v1  }
0x60a: {  	[tilespmem:$0x72F0] =	vst v1  }
0x60b: {  	[tilespmem:$0x7300] =	vst v1  }
0x60c: {  	[tilespmem:$0x7310] =	vst v1  }
0x60d: {  	[tilespmem:$0x7320] =	vst v1  }
0x60e: {  	[tilespmem:$0x7330] =	vst v1  }
0x60f: {  	[tilespmem:$0x7340] =	vst v1  }
0x610: {  	[tilespmem:$0x7350] =	vst v1  }
0x611: {  	[tilespmem:$0x7360] =	vst v1  }
0x612: {  	[tilespmem:$0x7370] =	vst v1  }
0x613: {  	[tilespmem:$0x7380] =	vst v1  }
0x614: {  	[tilespmem:$0x7390] =	vst v1  }
0x615: {  	[tilespmem:$0x73A0] =	vst v1  }
0x616: {  	[tilespmem:$0x73B0] =	vst v1  }
0x617: {  	[tilespmem:$0x73C0] =	vst v1  }
0x618: {  	[tilespmem:$0x73D0] =	vst v1  }
0x619: {  	[tilespmem:$0x73E0] =	vst v1  }
0x61a: {  	[tilespmem:$0x73F0] =	vst v1  }
0x61b: {  	[tilespmem:$0x7400] =	vst v1  }
0x61c: {  	[tilespmem:$0x7410] =	vst v1  }
0x61d: {  	[tilespmem:$0x7420] =	vst v1  }
0x61e: {  	[tilespmem:$0x7430] =	vst v1  }
0x61f: {  	[tilespmem:$0x7440] =	vst v1  }
0x620: {  	[tilespmem:$0x7450] =	vst v1  }
0x621: {  	[tilespmem:$0x7460] =	vst v1  }
0x622: {  	[tilespmem:$0x7470] =	vst v1  }
0x623: {  	[tilespmem:$0x7480] =	vst v1  }
0x624: {  	[tilespmem:$0x7490] =	vst v1  }
0x625: {  	[tilespmem:$0x74A0] =	vst v1  }
0x626: {  	[tilespmem:$0x74B0] =	vst v1  }
0x627: {  	[tilespmem:$0x74C0] =	vst v1  }
0x628: {  	[tilespmem:$0x74D0] =	vst v1  }
0x629: {  	[tilespmem:$0x74E0] =	vst v1  }
0x62a: {  	[tilespmem:$0x74F0] =	vst v1  }
0x62b: {  	[tilespmem:$0x7500] =	vst v1  }
0x62c: {  	[tilespmem:$0x7510] =	vst v1  }
0x62d: {  	[tilespmem:$0x7520] =	vst v1  }
0x62e: {  	[tilespmem:$0x7530] =	vst v1  }
0x62f: {  	[tilespmem:$0x7540] =	vst v1  }
0x630: {  	[tilespmem:$0x7550] =	vst v1  }
0x631: {  	[tilespmem:$0x7560] =	vst v1  }
0x632: {  	[tilespmem:$0x7570] =	vst v1  }
0x633: {  	[tilespmem:$0x7580] =	vst v1  }
0x634: {  	[tilespmem:$0x7590] =	vst v1  }
0x635: {  	[tilespmem:$0x75A0] =	vst v1  }
0x636: {  	[tilespmem:$0x75B0] =	vst v1  }
0x637: {  	[tilespmem:$0x75C0] =	vst v1  }
0x638: {  	[tilespmem:$0x75D0] =	vst v1  }
0x639: {  	[tilespmem:$0x75E0] =	vst v1  }
0x63a: {  	[tilespmem:$0x75F0] =	vst v1  }
0x63b: {  	[tilespmem:$0x7600] =	vst v1  }
0x63c: {  	[tilespmem:$0x7610] =	vst v1  }
0x63d: {  	[tilespmem:$0x7620] =	vst v1  }
0x63e: {  	[tilespmem:$0x7630] =	vst v1  }
0x63f: {  	[tilespmem:$0x7640] =	vst v1  }
0x640: {  	[tilespmem:$0x7650] =	vst v1  }
0x641: {  	[tilespmem:$0x7660] =	vst v1  }
0x642: {  	[tilespmem:$0x7670] =	vst v1  }
0x643: {  	[tilespmem:$0x7680] =	vst v1  }
0x644: {  	[tilespmem:$0x7690] =	vst v1  }
0x645: {  	[tilespmem:$0x76A0] =	vst v1  }
0x646: {  	[tilespmem:$0x76B0] =	vst v1  }
0x647: {  	[tilespmem:$0x76C0] =	vst v1  }
0x648: {  	[tilespmem:$0x76D0] =	vst v1  }
0x649: {  	[tilespmem:$0x76E0] =	vst v1  }
0x64a: {  	[tilespmem:$0x76F0] =	vst v1  }
0x64b: {  	[tilespmem:$0x7700] =	vst v1  }
0x64c: {  	[tilespmem:$0x7710] =	vst v1  }
0x64d: {  	[tilespmem:$0x7720] =	vst v1  }
0x64e: {  	[tilespmem:$0x7730] =	vst v1  }
0x64f: {  	[tilespmem:$0x7740] =	vst v1  }
0x650: {  	[tilespmem:$0x7750] =	vst v1  }
0x651: {  	[tilespmem:$0x7760] =	vst v1  }
0x652: {  	[tilespmem:$0x7770] =	vst v1  }
0x653: {  	[tilespmem:$0x7780] =	vst v1  }
0x654: {  	[tilespmem:$0x7790] =	vst v1  }
0x655: {  	[tilespmem:$0x77A0] =	vst v1  }
0x656: {  	[tilespmem:$0x77B0] =	vst v1  }
0x657: {  	[tilespmem:$0x77C0] =	vst v1  }
0x658: {  	[tilespmem:$0x77D0] =	vst v1  }
0x659: {  	[tilespmem:$0x77E0] =	vst v1  }
0x65a: {  	[tilespmem:$0x77F0] =	vst v1  }
0x65b: {  	[tilespmem:$0x7800] =	vst v1  }
0x65c: {  	[tilespmem:$0x7810] =	vst v1  }
0x65d: {  	[tilespmem:$0x7820] =	vst v1  }
0x65e: {  	[tilespmem:$0x7830] =	vst v1  }
0x65f: {  	[tilespmem:$0x7840] =	vst v1  }
0x660: {  	[tilespmem:$0x7850] =	vst v1  }
0x661: {  	[tilespmem:$0x7860] =	vst v1  }
0x662: {  	[tilespmem:$0x7870] =	vst v1  }
0x663: {  	[tilespmem:$0x7880] =	vst v1  }
0x664: {  	[tilespmem:$0x7890] =	vst v1  }
0x665: {  	[tilespmem:$0x78A0] =	vst v1  }
0x666: {  	[tilespmem:$0x78B0] =	vst v1  }
0x667: {  	[tilespmem:$0x78C0] =	vst v1  }
0x668: {  	[tilespmem:$0x78D0] =	vst v1  }
0x669: {  	[tilespmem:$0x78E0] =	vst v1  }
0x66a: {  	[tilespmem:$0x78F0] =	vst v1  }
0x66b: {  	[tilespmem:$0x7900] =	vst v1  }
0x66c: {  	[tilespmem:$0x7910] =	vst v1  }
0x66d: {  	[tilespmem:$0x7920] =	vst v1  }
0x66e: {  	[tilespmem:$0x7930] =	vst v1  }
0x66f: {  	[tilespmem:$0x7940] =	vst v1  }
0x670: {  	[tilespmem:$0x7950] =	vst v1  }
0x671: {  	[tilespmem:$0x7960] =	vst v1  }
0x672: {  	[tilespmem:$0x7970] =	vst v1  }
0x673: {  	[tilespmem:$0x7980] =	vst v1  }
0x674: {  	[tilespmem:$0x7990] =	vst v1  }
0x675: {  	[tilespmem:$0x79A0] =	vst v1  }
0x676: {  	[tilespmem:$0x79B0] =	vst v1  }
0x677: {  	[tilespmem:$0x79C0] =	vst v1  }
0x678: {  	[tilespmem:$0x79D0] =	vst v1  }
0x679: {  	[tilespmem:$0x79E0] =	vst v1  }
0x67a: {  	[tilespmem:$0x79F0] =	vst v1  }
0x67b: {  	[tilespmem:$0x7A00] =	vst v1  }
0x67c: {  	[tilespmem:$0x7A10] =	vst v1  }
0x67d: {  	[tilespmem:$0x7A20] =	vst v1  }
0x67e: {  	[tilespmem:$0x7A30] =	vst v1  }
0x67f: {  	[tilespmem:$0x7A40] =	vst v1  }
0x680: {  	[tilespmem:$0x7A50] =	vst v1  }
0x681: {  	[tilespmem:$0x7A60] =	vst v1  }
0x682: {  	[tilespmem:$0x7A70] =	vst v1  }
0x683: {  	[tilespmem:$0x7A80] =	vst v1  }
0x684: {  	[tilespmem:$0x7A90] =	vst v1  }
0x685: {  	[tilespmem:$0x7AA0] =	vst v1  }
0x686: {  	[tilespmem:$0x7AB0] =	vst v1  }
0x687: {  	[tilespmem:$0x7AC0] =	vst v1  }
0x688: {  	[tilespmem:$0x7AD0] =	vst v1  }
0x689: {  	[tilespmem:$0x7AE0] =	vst v1  }
0x68a: {  	[tilespmem:$0x7AF0] =	vst v1  }
0x68b: {  	[tilespmem:$0x7B00] =	vst v1  }
0x68c: {  	[tilespmem:$0x7B10] =	vst v1  }
0x68d: {  	[tilespmem:$0x7B20] =	vst v1  }
0x68e: {  	[tilespmem:$0x7B30] =	vst v1  }
0x68f: {  	[tilespmem:$0x7B40] =	vst v1  }
0x690: {  	[tilespmem:$0x7B50] =	vst v1  }
0x691: {  	[tilespmem:$0x7B60] =	vst v1  }
0x692: {  	[tilespmem:$0x7B70] =	vst v1  }
0x693: {  	[tilespmem:$0x7B80] =	vst v1  }
0x694: {  	[tilespmem:$0x7B90] =	vst v1  }
0x695: {  	[tilespmem:$0x7BA0] =	vst v1  }
0x696: {  	[tilespmem:$0x7BB0] =	vst v1  }
0x697: {  	[tilespmem:$0x7BC0] =	vst v1  }
0x698: {  	[tilespmem:$0x7BD0] =	vst v1  }
0x699: {  	[tilespmem:$0x7BE0] =	vst v1  }
0x69a: {  	[tilespmem:$0x7BF0] =	vst v1  }
0x69b: {  	[tilespmem:$0x7C00] =	vst v1  }
0x69c: {  	[tilespmem:$0x7C10] =	vst v1  }
0x69d: {  	[tilespmem:$0x7C20] =	vst v1  }
0x69e: {  	[tilespmem:$0x7C30] =	vst v1  }
0x69f: {  	[tilespmem:$0x7C40] =	vst v1  }
0x6a0: {  	[tilespmem:$0x7C50] =	vst v1  }
0x6a1: {  	[tilespmem:$0x7C60] =	vst v1  }
0x6a2: {  	[tilespmem:$0x7C70] =	vst v1  }
0x6a3: {  	[tilespmem:$0x7C80] =	vst v1  }
0x6a4: {  	[tilespmem:$0x7C90] =	vst v1  }
0x6a5: {  	[tilespmem:$0x7CA0] =	vst v1  }
0x6a6: {  	[tilespmem:$0x7CB0] =	vst v1  }
0x6a7: {  	[tilespmem:$0x7CC0] =	vst v1  }
0x6a8: {  	[tilespmem:$0x7CD0] =	vst v1  }
0x6a9: {  	[tilespmem:$0x7CE0] =	vst v1  }
0x6aa: {  	[tilespmem:$0x7CF0] =	vst v1  }
0x6ab: {  	[tilespmem:$0x7D00] =	vst v1  }
0x6ac: {  	[tilespmem:$0x7D10] =	vst v1  }
0x6ad: {  	[tilespmem:$0x7D20] =	vst v1  }
0x6ae: {  	[tilespmem:$0x7D30] =	vst v1  }
0x6af: {  	[tilespmem:$0x7D40] =	vst v1  }
0x6b0: {  	[tilespmem:$0x7D50] =	vst v1  }
0x6b1: {  	[tilespmem:$0x7D60] =	vst v1  }
0x6b2: {  	[tilespmem:$0x7D70] =	vst v1  }
0x6b3: {  	[tilespmem:$0x7D80] =	vst v1  }
0x6b4: {  	[tilespmem:$0x7D90] =	vst v1  }
0x6b5: {  	[tilespmem:$0x7DA0] =	vst v1  }
0x6b6: {  	[tilespmem:$0x7DB0] =	vst v1  }
0x6b7: {  	[tilespmem:$0x7DC0] =	vst v1  }
0x6b8: {  	[tilespmem:$0x7DD0] =	vst v1  }
0x6b9: {  	[tilespmem:$0x7DE0] =	vst v1  }
0x6ba: {  	[tilespmem:$0x7DF0] =	vst v1  }
0x6bb: {  	[tilespmem:$0x7E00] =	vst v1  }
0x6bc: {  	[tilespmem:$0x7E10] =	vst v1  }
0x6bd: {  	[tilespmem:$0x7E20] =	vst v1  }
0x6be: {  	[tilespmem:$0x7E30] =	vst v1  }
0x6bf: {  	[tilespmem:$0x7E40] =	vst v1  }
0x6c0: {  	[tilespmem:$0x7E50] =	vst v1  }
0x6c1: {  	[tilespmem:$0x7E60] =	vst v1  }
0x6c2: {  	[tilespmem:$0x7E70] =	vst v1  }
0x6c3: {  	[tilespmem:$0x7E80] =	vst v1  }
0x6c4: {  	[tilespmem:$0x7E90] =	vst v1  }
0x6c5: {  	[tilespmem:$0x7EA0] =	vst v1  }
0x6c6: {  	[tilespmem:$0x7EB0] =	vst v1  }
0x6c7: {  	[tilespmem:$0x7EC0] =	vst v1  }
0x6c8: {  	[tilespmem:$0x7ED0] =	vst v1  }
0x6c9: {  	[tilespmem:$0x7EE0] =	vst v1  }
0x6ca: {  	[tilespmem:$0x7EF0] =	vst v1  }
0x6cb: {  	[tilespmem:$0x7F00] =	vst v1  }
0x6cc: {  	[tilespmem:$0x7F10] =	vst v1  }
0x6cd: {  	[tilespmem:$0x7F20] =	vst v1  }
0x6ce: {  	[tilespmem:$0x7F30] =	vst v1  }
0x6cf: {  	[tilespmem:$0x7F40] =	vst v1  }
0x6d0: {  	[tilespmem:$0x7F50] =	vst v1  }
0x6d1: {  	[tilespmem:$0x7F60] =	vst v1  }
0x6d2: {  	[tilespmem:$0x7F70] =	vst v1  }
0x6d3: {  	[tilespmem:$0x7F80] =	vst v1  }
0x6d4: {  	[tilespmem:$0x7F90] =	vst v1  }
0x6d5: {  	[tilespmem:$0x7FA0] =	vst v1  }
0x6d6: {  	[tilespmem:$0x7FB0] =	vst v1  }
0x6d7: {  	[tilespmem:$0x7FC0] =	vst v1  }
0x6d8: {  	[tilespmem:$0x7FD0] =	vst v1  }
0x6d9: {  	[tilespmem:$0x7FE0] =	vst v1  }
0x6da: {  	[tilespmem:$0x7FF0] =	vst v1  }
0x6db: {  	[tilespmem:$0x8000] =	vst v1  }
0x6dc: {  	[tilespmem:$0x8010] =	vst v1  }
0x6dd: {  	[tilespmem:$0x8020] =	vst v1  }
0x6de: {  	[tilespmem:$0x8030] =	vst v1  }
0x6df: {  	[tilespmem:$0x8040] =	vst v1  }
0x6e0: {  	[tilespmem:$0x8050] =	vst v1  }
0x6e1: {  	[tilespmem:$0x8060] =	vst v1  }
0x6e2: {  	[tilespmem:$0x8070] =	vst v1  }
0x6e3: {  	[tilespmem:$0x8080] =	vst v1  }
0x6e4: {  	[tilespmem:$0x8090] =	vst v1  }
0x6e5: {  	[tilespmem:$0x80A0] =	vst v1  }
0x6e6: {  	[tilespmem:$0x80B0] =	vst v1  }
0x6e7: {  	[tilespmem:$0x80C0] =	vst v1  }
0x6e8: {  	[tilespmem:$0x80D0] =	vst v1  }
0x6e9: {  	[tilespmem:$0x80E0] =	vst v1  }
0x6ea: {  	[tilespmem:$0x80F0] =	vst v1  }
0x6eb: {  	[tilespmem:$0x8100] =	vst v1  }
0x6ec: {  	[tilespmem:$0x8110] =	vst v1  }
0x6ed: {  	[tilespmem:$0x8120] =	vst v1  }
0x6ee: {  	[tilespmem:$0x8130] =	vst v1  }
0x6ef: {  	[tilespmem:$0x8140] =	vst v1  }
0x6f0: {  	[tilespmem:$0x8150] =	vst v1  }
0x6f1: {  	[tilespmem:$0x8160] =	vst v1  }
0x6f2: {  	[tilespmem:$0x8170] =	vst v1  }
0x6f3: {  	[tilespmem:$0x8180] =	vst v1  }
0x6f4: {  	[tilespmem:$0x8190] =	vst v1  }
0x6f5: {  	[tilespmem:$0x81A0] =	vst v1  }
0x6f6: {  	[tilespmem:$0x81B0] =	vst v1  }
0x6f7: {  	[tilespmem:$0x81C0] =	vst v1  }
0x6f8: {  	[tilespmem:$0x81D0] =	vst v1  }
0x6f9: {  	[tilespmem:$0x81E0] =	vst v1  }
0x6fa: {  	[tilespmem:$0x81F0] =	vst v1  }
0x6fb: {  	[tilespmem:$0x8200] =	vst v1  }
0x6fc: {  	[tilespmem:$0x8210] =	vst v1  }
0x6fd: {  	[tilespmem:$0x8220] =	vst v1  }
0x6fe: {  	[tilespmem:$0x8230] =	vst v1  }
0x6ff: {  	[tilespmem:$0x8240] =	vst v1  }
0x700: {  	[tilespmem:$0x8250] =	vst v1  }
0x701: {  	[tilespmem:$0x8260] =	vst v1  }
0x702: {  	[tilespmem:$0x8270] =	vst v1  }
0x703: {  	[tilespmem:$0x8280] =	vst v1  }
0x704: {  	[tilespmem:$0x8290] =	vst v1  }
0x705: {  	[tilespmem:$0x82A0] =	vst v1  }
0x706: {  	[tilespmem:$0x82B0] =	vst v1  }
0x707: {  	[tilespmem:$0x82C0] =	vst v1  }
0x708: {  	[tilespmem:$0x82D0] =	vst v1  }
0x709: {  	[tilespmem:$0x82E0] =	vst v1  }
0x70a: {  	[tilespmem:$0x82F0] =	vst v1  }
0x70b: {  	[tilespmem:$0x8300] =	vst v1  }
0x70c: {  	[tilespmem:$0x8310] =	vst v1  }
0x70d: {  	[tilespmem:$0x8320] =	vst v1  }
0x70e: {  	[tilespmem:$0x8330] =	vst v1  }
0x70f: {  	[tilespmem:$0x8340] =	vst v1  }
0x710: {  	[tilespmem:$0x8350] =	vst v1  }
0x711: {  	[tilespmem:$0x8360] =	vst v1  }
0x712: {  	[tilespmem:$0x8370] =	vst v1  }
0x713: {  	[tilespmem:$0x8380] =	vst v1  }
0x714: {  	[tilespmem:$0x8390] =	vst v1  }
0x715: {  	[tilespmem:$0x83A0] =	vst v1  }
0x716: {  	[tilespmem:$0x83B0] =	vst v1  }
0x717: {  	[tilespmem:$0x83C0] =	vst v1  }
0x718: {  	[tilespmem:$0x83D0] =	vst v1  }
0x719: {  	[tilespmem:$0x83E0] =	vst v1  }
0x71a: {  	[tilespmem:$0x83F0] =	vst v1  }
0x71b: {  	[tilespmem:$0x8400] =	vst v1  }
0x71c: {  	[tilespmem:$0x8410] =	vst v1  }
0x71d: {  	[tilespmem:$0x8420] =	vst v1  }
0x71e: {  	[tilespmem:$0x8430] =	vst v1  }
0x71f: {  	[tilespmem:$0x8440] =	vst v1  }
0x720: {  	[tilespmem:$0x8450] =	vst v1  }
0x721: {  	[tilespmem:$0x8460] =	vst v1  }
0x722: {  	[tilespmem:$0x8470] =	vst v1  }
0x723: {  	[tilespmem:$0x8480] =	vst v1  }
0x724: {  	[tilespmem:$0x8490] =	vst v1  }
0x725: {  	[tilespmem:$0x84A0] =	vst v1  }
0x726: {  	[tilespmem:$0x84B0] =	vst v1  }
0x727: {  	[tilespmem:$0x84C0] =	vst v1  }
0x728: {  	[tilespmem:$0x84D0] =	vst v1  }
0x729: {  	[tilespmem:$0x84E0] =	vst v1  }
0x72a: {  	[tilespmem:$0x84F0] =	vst v1  }
0x72b: {  	[tilespmem:$0x8500] =	vst v1  }
0x72c: {  	[tilespmem:$0x8510] =	vst v1  }
0x72d: {  	[tilespmem:$0x8520] =	vst v1  }
0x72e: {  	[tilespmem:$0x8530] =	vst v1  }
0x72f: {  	[tilespmem:$0x8540] =	vst v1  }
0x730: {  	[tilespmem:$0x8550] =	vst v1  }
0x731: {  	[tilespmem:$0x8560] =	vst v1  }
0x732: {  	[tilespmem:$0x8570] =	vst v1  }
0x733: {  	[tilespmem:$0x8580] =	vst v1  }
0x734: {  	[tilespmem:$0x8590] =	vst v1  }
0x735: {  	[tilespmem:$0x85A0] =	vst v1  }
0x736: {  	[tilespmem:$0x85B0] =	vst v1  }
0x737: {  	[tilespmem:$0x85C0] =	vst v1  }
0x738: {  	[tilespmem:$0x85D0] =	vst v1  }
0x739: {  	[tilespmem:$0x85E0] =	vst v1  }
0x73a: {  	[tilespmem:$0x85F0] =	vst v1  }
0x73b: {  	[tilespmem:$0x8600] =	vst v1  }
0x73c: {  	[tilespmem:$0x8610] =	vst v1  }
0x73d: {  	[tilespmem:$0x8620] =	vst v1  }
0x73e: {  	[tilespmem:$0x8630] =	vst v1  }
0x73f: {  	[tilespmem:$0x8640] =	vst v1  }
0x740: {  	[tilespmem:$0x8650] =	vst v1  }
0x741: {  	[tilespmem:$0x8660] =	vst v1  }
0x742: {  	[tilespmem:$0x8670] =	vst v1  }
0x743: {  	[tilespmem:$0x8680] =	vst v1  }
0x744: {  	[tilespmem:$0x8690] =	vst v1  }
0x745: {  	[tilespmem:$0x86A0] =	vst v1  }
0x746: {  	[tilespmem:$0x86B0] =	vst v1  }
0x747: {  	[tilespmem:$0x86C0] =	vst v1  }
0x748: {  	[tilespmem:$0x86D0] =	vst v1  }
0x749: {  	[tilespmem:$0x86E0] =	vst v1  }
0x74a: {  	[tilespmem:$0x86F0] =	vst v1  }
0x74b: {  	[tilespmem:$0x8700] =	vst v1  }
0x74c: {  	[tilespmem:$0x8710] =	vst v1  }
0x74d: {  	[tilespmem:$0x8720] =	vst v1  }
0x74e: {  	[tilespmem:$0x8730] =	vst v1  }
0x74f: {  	[tilespmem:$0x8740] =	vst v1  }
0x750: {  	[tilespmem:$0x8750] =	vst v1  }
0x751: {  	[tilespmem:$0x8760] =	vst v1  }
0x752: {  	[tilespmem:$0x8770] =	vst v1  }
0x753: {  	[tilespmem:$0x8780] =	vst v1  }
0x754: {  	[tilespmem:$0x8790] =	vst v1  }
0x755: {  	[tilespmem:$0x87A0] =	vst v1  }
0x756: {  	[tilespmem:$0x87B0] =	vst v1  }
0x757: {  	[tilespmem:$0x87C0] =	vst v1  }
0x758: {  	[tilespmem:$0x87D0] =	vst v1  }
0x759: {  	[tilespmem:$0x87E0] =	vst v1  }
0x75a: {  	[tilespmem:$0x87F0] =	vst v1  }
0x75b: {  	[tilespmem:$0x8800] =	vst v1  }
0x75c: {  	[tilespmem:$0x8810] =	vst v1  }
0x75d: {  	[tilespmem:$0x8820] =	vst v1  }
0x75e: {  	[tilespmem:$0x8830] =	vst v1  }
0x75f: {  	[tilespmem:$0x8840] =	vst v1  }
0x760: {  	[tilespmem:$0x8850] =	vst v1  }
0x761: {  	[tilespmem:$0x8860] =	vst v1  }
0x762: {  	[tilespmem:$0x8870] =	vst v1  }
0x763: {  	[tilespmem:$0x8880] =	vst v1  }
0x764: {  	[tilespmem:$0x8890] =	vst v1  }
0x765: {  	[tilespmem:$0x88A0] =	vst v1  }
0x766: {  	[tilespmem:$0x88B0] =	vst v1  }
0x767: {  	[tilespmem:$0x88C0] =	vst v1  }
0x768: {  	[tilespmem:$0x88D0] =	vst v1  }
0x769: {  	[tilespmem:$0x88E0] =	vst v1  }
0x76a: {  	[tilespmem:$0x88F0] =	vst v1  }
0x76b: {  	[tilespmem:$0x8900] =	vst v1  }
0x76c: {  	[tilespmem:$0x8910] =	vst v1  }
0x76d: {  	[tilespmem:$0x8920] =	vst v1  }
0x76e: {  	[tilespmem:$0x8930] =	vst v1  }
0x76f: {  	[tilespmem:$0x8940] =	vst v1  }
0x770: {  	[tilespmem:$0x8950] =	vst v1  }
0x771: {  	[tilespmem:$0x8960] =	vst v1  }
0x772: {  	[tilespmem:$0x8970] =	vst v1  }
0x773: {  	[tilespmem:$0x8980] =	vst v1  }
0x774: {  	[tilespmem:$0x8990] =	vst v1  }
0x775: {  	[tilespmem:$0x89A0] =	vst v1  }
0x776: {  	[tilespmem:$0x89B0] =	vst v1  }
0x777: {  	[tilespmem:$0x89C0] =	vst v1  }
0x778: {  	[tilespmem:$0x89D0] =	vst v1  }
0x779: {  	[tilespmem:$0x89E0] =	vst v1  }
0x77a: {  	[tilespmem:$0x89F0] =	vst v1  }
0x77b: {  	[tilespmem:$0x8A00] =	vst v1  }
0x77c: {  	[tilespmem:$0x8A10] =	vst v1  }
0x77d: {  	[tilespmem:$0x8A20] =	vst v1  }
0x77e: {  	[tilespmem:$0x8A30] =	vst v1  }
0x77f: {  	[tilespmem:$0x8A40] =	vst v1  }
0x780: {  	[tilespmem:$0x8A50] =	vst v1  }
0x781: {  	[tilespmem:$0x8A60] =	vst v1  }
0x782: {  	[tilespmem:$0x8A70] =	vst v1  }
0x783: {  	[tilespmem:$0x8A80] =	vst v1  }
0x784: {  	[tilespmem:$0x8A90] =	vst v1  }
0x785: {  	[tilespmem:$0x8AA0] =	vst v1  }
0x786: {  	[tilespmem:$0x8AB0] =	vst v1  }
0x787: {  	[tilespmem:$0x8AC0] =	vst v1  }
0x788: {  	[tilespmem:$0x8AD0] =	vst v1  }
0x789: {  	[tilespmem:$0x8AE0] =	vst v1  }
0x78a: {  	[tilespmem:$0x8AF0] =	vst v1  }
0x78b: {  	[tilespmem:$0x8B00] =	vst v1  }
0x78c: {  	[tilespmem:$0x8B10] =	vst v1  }
0x78d: {  	[tilespmem:$0x8B20] =	vst v1  }
0x78e: {  	[tilespmem:$0x8B30] =	vst v1  }
0x78f: {  	[tilespmem:$0x8B40] =	vst v1  }
0x790: {  	[tilespmem:$0x8B50] =	vst v1  }
0x791: {  	[tilespmem:$0x8B60] =	vst v1  }
0x792: {  	[tilespmem:$0x8B70] =	vst v1  }
0x793: {  	[tilespmem:$0x8B80] =	vst v1  }
0x794: {  	[tilespmem:$0x8B90] =	vst v1  }
0x795: {  	[tilespmem:$0x8BA0] =	vst v1  }
0x796: {  	[tilespmem:$0x8BB0] =	vst v1  }
0x797: {  	[tilespmem:$0x8BC0] =	vst v1  }
0x798: {  	[tilespmem:$0x8BD0] =	vst v1  }
0x799: {  	[tilespmem:$0x8BE0] =	vst v1  }
0x79a: {  	[tilespmem:$0x8BF0] =	vst v1  }
0x79b: {  	[tilespmem:$0x8C00] =	vst v1  }
0x79c: {  	[tilespmem:$0x8C10] =	vst v1  }
0x79d: {  	[tilespmem:$0x8C20] =	vst v1  }
0x79e: {  	[tilespmem:$0x8C30] =	vst v1  }
0x79f: {  	[tilespmem:$0x8C40] =	vst v1  }
0x7a0: {  	[tilespmem:$0x8C50] =	vst v1  }
0x7a1: {  	[tilespmem:$0x8C60] =	vst v1  }
0x7a2: {  	[tilespmem:$0x8C70] =	vst v1  }
0x7a3: {  	[tilespmem:$0x8C80] =	vst v1  }
0x7a4: {  	[tilespmem:$0x8C90] =	vst v1  }
0x7a5: {  	[tilespmem:$0x8CA0] =	vst v1  }
0x7a6: {  	[tilespmem:$0x8CB0] =	vst v1  }
0x7a7: {  	[tilespmem:$0x8CC0] =	vst v1  }
0x7a8: {  	[tilespmem:$0x8CD0] =	vst v1  }
0x7a9: {  	[tilespmem:$0x8CE0] =	vst v1  }
0x7aa: {  	[tilespmem:$0x8CF0] =	vst v1  }
0x7ab: {  	[tilespmem:$0x8D00] =	vst v1  }
0x7ac: {  	[tilespmem:$0x8D10] =	vst v1  }
0x7ad: {  	[tilespmem:$0x8D20] =	vst v1  }
0x7ae: {  	[tilespmem:$0x8D30] =	vst v1  }
0x7af: {  	[tilespmem:$0x8D40] =	vst v1  }
0x7b0: {  	[tilespmem:$0x8D50] =	vst v1  }
0x7b1: {  	[tilespmem:$0x8D60] =	vst v1  }
0x7b2: {  	[tilespmem:$0x8D70] =	vst v1  }
0x7b3: {  	[tilespmem:$0x8D80] =	vst v1  }
0x7b4: {  	[tilespmem:$0x8D90] =	vst v1  }
0x7b5: {  	[tilespmem:$0x8DA0] =	vst v1  }
0x7b6: {  	[tilespmem:$0x8DB0] =	vst v1  }
0x7b7: {  	[tilespmem:$0x8DC0] =	vst v1  }
0x7b8: {  	[tilespmem:$0x8DD0] =	vst v1  }
0x7b9: {  	[tilespmem:$0x8DE0] =	vst v1  }
0x7ba: {  	[tilespmem:$0x8DF0] =	vst v1  }
0x7bb: {  	[tilespmem:$0x8E00] =	vst v1  }
0x7bc: {  	[tilespmem:$0x8E10] =	vst v1  }
0x7bd: {  	[tilespmem:$0x8E20] =	vst v1  }
0x7be: {  	[tilespmem:$0x8E30] =	vst v1  }
0x7bf: {  	[tilespmem:$0x8E40] =	vst v1  }
0x7c0: {  	[tilespmem:$0x8E50] =	vst v1  }
0x7c1: {  	[tilespmem:$0x8E60] =	vst v1  }
0x7c2: {  	[tilespmem:$0x8E70] =	vst v1  }
0x7c3: {  	[tilespmem:$0x8E80] =	vst v1  }
0x7c4: {  	[tilespmem:$0x8E90] =	vst v1  }
0x7c5: {  	[tilespmem:$0x8EA0] =	vst v1  }
0x7c6: {  	[tilespmem:$0x8EB0] =	vst v1  }
0x7c7: {  	[tilespmem:$0x8EC0] =	vst v1  }
0x7c8: {  	[tilespmem:$0x8ED0] =	vst v1  }
0x7c9: {  	[tilespmem:$0x8EE0] =	vst v1  }
0x7ca: {  	[tilespmem:$0x8EF0] =	vst v1  }
0x7cb: {  	[tilespmem:$0x8F00] =	vst v1  }
0x7cc: {  	[tilespmem:$0x8F10] =	vst v1  }
0x7cd: {  	[tilespmem:$0x8F20] =	vst v1  }
0x7ce: {  	[tilespmem:$0x8F30] =	vst v1  }
0x7cf: {  	[tilespmem:$0x8F40] =	vst v1  }
0x7d0: {  	[tilespmem:$0x8F50] =	vst v1  }
0x7d1: {  	[tilespmem:$0x8F60] =	vst v1  }
0x7d2: {  	[tilespmem:$0x8F70] =	vst v1  }
0x7d3: {  	[tilespmem:$0x8F80] =	vst v1  }
0x7d4: {  	[tilespmem:$0x8F90] =	vst v1  }
0x7d5: {  	[tilespmem:$0x8FA0] =	vst v1  }
0x7d6: {  	[tilespmem:$0x8FB0] =	vst v1  }
0x7d7: {  	[tilespmem:$0x8FC0] =	vst v1  }
0x7d8: {  	[tilespmem:$0x8FD0] =	vst v1  }
0x7d9: {  	[tilespmem:$0x8FE0] =	vst v1  }
0x7da: {  	[tilespmem:$0x8FF0] =	vst v1  }
0x7db: {  	[tilespmem:$0x9000] =	vst v1  }
0x7dc: {  	[tilespmem:$0x9010] =	vst v1  }
0x7dd: {  	[tilespmem:$0x9020] =	vst v1  }
0x7de: {  	[tilespmem:$0x9030] =	vst v1  }
0x7df: {  	[tilespmem:$0x9040] =	vst v1  }
0x7e0: {  	[tilespmem:$0x9050] =	vst v1  }
0x7e1: {  	[tilespmem:$0x9060] =	vst v1  }
0x7e2: {  	[tilespmem:$0x9070] =	vst v1  }
0x7e3: {  	[tilespmem:$0x9080] =	vst v1  }
0x7e4: {  	[tilespmem:$0x9090] =	vst v1  }
0x7e5: {  	[tilespmem:$0x90A0] =	vst v1  }
0x7e6: {  	[tilespmem:$0x90B0] =	vst v1  }
0x7e7: {  	[tilespmem:$0x90C0] =	vst v1  }
0x7e8: {  	[tilespmem:$0x90D0] =	vst v1  }
0x7e9: {  	[tilespmem:$0x90E0] =	vst v1  }
0x7ea: {  	[tilespmem:$0x90F0] =	vst v1  }
0x7eb: {  	[tilespmem:$0x9100] =	vst v1  }
0x7ec: {  	[tilespmem:$0x9110] =	vst v1  }
0x7ed: {  	[tilespmem:$0x9120] =	vst v1  }
0x7ee: {  	[tilespmem:$0x9130] =	vst v1  }
0x7ef: {  	[tilespmem:$0x9140] =	vst v1  }
0x7f0: {  	[tilespmem:$0x9150] =	vst v1  }
0x7f1: {  	[tilespmem:$0x9160] =	vst v1  }
0x7f2: {  	[tilespmem:$0x9170] =	vst v1  }
0x7f3: {  	[tilespmem:$0x9180] =	vst v1  }
0x7f4: {  	[tilespmem:$0x9190] =	vst v1  }
0x7f5: {  	[tilespmem:$0x91A0] =	vst v1  }
0x7f6: {  	[tilespmem:$0x91B0] =	vst v1  }
0x7f7: {  	[tilespmem:$0x91C0] =	vst v1  }
0x7f8: {  	[tilespmem:$0x91D0] =	vst v1  }
0x7f9: {  	[tilespmem:$0x91E0] =	vst v1  }
0x7fa: {  	[tilespmem:$0x91F0] =	vst v1  }
0x7fb: {  	[tilespmem:$0x9200] =	vst v1  }
0x7fc: {  	[tilespmem:$0x9210] =	vst v1  }
0x7fd: {  	[tilespmem:$0x9220] =	vst v1  }
0x7fe: {  	[tilespmem:$0x9230] =	vst v1  }
0x7ff: {  	[tilespmem:$0x9240] =	vst v1  }
0x800: {  	[tilespmem:$0x9250] =	vst v1  }
0x801: {  	[tilespmem:$0x9260] =	vst v1  }
0x802: {  	[tilespmem:$0x9270] =	vst v1  }
0x803: {  	[tilespmem:$0x9280] =	vst v1  }
0x804: {  	[tilespmem:$0x9290] =	vst v1  }
0x805: {  	[tilespmem:$0x92A0] =	vst v1  }
0x806: {  	[tilespmem:$0x92B0] =	vst v1  }
0x807: {  	[tilespmem:$0x92C0] =	vst v1  }
0x808: {  	[tilespmem:$0x92D0] =	vst v1  }
0x809: {  	[tilespmem:$0x92E0] =	vst v1  }
0x80a: {  	[tilespmem:$0x92F0] =	vst v1  }
0x80b: {  	[tilespmem:$0x9300] =	vst v1  }
0x80c: {  	[tilespmem:$0x9310] =	vst v1  }
0x80d: {  	[tilespmem:$0x9320] =	vst v1  }
0x80e: {  	[tilespmem:$0x9330] =	vst v1  }
0x80f: {  	[tilespmem:$0x9340] =	vst v1  }
0x810: {  	[tilespmem:$0x9350] =	vst v1  }
0x811: {  	[tilespmem:$0x9360] =	vst v1  }
0x812: {  	[tilespmem:$0x9370] =	vst v1  }
0x813: {  	[tilespmem:$0x9380] =	vst v1  }
0x814: {  	[tilespmem:$0x9390] =	vst v1  }
0x815: {  	[tilespmem:$0x93A0] =	vst v1  }
0x816: {  	[tilespmem:$0x93B0] =	vst v1  }
0x817: {  	[tilespmem:$0x93C0] =	vst v1  }
0x818: {  	[tilespmem:$0x93D0] =	vst v1  }
0x819: {  	[tilespmem:$0x93E0] =	vst v1  }
0x81a: {  	[tilespmem:$0x93F0] =	vst v1  }
0x81b: {  	[spmem:s5] =	stream.linear.scatter [tilespmem:s17], [sflag:$0x2], $0x4000, $0x38;
	[tilespmem:$0x1D400] =	vst v63  }
0x81c: {  	_ =	swait.ge [sflag:s16], $0x4000  }
0x81d: {  	[sflag:s16] =	ssyncset.done $0x0  }
0x81e: {  	[sflag:s16] =	ssyncadd.s32 $0xFFFFC000  }
0x81f: {  	[spmem:s6] =	stream.linear.scatter [tilespmem:s17], [sflag:$0x2], $0x4000, $0x38;
	[tilespmem:$0x1D400] =	vst v63  }
0x820: {  	_ =	swait.ge [sflag:s16], $0x4000  }
0x821: {  	[sflag:s16] =	ssyncset.done $0x0  }
0x822: {  	[sflag:s16] =	ssyncadd.s32 $0xFFFFC000  }
0x823: {  	[spmem:s7] =	stream.linear.scatter [tilespmem:s17], [sflag:$0x2], $0x4000, $0x38;
	[tilespmem:$0x1D400] =	vst v63  }
0x824: {  	_ =	swait.ge [sflag:s16], $0x4000  }
0x825: {  	[sflag:s16] =	ssyncset.done $0x0  }
0x826: {  	[sflag:s16] =	ssyncadd.s32 $0xFFFFC000  }
0x827: {  	[spmem:s8] =	stream.linear.scatter [tilespmem:s17], [sflag:$0x2], $0x4000, $0x38;
	[tilespmem:$0x1D400] =	vst v63  }
0x828: {  	_ =	swait.ge [sflag:s16], $0x4000  }
0x829: {  	[sflag:s16] =	ssyncset.done $0x0  }
0x82a: {  	[sflag:s16] =	ssyncadd.s32 $0xFFFFC000  }
0x82b: {  	[spmem:s9] =	stream.linear.scatter [tilespmem:s17], [sflag:$0x2], $0x4000, $0x38;
	[tilespmem:$0x1D400] =	vst v63  }
0x82c: {  	_ =	swait.ge [sflag:s16], $0x4000  }
0x82d: {  	[sflag:s16] =	ssyncset.done $0x0  }
0x82e: {  	[sflag:s16] =	ssyncadd.s32 $0xFFFFC000  }
0x82f: {  	[bflag:$0x0] =	sbarrier.arrive $0xFFFF  }
0x830: {  	[spmem:s1] =	stream.indirect.scatter.add.f32 [tilespmem:s19], [sflag:$0x1], $0x80, s3, s18, $0xb8;
	[tilespmem:$0x1D400] =	vst v63  }
0x831: {  	_ = 	snop  }
0x832: {  	[spmem:s1] =	stream.indirect.scatter.add.f32 [tilespmem:s19], [sflag:$0x1], $0x80, s18, s18, $0xb8;
	[tilespmem:$0x1D400] =	vst v63  }
0x833: {  	s21 =	simm.s32 $0x100  }
0x834: {  	[spmem:s1] =	stream.indirect.scatter.add.f32 [tilespmem:s19], [sflag:$0x1], $0x80, s21, s18, $0xb8;
	[tilespmem:$0x1D400] =	vst v63  }
0x835: {  	s21 =	simm.s32 $0x180  }
0x836: {  	[spmem:s1] =	stream.indirect.scatter.add.f32 [tilespmem:s19], [sflag:$0x1], $0x80, s21, s18, $0xb8;
	[tilespmem:$0x1D400] =	vst v63  }
0x837: {  	s21 =	simm.s32 $0x200  }
0x838: {  	[spmem:s1] =	stream.indirect.scatter.add.f32 [tilespmem:s19], [sflag:$0x1], $0x80, s21, s18, $0xb8;
	[tilespmem:$0x1D400] =	vst v63  }
0x839: {  	s21 =	simm.s32 $0x280  }
0x83a: {  	[spmem:s1] =	stream.indirect.scatter.add.f32 [tilespmem:s19], [sflag:$0x1], $0x80, s21, s18, $0xb8;
	[tilespmem:$0x1D400] =	vst v63  }
0x83b: {  	s21 =	simm.s32 $0x300  }
0x83c: {  	[spmem:s1] =	stream.indirect.scatter.add.f32 [tilespmem:s19], [sflag:$0x1], $0x80, s21, s18, $0xb8;
	[tilespmem:$0x1D400] =	vst v63  }
0x83d: {  	s21 =	simm.s32 $0x380  }
0x83e: {  	[spmem:s1] =	stream.indirect.scatter.add.f32 [tilespmem:s19], [sflag:$0x1], $0x80, s21, s18, $0xb8;
	[tilespmem:$0x1D400] =	vst v63  }
0x83f: {  	s21 =	simm.s32 $0x400  }
0x840: {  	[spmem:s1] =	stream.indirect.scatter.add.f32 [tilespmem:s19], [sflag:$0x1], $0x80, s21, s18, $0xb8;
	[tilespmem:$0x1D400] =	vst v63  }
0x841: {  	s21 =	simm.s32 $0x480  }
0x842: {  	[spmem:s1] =	stream.indirect.scatter.add.f32 [tilespmem:s19], [sflag:$0x1], $0x80, s21, s18, $0xb8;
	[tilespmem:$0x1D400] =	vst v63  }
0x843: {  	s21 =	simm.s32 $0x500  }
0x844: {  	[spmem:s1] =	stream.indirect.scatter.add.f32 [tilespmem:s19], [sflag:$0x1], $0x80, s21, s18, $0xb8;
	[tilespmem:$0x1D400] =	vst v63  }
0x845: {  	s21 =	simm.s32 $0x580  }
0x846: {  	[spmem:s1] =	stream.indirect.scatter.add.f32 [tilespmem:s19], [sflag:$0x1], $0x80, s21, s18, $0xb8;
	[tilespmem:$0x1D400] =	vst v63  }
0x847: {  	s21 =	simm.s32 $0x600  }
0x848: {  	[spmem:s1] =	stream.indirect.scatter.add.f32 [tilespmem:s19], [sflag:$0x1], $0x80, s21, s18, $0xb8;
	[tilespmem:$0x1D400] =	vst v63  }
0x849: {  	s21 =	simm.s32 $0x680  }
0x84a: {  	[spmem:s1] =	stream.indirect.scatter.add.f32 [tilespmem:s19], [sflag:$0x1], $0x80, s21, s18, $0xb8;
	[tilespmem:$0x1D400] =	vst v63  }
0x84b: {  	s21 =	simm.s32 $0x700  }
0x84c: {  	[spmem:s1] =	stream.indirect.scatter.add.f32 [tilespmem:s19], [sflag:$0x1], $0x80, s21, s18, $0xb8;
	[tilespmem:$0x1D400] =	vst v63  }
0x84d: {  	s21 =	simm.s32 $0x780  }
0x84e: {  	[spmem:s1] =	stream.indirect.scatter.add.f32 [tilespmem:s19], [sflag:$0x1], $0x80, s21, s18, $0xb8;
	[tilespmem:$0x1D400] =	vst v63  }
0x84f: {  	s21 =	simm.s32 $0x800  }
0x850: {  	[spmem:s1] =	stream.indirect.scatter.add.f32 [tilespmem:s19], [sflag:$0x1], $0x80, s21, s18, $0xb8;
	[tilespmem:$0x1D400] =	vst v63  }
0x851: {  	s21 =	simm.s32 $0x880  }
0x852: {  	[spmem:s1] =	stream.indirect.scatter.add.f32 [tilespmem:s19], [sflag:$0x1], $0x80, s21, s18, $0xb8;
	[tilespmem:$0x1D400] =	vst v63  }
0x853: {  	s21 =	simm.s32 $0x900  }
0x854: {  	[spmem:s1] =	stream.indirect.scatter.add.f32 [tilespmem:s19], [sflag:$0x1], $0x80, s21, s18, $0xb8;
	[tilespmem:$0x1D400] =	vst v63  }
0x855: {  	s21 =	simm.s32 $0x980  }
0x856: {  	[spmem:s1] =	stream.indirect.scatter.add.f32 [tilespmem:s19], [sflag:$0x1], $0x80, s21, s18, $0xb8;
	[tilespmem:$0x1D400] =	vst v63  }
0x857: {  	s21 =	simm.s32 $0xA00  }
0x858: {  	[spmem:s1] =	stream.indirect.scatter.add.f32 [tilespmem:s19], [sflag:$0x1], $0x80, s21, s18, $0xb8;
	[tilespmem:$0x1D400] =	vst v63  }
0x859: {  	s21 =	simm.s32 $0xA80  }
0x85a: {  	[spmem:s1] =	stream.indirect.scatter.add.f32 [tilespmem:s19], [sflag:$0x1], $0x80, s21, s18, $0xb8;
	[tilespmem:$0x1D400] =	vst v63  }
0x85b: {  	s21 =	simm.s32 $0xB00  }
0x85c: {  	[spmem:s1] =	stream.indirect.scatter.add.f32 [tilespmem:s19], [sflag:$0x1], $0x80, s21, s18, $0xb8;
	[tilespmem:$0x1D400] =	vst v63  }
0x85d: {  	s21 =	simm.s32 $0xB80  }
0x85e: {  	[spmem:s1] =	stream.indirect.scatter.add.f32 [tilespmem:s19], [sflag:$0x1], $0x80, s21, s18, $0xb8;
	[tilespmem:$0x1D400] =	vst v63  }
0x85f: {  	s21 =	simm.s32 $0xC00  }
0x860: {  	[spmem:s1] =	stream.indirect.scatter.add.f32 [tilespmem:s19], [sflag:$0x1], $0x80, s21, s18, $0xb8;
	[tilespmem:$0x1D400] =	vst v63  }
0x861: {  	s21 =	simm.s32 $0xC80  }
0x862: {  	[spmem:s1] =	stream.indirect.scatter.add.f32 [tilespmem:s19], [sflag:$0x1], $0x80, s21, s18, $0xb8;
	[tilespmem:$0x1D400] =	vst v63  }
0x863: {  	s21 =	simm.s32 $0xD00  }
0x864: {  	[spmem:s1] =	stream.indirect.scatter.add.f32 [tilespmem:s19], [sflag:$0x1], $0x80, s21, s18, $0xb8;
	[tilespmem:$0x1D400] =	vst v63  }
0x865: {  	s21 =	simm.s32 $0xD80  }
0x866: {  	[spmem:s1] =	stream.indirect.scatter.add.f32 [tilespmem:s19], [sflag:$0x1], $0x80, s21, s18, $0xb8;
	[tilespmem:$0x1D400] =	vst v63  }
0x867: {  	s21 =	simm.s32 $0xE00  }
0x868: {  	[spmem:s1] =	stream.indirect.scatter.add.f32 [tilespmem:s19], [sflag:$0x1], $0x80, s21, s18, $0xb8;
	[tilespmem:$0x1D400] =	vst v63  }
0x869: {  	s21 =	simm.s32 $0xE80  }
0x86a: {  	[spmem:s1] =	stream.indirect.scatter.add.f32 [tilespmem:s19], [sflag:$0x1], $0x80, s21, s18, $0xb8;
	[tilespmem:$0x1D400] =	vst v63  }
0x86b: {  	_ = 	snop  }
0x86c: {  	[spmem:s1] =	stream.indirect.scatter.add.f32 [tilespmem:s19], [sflag:$0x1], $0x80, s22, s18, $0xb8;
	[tilespmem:$0x1D400] =	vst v63  }
0x86d: {  	_ = 	snop  }
0x86e: {  	[spmem:s1] =	stream.indirect.scatter.add.f32 [tilespmem:s19], [sflag:$0x1], $0x80, s23, s18, $0xb8;
	[tilespmem:$0x1D400] =	vst v63  }
0x86f: {  	_ = 	snop  }
0x870: {  	[spmem:s1] =	stream.indirect.scatter.add.f32 [tilespmem:s19], [sflag:$0x1], $0x80, s24, s18, $0xb8;
	[tilespmem:$0x1D400] =	vst v63  }
0x871: {  	_ = 	snop  }
0x872: {  	[spmem:s1] =	stream.indirect.scatter.add.f32 [tilespmem:s19], [sflag:$0x1], $0x80, s25, s18, $0xb8;
	[tilespmem:$0x1D400] =	vst v63  }
0x873: {  	_ = 	snop  }
0x874: {  	[spmem:s1] =	stream.indirect.scatter.add.f32 [tilespmem:s19], [sflag:$0x1], $0x80, s26, s18, $0xb8;
	[tilespmem:$0x1D400] =	vst v63  }
0x875: {  	_ = 	snop  }
0x876: {  	[spmem:s1] =	stream.indirect.scatter.add.f32 [tilespmem:s19], [sflag:$0x1], $0x80, s28, s18, $0xb8;
	[tilespmem:$0x1D400] =	vst v63  }
0x877: {  	_ = 	snop  }
0x878: {  	[spmem:s1] =	stream.indirect.scatter.add.f32 [tilespmem:s19], [sflag:$0x1], $0x80, s29, s18, $0xb8;
	[tilespmem:$0x1D400] =	vst v63  }
0x879: {  	_ = 	snop  }
0x87a: {  	[spmem:s1] =	stream.indirect.scatter.add.f32 [tilespmem:s19], [sflag:$0x1], $0x80, s30, s18, $0xb8;
	[tilespmem:$0x1D400] =	vst v63  }
0x87b: {  	_ = 	snop  }
0x87c: {  	[spmem:s1] =	stream.indirect.scatter.add.f32 [tilespmem:s19], [sflag:$0x1], $0x80, s31, s18, $0xb8;
	[tilespmem:$0x1D400] =	vst v63  }
0x87d: {  	_ = 	snop  }
0x87e: {  	[spmem:s1] =	stream.indirect.scatter.add.f32 [tilespmem:s19], [sflag:$0x1], $0x80, s0, s18, $0xb8;
	[tilespmem:$0x1D400] =	vst v63  }
0x87f: {  	_ =	swait.ge [sflag:s2], $0x4000  }
0x880: {  	s21 =	simm.s32 $0x27;
	[sflag:s2] =	ssyncset.done $0x0  }
.LBB2_2:
0x881: {  	p0 =	sne.s32 s21, $0x1;
	s21 =	sadd.s32 $0xFFFFFFFF, s21;
	[sflag:s2] =	ssyncadd.s32 $0xFFFFC000  }
.Ltmp0:
0x882: {  	(pc) =	sbr.rel @p0 .LBB2_2-.Ltmp0, $3  }
0x883: {  	_ =	sdelay $0x1  }
0x884: {  	_ =	swait.ge [sflag:s2], $0x4000  }
0x885: {  	[sflag:s2] =	ssyncset.done $0x0  }
0x886: {  	[sflag:s2] =	ssyncadd.s32 $0xFFFFC000  }
0x887: {  	[bflag:$0x0] =	sbarrier.arrive $0xFFFF  }
0x888: {  	[tilespmem:s17], [sflag:$0x2] =	stream.linear.gather [spmem:s5], $0x4000, $0x38;
	[tilespmem:$0x1D400] =	vst v63  }
0x889: {  	_ =	swait.ge [sflag:s16], $0x4000  }
0x88a: {  	[sflag:s16] =	ssyncset.done $0x0  }
0x88b: {  	[sflag:s16] =	ssyncadd.s32 $0xFFFFC000  }
0x88c: {  	[hbm4b:s10+s3] =	stream.linear.scatter [tilespmem:s17], [sflag:$0x2], $0x4000, $0x38;
	[tilespmem:$0x1D400] =	vst v63  }
0x88d: {  	_ =	swait.ge [sflag:s16], $0x4000  }
0x88e: {  	[sflag:s16] =	ssyncset.done $0x0  }
0x88f: {  	[sflag:s16] =	ssyncadd.s32 $0xFFFFC000  }
0x890: {  	[tilespmem:s17], [sflag:$0x2] =	stream.linear.gather [spmem:s6], $0x4000, $0x38;
	[tilespmem:$0x1D400] =	vst v63  }
0x891: {  	_ =	swait.ge [sflag:s16], $0x4000  }
0x892: {  	[sflag:s16] =	ssyncset.done $0x0  }
0x893: {  	[sflag:s16] =	ssyncadd.s32 $0xFFFFC000  }
0x894: {  	[hbm4b:s11+s3] =	stream.linear.scatter [tilespmem:s17], [sflag:$0x2], $0x4000, $0x38;
	[tilespmem:$0x1D400] =	vst v63  }
0x895: {  	_ =	swait.ge [sflag:s16], $0x4000  }
0x896: {  	[sflag:s16] =	ssyncset.done $0x0  }
0x897: {  	[sflag:s16] =	ssyncadd.s32 $0xFFFFC000  }
0x898: {  	[tilespmem:s17], [sflag:$0x2] =	stream.linear.gather [spmem:s7], $0x4000, $0x38;
	[tilespmem:$0x1D400] =	vst v63  }
0x899: {  	_ =	swait.ge [sflag:s16], $0x4000  }
0x89a: {  	[sflag:s16] =	ssyncset.done $0x0  }
0x89b: {  	[sflag:s16] =	ssyncadd.s32 $0xFFFFC000  }
0x89c: {  	[hbm4b:s12+s3] =	stream.linear.scatter [tilespmem:s17], [sflag:$0x2], $0x4000, $0x38;
	[tilespmem:$0x1D400] =	vst v63  }
0x89d: {  	_ =	swait.ge [sflag:s16], $0x4000  }
0x89e: {  	[sflag:s16] =	ssyncset.done $0x0  }
0x89f: {  	[sflag:s16] =	ssyncadd.s32 $0xFFFFC000  }
0x8a0: {  	[tilespmem:s17], [sflag:$0x2] =	stream.linear.gather [spmem:s8], $0x4000, $0x38;
	[tilespmem:$0x1D400] =	vst v63  }
0x8a1: {  	_ =	swait.ge [sflag:s16], $0x4000  }
0x8a2: {  	[sflag:s16] =	ssyncset.done $0x0  }
0x8a3: {  	[sflag:s16] =	ssyncadd.s32 $0xFFFFC000  }
0x8a4: {  	[hbm4b:s13+s3] =	stream.linear.scatter [tilespmem:s17], [sflag:$0x2], $0x4000, $0x38;
	[tilespmem:$0x1D400] =	vst v63  }
0x8a5: {  	_ =	swait.ge [sflag:s16], $0x4000  }
0x8a6: {  	[sflag:s16] =	ssyncset.done $0x0  }
0x8a7: {  	[sflag:s16] =	ssyncadd.s32 $0xFFFFC000  }
0x8a8: {  	[tilespmem:s17], [sflag:$0x2] =	stream.linear.gather [spmem:s9], $0x4000, $0x38;
	[tilespmem:$0x1D400] =	vst v63  }
0x8a9: {  	s20 =	sadd.s32 $0x1, s20;
	_ =	swait.ge [sflag:s16], $0x4000  }
0x8aa: {  	p0 =	sne.s32 s20, s15;
	[sflag:s16] =	ssyncset.done $0x0  }
.Ltmp1:
0x8ab: {  	[sflag:s16] =	ssyncadd.s32 $0xFFFFC000;
	(pc) =	sbr.rel @p0 .LBB2_1-.Ltmp1, $4  }
0x8ac: {  	[hbm4b:s14+s3] =	stream.linear.scatter [tilespmem:s17], [sflag:$0x2], $0x4000, $0x38;
	[tilespmem:$0x1D400] =	vst v63  }
0x8ad: {  	_ =	swait.ge [sflag:s16], $0x4000  }
0x8ae: {  	[sflag:s16] =	ssyncset.done $0x0  }
0x8af: {  	[sflag:s16] =	ssyncadd.s32 $0xFFFFC000  }
0x8b0: {  	_ =	sfence.sel $0x180000  }
0x8b1: {  	[bflag:$0x0] =	sbarrier.arrive $0xFFFF  }
0x8b2: {  	_ =	strace $0x90000047  }
0x8b3: {  	s0 =	stileid.u32;
	[bflag:$0x2] =	sbarrier.arrive $0xFFFF  }
0x8b4: {  	p0 =	sne.s32 s0, $0x0;
	s0 =	rddreg [dreg:$0x2]  }
0x8b5: {  	s0 =	sadd.s32 @!p0 $0x100000, s0  }
0x8b6: {  	[sflag:s0] =	ssyncadd.tile.s32 @!p0 $0x1;
	_ =	shalt  }
.Lfunc_end2:
_tile_overlayer_lowered:
.L_overlay_start_2:
0x8b7: {  	(tag) =	ssettag $0x2  }
0x8b8: {  	s0 =	rddreg [dreg:$0x0];
	s2 =	stileid.u32  }
0x8b9: {  	s1 =	rddreg [dreg:$0x1];
	p0 =	sne.s32 s2, $0x0  }
0x8ba: {  	s3 =	rddreg [dreg:$0x2];
	[bflag:$0x3] =	sbarrier.arrive $0xFFFF;
	s2 =	simm.s32 @!p0 $0x1C02  }
0x8bb: {  	[timem:s3], [sflag:s2] =	dma.local @!p0 [hbm:s0], s1  }
0x8bc: {  	s0 =	simm.s32 @!p0 $0x2  }
0x8bd: {  	_ =	swait.ge @!p0 [sflag:s0], s1  }
0x8be: {  	s1 =	ssub.s32 @!p0 $0x0, s1;
	[sflag:s0] =	ssyncset.done @!p0 $0x0  }
0x8bf: {  	[sflag:s0] =	ssyncadd.s32 @!p0 s1  }
0x8c0: {  	[bflag:$0x3] =	sbarrier.arrive $0xFFFF  }
0x8c1: {  	_ =	shalt  }

// kernel: kernel.9.cloned.1.call-start
scs
__scs_entry_jumppad:
0x0: {  	(pc) =	sbr.rel $0x88, $3  }
0x1: {  	(tag) =	ssettag $0x0;
	lr =	simm.s32 $0x1  }
0x2: {  	[smem:$0x3F9D] =	sst lr;
	_ =	strace $0xD0000000  }
0x3: {  	_ = 	snop  }
0x4: {  	_ = 	snop  }
0x5: {  	_ = 	snop  }
0x6: {  	_ = 	snop  }
0x7: {  	_ = 	snop  }
__scs_overlays_trampoline_lowered:
0x8: {  	[smem:$0x3FAC] =	sst s0  }
0x9: {  	[smem:$0x3FAD] =	sst s1  }
0xa: {  	[smem:$0x3FAE] =	sst s2  }
0xb: {  	[smem:$0x3FAF] =	sst s3  }
0xc: {  	[smem:$0x3FB0] =	sst s4  }
0xd: {  	[smem:$0x3FB1] =	sst s5  }
0xe: {  	[smem:$0x3FB2] =	sst s6  }
0xf: {  	[smem:$0x3FB3] =	sst s7  }
0x10: {  	[smem:$0x3FB4] =	sst s8  }
0x11: {  	[smem:$0x3FB5] =	sst s9;
	s0 =	simm.s32 @!p0 $0x0  }
0x12: {  	s1 =	sld [smem:$0x3F9B];
	s0 =	simm.s32 @p0 $0x1  }
0x13: {  	[smem:$0x3FB6] =	sst s0;
	s0 =	simm.s32 @!p1 $0x0  }
0x14: {  	s2 =	sld [smem:$0x3F9A];
	s0 =	simm.s32 @p1 $0x1  }
0x15: {  	[smem:$0x3FB7] =	sst s0;
	s0 =	simm.s32 @!p2 $0x0  }
0x16: {  	s3 =	sld [smem:$0x3FDB];
	s0 =	simm.s32 @p2 $0x1  }
0x17: {  	s4 =	simm.s32 $0x1BF5;
	[smem:$0x3FB9] =	sst s0  }
0x18: {  	s0 =	sld [smem:$0x3F9C];
	_ =	swait.ge [sflag:s4], $0x0  }
0x19: {  	s7 =	sld [smem:$0x3F9D]  }
0x1a: {  	s8 =	sadd.s32 $0xFFFFE003, lr  }
0x1b: {  	s9 =	sadd.s32 $0xFFFFFEF7, lr;
	s5 =	simm.s32 $0xFFFFFFFF;
	p2 =	slt.u32 s8, $0xFFFFF086  }
0x1c: {  	p1 =	slt.u32 s9, $0xF7A;
	s5 =	simm.s32 @!p2 $0x0  }
0x1d: {  	s5 =	simm.s32 @p1 $0x1;
	p0 =	seq.s32 s7, s2  }
0x1e: {  	s7 =	smul.u32 @!p0 $0xF7A, s2;
	p2 =	seq.s32 @!p0 s5, $0x0  }
0x1f: {  	s9 =	smul.u32 $0xF7A, s1;
	s8 =	simm.s32 @!p0 $0x1BF5;
	p2 =	por !p2, p0  }
0x20: {  	[sflag:s8] =	ssyncset.s32 @!p0 $0xFFFFF086;
	s6 =	sadd.s32 @!p0 s3, s7;
	s7 =	simm.s32 @!p0 $0x108  }
0x21: {  	s3 =	sadd.s32 s3, s9;
	s6 =	sadd.s32 @!p0 $0x88, s6;
	s7 =	simm.s32 @p2 $0x1082  }
0x22: {  	[simem:s7], [sflag:s8] =	dma.local @!p0 [hbm:s6], $0xF7A  }
0x23: {  	s9 =	sor.u32 $0xD0000000, s2;
	s6 =	simm.s32 $0x108;
	_ =	swait.ge @!p0 [sflag:s8], $0x0  }
0x24: {  	s3 =	sadd.s32 $0x88, s3;
	s6 =	simm.s32 @!p1 $0x1082;
	[sflag:s4] =	ssyncset.s32 $0xFFFFF086  }
0x25: {  	[simem:s6], [sflag:s4] =	dma.local [hbm:s3], $0xF7A  }
0x26: {  	[smem:$0x3F9D] =	sst s1;
	(tag) =	ssettag s2;
	_ =	strace s9  }
0x27: {  	s1 =	sld [smem:$0x3FAD]  }
0x28: {  	s2 =	sld [smem:$0x3FAE]  }
0x29: {  	s4 =	sld [smem:$0x3FB0]  }
0x2a: {  	p0 =	seq.s32 s5, $0x0;
	s5 =	sld [smem:$0x3FB1]  }
0x2b: {  	s6 =	sld [smem:$0x3FB2]  }
0x2c: {  	s7 =	sld [smem:$0x3FB3]  }
0x2d: {  	s3 =	simm.s32 $0x108;
	s8 =	sld [smem:$0x3FB4]  }
0x2e: {  	s3 =	simm.s32 @!p0 $0x1082;
	s9 =	sld [smem:$0x3FB5]  }
0x2f: {  	lr =	sadd.s32 s0, s3;
	s0 =	sld [smem:$0x3FAC]  }
0x30: {  	s3 =	sld [smem:$0x3FAF]  }
0x31: {  	[smem:$0x3FB8] =	sst s10  }
0x32: {  	s10 =	sld [smem:$0x3FB6];
	_ =	sdelay $0x3  }
0x33: {  	p0 =	seq.s32 s10, $0x1;
	s10 =	sld [smem:$0x3FB8];
	_ =	sdelay $0x3  }
0x34: {  	[smem:$0x3FB8] =	sst s10  }
0x35: {  	s10 =	sld [smem:$0x3FB7];
	_ =	sdelay $0x3  }
0x36: {  	p1 =	seq.s32 s10, $0x1;
	s10 =	sld [smem:$0x3FB8];
	_ =	sdelay $0x3  }
0x37: {  	[smem:$0x3FB8] =	sst s10  }
0x38: {  	s10 =	sld [smem:$0x3FB9]  }
0x39: {  	_ = 	snop;
	(pc) =	sbr.ind lr, $3  }
0x3a: {  	_ = 	snop  }
0x3b: {  	_ = 	snop  }
0x3c: {  	p2 =	seq.s32 s10, $0x1;
	s10 =	sld [smem:$0x3FB8]  }
0x3d: {  	_ =	shalt  }
0x3e: {  	_ =	shalt  }
0x3f: {  	_ =	shalt  }
0x40: {  	_ =	shalt  }
0x41: {  	_ =	shalt  }
0x42: {  	_ =	shalt  }
0x43: {  	_ =	shalt  }
0x44: {  	_ =	shalt  }
0x45: {  	_ =	shalt  }
0x46: {  	_ =	shalt  }
0x47: {  	_ =	shalt  }
0x48: {  	_ =	shalt  }
0x49: {  	_ =	shalt  }
0x4a: {  	_ =	shalt  }
0x4b: {  	_ =	shalt  }
0x4c: {  	_ =	shalt  }
0x4d: {  	_ =	shalt  }
0x4e: {  	_ =	shalt  }
0x4f: {  	_ =	shalt  }
0x50: {  	_ =	shalt  }
0x51: {  	_ =	shalt  }
0x52: {  	_ =	shalt  }
0x53: {  	_ =	shalt  }
0x54: {  	_ =	shalt  }
0x55: {  	_ =	shalt  }
0x56: {  	_ =	shalt  }
0x57: {  	_ =	shalt  }
0x58: {  	_ =	shalt  }
0x59: {  	_ =	shalt  }
0x5a: {  	_ =	shalt  }
0x5b: {  	_ =	shalt  }
0x5c: {  	_ =	shalt  }
0x5d: {  	_ =	shalt  }
0x5e: {  	_ =	shalt  }
0x5f: {  	_ =	shalt  }
0x60: {  	_ =	shalt  }
0x61: {  	_ =	shalt  }
0x62: {  	_ =	shalt  }
0x63: {  	_ =	shalt  }
0x64: {  	_ =	shalt  }
0x65: {  	_ =	shalt  }
0x66: {  	_ =	shalt  }
0x67: {  	_ =	shalt  }
0x68: {  	_ =	shalt  }
0x69: {  	_ =	shalt  }
0x6a: {  	_ =	shalt  }
0x6b: {  	_ =	shalt  }
0x6c: {  	_ =	shalt  }
0x6d: {  	_ =	shalt  }
0x6e: {  	_ =	shalt  }
0x6f: {  	_ =	shalt  }
0x70: {  	_ =	shalt  }
0x71: {  	_ =	shalt  }
0x72: {  	_ =	shalt  }
0x73: {  	_ =	shalt  }
0x74: {  	_ =	shalt  }
0x75: {  	_ =	shalt  }
0x76: {  	_ =	shalt  }
0x77: {  	_ =	shalt  }
0x78: {  	_ =	shalt  }
0x79: {  	_ =	shalt  }
0x7a: {  	_ =	shalt  }
0x7b: {  	_ =	shalt  }
0x7c: {  	_ =	shalt  }
0x7d: {  	_ =	shalt  }
0x7e: {  	_ =	shalt  }
0x7f: {  	_ =	shalt  }
0x80: {  	_ =	shalt  }
0x81: {  	_ =	shalt  }
0x82: {  	_ =	shalt  }
0x83: {  	_ =	shalt  }
0x84: {  	_ =	shalt  }
0x85: {  	_ =	shalt  }
0x86: {  	_ =	shalt  }
0x87: {  	_ =	shalt  }
.Lfunc_end0:
.L_simem_size_0:
called_computation.1_lowered:
.L_overlay_start_0:
0x88: {  	s2 =	sld [smem:$0x3FD9]  }
0x89: {  	s3 =	sld [smem:$0x3FFE];
	_ =	sdelay $0x1  }
0x8a: {  	s1 =	srdreg.scid  }
0x8b: {  	s0 =	sand.u32 $0x1, s1  }
0x8c: {  	s16 =	sshll.u32 s0, $0xA;
	s2 =	sadd.s32 s3, s2  }
0x8d: {  	s2 =	sadd.s32 s2, s16  }
0x8e: {  	[smem:$0x3FC4] =	sst s2  }
0x8f: {  	_ = 	snop  }
0x90: {  	(tm) =	ssettm $0x1  }
0x91: {  	s17 =	sld [smem:$0x3FFB];
	_ =	sdelay $0x3  }
0x92: {  	_ =	strace s17  }
0x93: {  	s2 =	sld [smem:$0x3FFC];
	_ =	sdelay $0x3  }
0x94: {  	_ =	strace s2  }
0x95: {  	s2 =	sld [smem:$0x3FFD];
	_ =	sdelay $0x3  }
0x96: {  	_ =	strace s2  }
0x97: {  	_ =	strace $0x8FFFFFFF  }
0x98: {  	s18 =	sld [smem:$0x3FDB];
	_ =	sdelay $0x1  }
0x99: {  	s19 =	simm.s32 $_scs_section_size  }
0x9a: {  	s4 =	simm.s32 $_size__tile_overlayer_lowered;
	s5 =	simm.s32 $_tile_overlayer_lowered  }
0x9b: {  	s22 =	simm.s32 $0x1BFF;
	s21 =	sshll.u32 s5, $0x1;
	s2 =	sadd.s32 s19, s18  }
0x9c: {  	s6 =	simm.s32 $0x0;
	s20 =	sshll.u32 s4, $0x1;
	s4 =	sadd.s32 s21, s2  }
0x9d: {  	[timem:s6], [sflag:s22] =	dma.local [hbm:s4], s20  }
0x9e: {  	_ =	swait.ge [sflag:s22], s20  }
0x9f: {  	s3 =	ssub.s32 $0x0, s20;
	[sflag:s22] =	ssyncset.done $0x0  }
0xa0: {  	[sflag:s22] =	ssyncadd.s32 s3;
	_ =	sdelay $0x1  }
0xa1: {  	s23 =	simm.s32 $0x1B8B  }
0xa2: {  	_ =	swait.ge [sflag:s23], $0x1  }
0xa3: {  	[sflag:s23] =	ssyncset.done $0x0  }
0xa4: {  	s25 =	simm.s32 $0x1B8E;
	s24 =	sld [smem:$0x3FFE];
	[sflag:s23] =	ssyncadd.s32 $0xFFFFFFFF  }
0xa5: {  	s26 =	simm.s32 $execute0_lowered;
	[smem:$0x3FD2] =	sst s25  }
0xa6: {  	s4 =	sshll.u32 s26, $0x1;
	_ =	strace $0x80000049;
	[dreg:$0x1] =	wrdreg $0xFFFFFFFF  }
0xa7: {  	s28 =	simm.s32 $_size_execute0_lowered;
	s2 =	sadd.s32 s2, s4;
	[dreg:$0x0] =	wrdreg $0x0  }
0xa8: {  	s4 =	sshll.u32 s28, $0x1;
	[dreg:$0x2] =	wrdreg s2  }
0xa9: {  	[dreg:$0x3] =	wrdreg s4  }
0xaa: {  	[dreg:$0x4] =	wrdreg $0xC0  }
0xab: {  	_ =	task [dreg:s6], $0x5FFFF  }
0xac: {  	[dreg:$0x1] =	wrdreg $0xFFFFFFFF  }
0xad: {  	[dreg:$0x0] =	wrdreg $0x60  }
0xae: {  	[dreg:$0x2] =	wrdreg s24  }
0xaf: {  	[dreg:$0x3] =	wrdreg $0xA8000  }
0xb0: {  	[dreg:$0x4] =	wrdreg $0x9  }
0xb1: {  	_ =	task.clear_ibuf [dreg:s6], $0x5FFFF;
	_ =	strace $0x90000049  }
0xb2: {  	s29 =	simm.s32 $0x9;
	_ =	strace $0x8000004B  }
0xb3: {  	_ =	swait.ge [sflag:s29], $0x1  }
0xb4: {  	[sflag:s29] =	ssyncadd.s32 $0xFFFFFFFF  }
0xb5: {  	_ =	strace $0x9000004B  }
0xb6: {  	_ =	sfence  }
0xb7: {  	s30 =	sld [smem:$0x0];
	_ =	sdelay $0x2  }
0xb8: {  	s31 =	sshll.u32 s1, $0xD;
	s1 =	sshrl.u32 s1, $0x2  }
0xb9: {  	s3 =	sand.u32 $0x4000, s31;
	s1 =	sadd.s32 s1, s30  }
0xba: {  	s0 =	sor.u32 s3, s0;
	s1 =	sshll.u32 s1, $0x11  }
0xbb: {  	s0 =	sor.u32 s1, s0  }
0xbc: {  	s0 =	sadd.s32 $0x8F2B, s0  }
0xbd: {  	[sflag:s0] =	ssyncadd.remote.s32 $0x1  }
0xbe: {  	_ =	sfence.sel $0xFFFF  }
0xbf: {  	[dreg:$0x0] =	wrdreg $0xFFFFFFFF;
	(pc) =	sbr.abs _section_cstart, $3  }
0xc0: {  	[dreg:$0x1] =	wrdreg $0xFFFFFFFF  }
0xc1: {  	_ =	task.clear_ibuf [dreg:s6], $0x2FFFF;
	_ =	strace $0x9FFFFFFF  }
0xc2: {  	(tm) =	ssettm $0x7FFFFFFF  }
0xc3: {  	_ =	shalt  }
tec
execute0_lowered:
.L_overlay_start_1:
0x0: {  	(tag) =	ssettag $0x1  }
0x1: {  	s0 =	rddreg [dreg:$0x0]  }
0x2: {  	s1 =	rddreg [dreg:$0x1];
	s2 =	simm.s32 $0x0;
	s6 =	srdreg.scid  }
0x3: {  	s9 =	stileid.u32;
	s28 =	simm.s32 $0x2;
	s29 =	simm.s32 $0x1380  }
0x4: {  	s30 =	simm.s32 $0x2700;
	s31 =	simm.s32 $0x2780;
	[smem:$0x7FF] =	sst s2  }
0x5: {  	s3 =	sadd.s32 $0x56800, s0;
	s5 =	sadd.s32 $0x1800, s0;
	s23 =	smul.u32 $0x50000, s9  }
0x6: {  	s4 =	sadd.s32 $0x6800, s0;
	s11 =	sand.u32 $0x1, s6;
	s14 =	smul.u32 $0x14000, s9  }
0x7: {  	s7 =	sadd.s32 $0x60800, s0;
	s0 =	sadd.s32 $0x61000, s0;
	s13 =	smul.u32 $0x2800, s9  }
0x8: {  	_ =	strace $0x8000004A;
	[dreg:$0x3] =	wrdreg s7;
	s24 =	ssub.s32 $0x2, s11  }
0x9: {  	s12 =	smul.u32 $0x28000, s11;
	s8 =	sshrl.u32 s24, $0x1;
	s6 =	sshrl.u32 s23, $0x2  }
0xa: {  	s15 =	sadd.s32 $0x4000, s14;
	s17 =	sadd.s32 $0x8000, s14;
	s18 =	sadd.s32 $0xC000, s14  }
0xb: {  	s19 =	sadd.s32 $0x10000, s14;
	s21 =	sadd.s32 $0x1400, s13;
	s23 =	smul.u32 $0x140000, s11  }
0xc: {  	s20 =	ssub.s32 s24, s8;
	s6 =	sadd.s32 s6, s1;
	s7 =	sadd.s32 s15, s1  }
0xd: {  	s8 =	sadd.s32 s17, s1;
	s9 =	sadd.s32 s18, s1;
	s16 =	sadd.s32 s13, s12  }
0xe: {  	s10 =	sadd.s32 s19, s1;
	s13 =	sshrl.u32 s13, $0x3;
	s22 =	sadd.s32 s12, s21  }
0xf: {  	s21 =	sshrl.u32 s21, $0x3;
	s16 =	sshrl.u32 s16, $0x3;
	s26 =	sadd.s32 s5, s13  }
0x10: {  	s12 =	sshrl.u32 s22, $0x3;
	s14 =	sadd.s32 s14, s23;
	s24 =	sadd.s32 s23, s17  }
0x11: {  	s20 =	smax.u32 s20, $0x1;
	s25 =	sadd.s32 s3, s16;
	[dreg:$0x5] =	wrdreg s26  }
0x12: {  	s3 =	sadd.s32 s3, s12;
	s16 =	sadd.s32 s23, s15;
	[dreg:$0x4] =	wrdreg s25  }
0x13: {  	s26 =	sadd.s32 s23, s19;
	[dreg:$0x6] =	wrdreg s3;
	s3 =	sshrl.u32 s14, $0x3  }
0x14: {  	s22 =	sshrl.u32 s16, $0x3;
	s14 =	sadd.s32 s5, s21;
	s25 =	sadd.s32 s23, s18  }
0x15: {  	s19 =	sshrl.u32 s26, $0x3;
	s21 =	simm.s32 $0x2800;
	s23 =	simm.s32 $0x1400  }
0x16: {  	s26 =	simm.s32 $0x1;
	s15 =	sadd.s32 s0, s3;
	s16 =	sadd.s32 s0, s22  }
0x17: {  	s3 =	sshrl.u32 s24, $0x3;
	s5 =	sshrl.u32 s25, $0x3;
	s19 =	sadd.s32 s0, s19  }
0x18: {  	s22 =	simm.s32 $0x3;
	s24 =	simm.s32 $0x80;
	s25 =	simm.s32 $0x6800  }
0x19: {  	s17 =	sadd.s32 s0, s3;
	s18 =	sadd.s32 s0, s5;
	s0 =	simm.s32 $0x0  }
.LBB2_1:
0x1a: {  	s3 =	rddreg [dreg:$0x3]  }
0x1b: {  	[tilespmem:s21], [sflag:$0x3] =	stream.linear.gather [hbm4b:s3+s2], $0x4000, $0x38;
	[tilespmem:$0x1E800] =	vst v63  }
0x1c: {  	_ =	swait.ge [sflag:s22], $0x4000  }
0x1d: {  	[sflag:s22] =	ssyncset.done $0x0  }
0x1e: {  	[sflag:s22] =	ssyncadd.s32 $0xFFFFC000  }
0x1f: {  	[spmem:s6] =	stream.linear.scatter [tilespmem:s21], [sflag:$0x3], $0x4000, $0x38;
	[tilespmem:$0x1E800] =	vst v63  }
0x20: {  	_ =	swait.ge [sflag:s22], $0x4000  }
0x21: {  	[sflag:s22] =	ssyncset.done $0x0  }
0x22: {  	[sflag:s22] =	ssyncadd.s32 $0xFFFFC000  }
0x23: {  	[spmem:s7] =	stream.linear.scatter [tilespmem:s21], [sflag:$0x3], $0x4000, $0x38;
	[tilespmem:$0x1E800] =	vst v63  }
0x24: {  	_ =	swait.ge [sflag:s22], $0x4000  }
0x25: {  	[sflag:s22] =	ssyncset.done $0x0  }
0x26: {  	[sflag:s22] =	ssyncadd.s32 $0xFFFFC000  }
0x27: {  	[spmem:s8] =	stream.linear.scatter [tilespmem:s21], [sflag:$0x3], $0x4000, $0x38;
	[tilespmem:$0x1E800] =	vst v63  }
0x28: {  	_ =	swait.ge [sflag:s22], $0x4000  }
0x29: {  	[sflag:s22] =	ssyncset.done $0x0  }
0x2a: {  	[sflag:s22] =	ssyncadd.s32 $0xFFFFC000  }
0x2b: {  	[spmem:s9] =	stream.linear.scatter [tilespmem:s21], [sflag:$0x3], $0x4000, $0x38;
	[tilespmem:$0x1E800] =	vst v63  }
0x2c: {  	_ =	swait.ge [sflag:s22], $0x4000  }
0x2d: {  	[sflag:s22] =	ssyncset.done $0x0  }
0x2e: {  	[sflag:s22] =	ssyncadd.s32 $0xFFFFC000  }
0x2f: {  	[spmem:s10] =	stream.linear.scatter [tilespmem:s21], [sflag:$0x3], $0x4000, $0x38;
	[tilespmem:$0x1E800] =	vst v63  }
0x30: {  	_ =	swait.ge [sflag:s22], $0x4000  }
0x31: {  	[sflag:s22] =	ssyncset.done $0x0  }
0x32: {  	[sflag:s22] =	ssyncadd.s32 $0xFFFFC000  }
0x33: {  	[bflag:$0x0] =	sbarrier.arrive $0xFFFF  }
0x34: {  	s12 =	rddreg [dreg:$0x4]  }
0x35: {  	[tilespmem:s2], [sflag:$0x3] =	stream.linear.gather [hbm4b:s12+s2], $0x1400, $0x38;
	[tilespmem:$0x1E800] =	vst v63  }
0x36: {  	_ =	swait.ge [sflag:s22], $0x1400  }
0x37: {  	[sflag:s22] =	ssyncset.done $0x0  }
0x38: {  	s13 =	rddreg [dreg:$0x5];
	[sflag:s22] =	ssyncadd.s32 $0xFFFFEC00  }
0x39: {  	[tilespmem:s23], [sflag:$0x3] =	stream.linear.gather [hbm4b:s13+s2], $0x1400, $0x38;
	[tilespmem:$0x1E800] =	vst v63  }
0x3a: {  	_ =	swait.ge [sflag:s22], $0x1400  }
0x3b: {  	[sflag:s22] =	ssyncset.done $0x0  }
0x3c: {  	[sflag:s22] =	ssyncadd.s32 $0xFFFFEC00  }
0x3d: {  	[tilespmem:s21], [sflag:$0x1] =	stream.indirect.gather [hbm4b:s4+s24], $0x80, s2, s24, $0xb8;
	[tilespmem:$0x1E800] =	vst v63  }
0x3e: {  	s5 =	simm.s32 $0x80  }
0x3f: {  	[tilespmem:s25], [sflag:$0x2] =	stream.indirect.gather [hbm4b:s4+s24], $0x80, s5, s24, $0xb8;
	[tilespmem:$0x1E800] =	vst v63  }
0x40: {  	_ =	swait.ge [sflag:s26], $0x4000  }
0x41: {  	[sflag:s26] =	ssyncset.done $0x0  }
0x42: {  	s11 =	simm.s32 $0x1400;
	[sflag:s26] =	ssyncadd.s32 $0xFFFFC000  }
0x43: {  	[spmem:s1] =	stream.indirect.scatter.add.f32 [tilespmem:s21], [sflag:$0x3], $0x80, s11, s24, $0xb8;
	[tilespmem:$0x1E800] =	vst v63  }
0x44: {  	_ =	swait.ge [sflag:s22], $0x4000  }
0x45: {  	[sflag:s22] =	ssyncset.done $0x0  }
0x46: {  	s12 =	simm.s32 $0x100;
	[sflag:s22] =	ssyncadd.s32 $0xFFFFC000  }
0x47: {  	[tilespmem:s21], [sflag:$0x1] =	stream.indirect.gather [hbm4b:s4+s24], $0x80, s12, s24, $0xb8;
	[tilespmem:$0x1E800] =	vst v63  }
0x48: {  	_ =	swait.ge [sflag:s28], $0x4000  }
0x49: {  	[sflag:s28] =	ssyncset.done $0x0  }
0x4a: {  	s13 =	simm.s32 $0x1480;
	[sflag:s28] =	ssyncadd.s32 $0xFFFFC000  }
0x4b: {  	[spmem:s1] =	stream.indirect.scatter.add.f32 [tilespmem:s25], [sflag:$0x3], $0x80, s13, s24, $0xb8;
	[tilespmem:$0x1E800] =	vst v63  }
0x4c: {  	_ =	swait.ge [sflag:s22], $0x4000  }
0x4d: {  	s3 =	simm.s32 $0x100;
	s5 =	simm.s32 $0x800;
	[sflag:s22] =	ssyncset.done $0x0  }
.LBB2_2:
0x4e: {  	s11 =	sadd.s32 $0x80, s3  }
0x4f: {  	[sflag:s22] =	ssyncadd.s32 $0xFFFFC000;
	s12 =	smov.u32 s5;
	s13 =	sadd.s32 $0x400, s5  }
0x50: {  	[tilespmem:s25], [sflag:$0x2] =	stream.indirect.gather [hbm4b:s4+s24], $0x80, s11, s24, $0xb8;
	[tilespmem:$0x1E800] =	vst v63  }
0x51: {  	p0 =	sne.s32 s5, $0x4800;
	_ =	swait.ge [sflag:s26], $0x4000  }
0x52: {  	[sflag:s26] =	ssyncset.done $0x0  }
0x53: {  	s5 =	sadd.s32 $0x1400, s3;
	[sflag:s26] =	ssyncadd.s32 $0xFFFFC000  }
0x54: {  	[spmem:s1] =	stream.indirect.scatter.add.f32 [tilespmem:s21], [sflag:$0x3], $0x80, s5, s24, $0xb8;
	[tilespmem:$0x1E800] =	vst v63  }
0x55: {  	_ =	swait.ge [sflag:s22], $0x4000  }
0x56: {  	[sflag:s22] =	ssyncset.done $0x0  }
0x57: {  	s5 =	sadd.s32 $0x100, s3;
	[sflag:s22] =	ssyncadd.s32 $0xFFFFC000  }
0x58: {  	[tilespmem:s21], [sflag:$0x1] =	stream.indirect.gather [hbm4b:s4+s24], $0x80, s5, s24, $0xb8;
	[tilespmem:$0x1E800] =	vst v63  }
0x59: {  	_ =	swait.ge [sflag:s28], $0x4000  }
.Ltmp0:
0x5a: {  	[sflag:s28] =	ssyncset.done $0x0;
	(pc) =	sbr.rel @p0 .LBB2_2-.Ltmp0, $4  }
0x5b: {  	s3 =	sadd.s32 $0x1480, s3;
	[sflag:s28] =	ssyncadd.s32 $0xFFFFC000  }
0x5c: {  	[spmem:s1] =	stream.indirect.scatter.add.f32 [tilespmem:s25], [sflag:$0x3], $0x80, s3, s24, $0xb8;
	[tilespmem:$0x1E800] =	vst v63  }
0x5d: {  	_ =	swait.ge [sflag:s22], $0x4000  }
0x5e: {  	s5 =	smov.u32 s13;
	s3 =	sshra.s32 s12, $0x2;
	[sflag:s22] =	ssyncset.done $0x0  }
0x5f: {  	s5 =	sadd.s32 $0x80, s3;
	[sflag:s22] =	ssyncadd.s32 $0xFFFFC000  }
0x60: {  	[tilespmem:s25], [sflag:$0x2] =	stream.indirect.gather [hbm4b:s4+s24], $0x80, s5, s24, $0xb8;
	[tilespmem:$0x1E800] =	vst v63  }
0x61: {  	_ =	swait.ge [sflag:s26], $0x4000  }
0x62: {  	[sflag:s26] =	ssyncset.done $0x0  }
0x63: {  	s12 =	sadd.s32 $0x1400, s3;
	[sflag:s26] =	ssyncadd.s32 $0xFFFFC000  }
0x64: {  	[spmem:s1] =	stream.indirect.scatter.add.f32 [tilespmem:s21], [sflag:$0x3], $0x80, s12, s24, $0xb8;
	[tilespmem:$0x1E800] =	vst v63  }
0x65: {  	_ =	swait.ge [sflag:s22], $0x4000  }
0x66: {  	[sflag:s22] =	ssyncset.done $0x0  }
0x67: {  	s13 =	sadd.s32 $0x100, s3;
	[sflag:s22] =	ssyncadd.s32 $0xFFFFC000  }
0x68: {  	[tilespmem:s21], [sflag:$0x1] =	stream.indirect.gather [hbm4b:s4+s24], $0x80, s13, s24, $0xb8;
	[tilespmem:$0x1E800] =	vst v63  }
0x69: {  	_ =	swait.ge [sflag:s28], $0x4000  }
0x6a: {  	[sflag:s28] =	ssyncset.done $0x0  }
0x6b: {  	s11 =	sadd.s32 $0x1480, s3;
	[sflag:s28] =	ssyncadd.s32 $0xFFFFC000  }
0x6c: {  	[spmem:s1] =	stream.indirect.scatter.add.f32 [tilespmem:s25], [sflag:$0x3], $0x80, s11, s24, $0xb8;
	[tilespmem:$0x1E800] =	vst v63  }
0x6d: {  	_ =	swait.ge [sflag:s22], $0x4000  }
0x6e: {  	[sflag:s22] =	ssyncset.done $0x0  }
0x6f: {  	[sflag:s22] =	ssyncadd.s32 $0xFFFFC000  }
0x70: {  	[tilespmem:s25], [sflag:$0x2] =	stream.indirect.gather [hbm4b:s4+s24], $0x80, s29, s24, $0xb8;
	[tilespmem:$0x1E800] =	vst v63  }
0x71: {  	_ =	swait.ge [sflag:s26], $0x4000  }
0x72: {  	[sflag:s26] =	ssyncset.done $0x0  }
0x73: {  	[sflag:s26] =	ssyncadd.s32 $0xFFFFC000  }
0x74: {  	[spmem:s1] =	stream.indirect.scatter.add.f32 [tilespmem:s21], [sflag:$0x3], $0x80, s30, s24, $0xb8;
	[tilespmem:$0x1E800] =	vst v63  }
0x75: {  	_ =	swait.ge [sflag:s22], $0x4000  }
0x76: {  	[sflag:s22] =	ssyncset.done $0x0  }
0x77: {  	[sflag:s22] =	ssyncadd.s32 $0xFFFFC000  }
0x78: {  	_ =	swait.ge [sflag:s28], $0x4000  }
0x79: {  	[sflag:s28] =	ssyncset.done $0x0  }
0x7a: {  	[sflag:s28] =	ssyncadd.s32 $0xFFFFC000  }
0x7b: {  	[spmem:s1] =	stream.indirect.scatter.add.f32 [tilespmem:s25], [sflag:$0x3], $0x80, s31, s24, $0xb8;
	[tilespmem:$0x1E800] =	vst v63  }
0x7c: {  	_ =	swait.ge [sflag:s22], $0x4000  }
0x7d: {  	[sflag:s22] =	ssyncset.done $0x0  }
0x7e: {  	s12 =	simm.s32 $0x0;
	s13 =	rddreg [dreg:$0x6];
	[sflag:s22] =	ssyncadd.s32 $0xFFFFC000  }
0x7f: {  	[tilespmem:s12], [sflag:$0x3] =	stream.linear.gather [hbm4b:s13+s12], $0x1400, $0x38;
	[tilespmem:$0x1E800] =	vst v63  }
0x80: {  	_ =	swait.ge [sflag:s22], $0x1400  }
0x81: {  	[sflag:s22] =	ssyncset.done $0x0  }
0x82: {  	[sflag:s22] =	ssyncadd.s32 $0xFFFFEC00  }
0x83: {  	[tilespmem:s23], [sflag:$0x3] =	stream.linear.gather [hbm4b:s14+s12], $0x1400, $0x38;
	[tilespmem:$0x1E800] =	vst v63  }
0x84: {  	_ =	swait.ge [sflag:s22], $0x1400  }
0x85: {  	[sflag:s22] =	ssyncset.done $0x0  }
0x86: {  	[sflag:s22] =	ssyncadd.s32 $0xFFFFEC00  }
0x87: {  	[tilespmem:s21], [sflag:$0x1] =	stream.indirect.gather [hbm4b:s4+s24], $0x80, s12, s24, $0xb8;
	[tilespmem:$0x1E800] =	vst v63  }
0x88: {  	s5 =	simm.s32 $0x80  }
0x89: {  	[tilespmem:s25], [sflag:$0x2] =	stream.indirect.gather [hbm4b:s4+s24], $0x80, s5, s24, $0xb8;
	[tilespmem:$0x1E800] =	vst v63  }
0x8a: {  	_ =	swait.ge [sflag:s26], $0x4000  }
0x8b: {  	[sflag:s26] =	ssyncset.done $0x0  }
0x8c: {  	s11 =	simm.s32 $0x1400;
	[sflag:s26] =	ssyncadd.s32 $0xFFFFC000  }
0x8d: {  	[spmem:s1] =	stream.indirect.scatter.add.f32 [tilespmem:s21], [sflag:$0x3], $0x80, s11, s24, $0xb8;
	[tilespmem:$0x1E800] =	vst v63  }
0x8e: {  	_ =	swait.ge [sflag:s22], $0x4000  }
0x8f: {  	[sflag:s22] =	ssyncset.done $0x0  }
0x90: {  	s12 =	simm.s32 $0x100;
	[sflag:s22] =	ssyncadd.s32 $0xFFFFC000  }
0x91: {  	[tilespmem:s21], [sflag:$0x1] =	stream.indirect.gather [hbm4b:s4+s24], $0x80, s12, s24, $0xb8;
	[tilespmem:$0x1E800] =	vst v63  }
0x92: {  	_ =	swait.ge [sflag:s28], $0x4000  }
0x93: {  	[sflag:s28] =	ssyncset.done $0x0  }
0x94: {  	s13 =	simm.s32 $0x1480;
	[sflag:s28] =	ssyncadd.s32 $0xFFFFC000  }
0x95: {  	[spmem:s1] =	stream.indirect.scatter.add.f32 [tilespmem:s25], [sflag:$0x3], $0x80, s13, s24, $0xb8;
	[tilespmem:$0x1E800] =	vst v63  }
0x96: {  	_ =	swait.ge [sflag:s22], $0x4000  }
0x97: {  	s3 =	simm.s32 $0x100;
	s5 =	simm.s32 $0x800;
	[sflag:s22] =	ssyncset.done $0x0  }
.LBB2_4:
0x98: {  	s11 =	sadd.s32 $0x80, s3  }
0x99: {  	[sflag:s22] =	ssyncadd.s32 $0xFFFFC000;
	s12 =	smov.u32 s5;
	s13 =	sadd.s32 $0x400, s5  }
0x9a: {  	[tilespmem:s25], [sflag:$0x2] =	stream.indirect.gather [hbm4b:s4+s24], $0x80, s11, s24, $0xb8;
	[tilespmem:$0x1E800] =	vst v63  }
0x9b: {  	p0 =	sne.s32 s5, $0x4800;
	_ =	swait.ge [sflag:s26], $0x4000  }
0x9c: {  	[sflag:s26] =	ssyncset.done $0x0  }
0x9d: {  	s5 =	sadd.s32 $0x1400, s3;
	[sflag:s26] =	ssyncadd.s32 $0xFFFFC000  }
0x9e: {  	[spmem:s1] =	stream.indirect.scatter.add.f32 [tilespmem:s21], [sflag:$0x3], $0x80, s5, s24, $0xb8;
	[tilespmem:$0x1E800] =	vst v63  }
0x9f: {  	_ =	swait.ge [sflag:s22], $0x4000  }
0xa0: {  	[sflag:s22] =	ssyncset.done $0x0  }
0xa1: {  	s5 =	sadd.s32 $0x100, s3;
	[sflag:s22] =	ssyncadd.s32 $0xFFFFC000  }
0xa2: {  	[tilespmem:s21], [sflag:$0x1] =	stream.indirect.gather [hbm4b:s4+s24], $0x80, s5, s24, $0xb8;
	[tilespmem:$0x1E800] =	vst v63  }
0xa3: {  	_ =	swait.ge [sflag:s28], $0x4000  }
.Ltmp1:
0xa4: {  	[sflag:s28] =	ssyncset.done $0x0;
	(pc) =	sbr.rel @p0 .LBB2_4-.Ltmp1, $4  }
0xa5: {  	s3 =	sadd.s32 $0x1480, s3;
	[sflag:s28] =	ssyncadd.s32 $0xFFFFC000  }
0xa6: {  	[spmem:s1] =	stream.indirect.scatter.add.f32 [tilespmem:s25], [sflag:$0x3], $0x80, s3, s24, $0xb8;
	[tilespmem:$0x1E800] =	vst v63  }
0xa7: {  	_ =	swait.ge [sflag:s22], $0x4000  }
0xa8: {  	s5 =	smov.u32 s13;
	s3 =	sshra.s32 s12, $0x2;
	[sflag:s22] =	ssyncset.done $0x0  }
0xa9: {  	s5 =	sadd.s32 $0x80, s3;
	[sflag:s22] =	ssyncadd.s32 $0xFFFFC000  }
0xaa: {  	[tilespmem:s25], [sflag:$0x2] =	stream.indirect.gather [hbm4b:s4+s24], $0x80, s5, s24, $0xb8;
	[tilespmem:$0x1E800] =	vst v63  }
0xab: {  	_ =	swait.ge [sflag:s26], $0x4000  }
0xac: {  	[sflag:s26] =	ssyncset.done $0x0  }
0xad: {  	s11 =	sadd.s32 $0x1400, s3;
	[sflag:s26] =	ssyncadd.s32 $0xFFFFC000  }
0xae: {  	[spmem:s1] =	stream.indirect.scatter.add.f32 [tilespmem:s21], [sflag:$0x3], $0x80, s11, s24, $0xb8;
	[tilespmem:$0x1E800] =	vst v63  }
0xaf: {  	_ =	swait.ge [sflag:s22], $0x4000  }
0xb0: {  	[sflag:s22] =	ssyncset.done $0x0  }
0xb1: {  	s12 =	sadd.s32 $0x100, s3;
	[sflag:s22] =	ssyncadd.s32 $0xFFFFC000  }
0xb2: {  	[tilespmem:s21], [sflag:$0x1] =	stream.indirect.gather [hbm4b:s4+s24], $0x80, s12, s24, $0xb8;
	[tilespmem:$0x1E800] =	vst v63  }
0xb3: {  	_ =	swait.ge [sflag:s28], $0x4000  }
0xb4: {  	[sflag:s28] =	ssyncset.done $0x0  }
0xb5: {  	s13 =	sadd.s32 $0x1480, s3;
	[sflag:s28] =	ssyncadd.s32 $0xFFFFC000  }
0xb6: {  	[spmem:s1] =	stream.indirect.scatter.add.f32 [tilespmem:s25], [sflag:$0x3], $0x80, s13, s24, $0xb8;
	[tilespmem:$0x1E800] =	vst v63  }
0xb7: {  	_ =	swait.ge [sflag:s22], $0x4000  }
0xb8: {  	[sflag:s22] =	ssyncset.done $0x0  }
0xb9: {  	[sflag:s22] =	ssyncadd.s32 $0xFFFFC000  }
0xba: {  	[tilespmem:s25], [sflag:$0x2] =	stream.indirect.gather [hbm4b:s4+s24], $0x80, s29, s24, $0xb8;
	[tilespmem:$0x1E800] =	vst v63  }
0xbb: {  	_ =	swait.ge [sflag:s26], $0x4000  }
0xbc: {  	[sflag:s26] =	ssyncset.done $0x0  }
0xbd: {  	[sflag:s26] =	ssyncadd.s32 $0xFFFFC000  }
0xbe: {  	[spmem:s1] =	stream.indirect.scatter.add.f32 [tilespmem:s21], [sflag:$0x3], $0x80, s30, s24, $0xb8;
	[tilespmem:$0x1E800] =	vst v63  }
0xbf: {  	_ =	swait.ge [sflag:s22], $0x4000  }
0xc0: {  	[sflag:s22] =	ssyncset.done $0x0  }
0xc1: {  	[sflag:s22] =	ssyncadd.s32 $0xFFFFC000  }
0xc2: {  	_ =	swait.ge [sflag:s28], $0x4000  }
0xc3: {  	[sflag:s28] =	ssyncset.done $0x0  }
0xc4: {  	[sflag:s28] =	ssyncadd.s32 $0xFFFFC000  }
0xc5: {  	[spmem:s1] =	stream.indirect.scatter.add.f32 [tilespmem:s25], [sflag:$0x3], $0x80, s31, s24, $0xb8;
	[tilespmem:$0x1E800] =	vst v63  }
0xc6: {  	_ =	swait.ge [sflag:s22], $0x4000  }
0xc7: {  	[sflag:s22] =	ssyncset.done $0x0  }
0xc8: {  	[sflag:s22] =	ssyncadd.s32 $0xFFFFC000  }
0xc9: {  	[bflag:$0x0] =	sbarrier.arrive $0xFFFF  }
0xca: {  	[tilespmem:s21], [sflag:$0x3] =	stream.linear.gather [spmem:s6], $0x4000, $0x38;
	[tilespmem:$0x1E800] =	vst v63  }
0xcb: {  	_ =	swait.ge [sflag:s22], $0x4000  }
0xcc: {  	[sflag:s22] =	ssyncset.done $0x0  }
0xcd: {  	[sflag:s22] =	ssyncadd.s32 $0xFFFFC000  }
0xce: {  	[hbm4b:s15+s2] =	stream.linear.scatter [tilespmem:s21], [sflag:$0x3], $0x4000, $0x38;
	[tilespmem:$0x1E800] =	vst v63  }
0xcf: {  	_ =	swait.ge [sflag:s22], $0x4000  }
0xd0: {  	[sflag:s22] =	ssyncset.done $0x0  }
0xd1: {  	[sflag:s22] =	ssyncadd.s32 $0xFFFFC000  }
0xd2: {  	[tilespmem:s21], [sflag:$0x3] =	stream.linear.gather [spmem:s7], $0x4000, $0x38;
	[tilespmem:$0x1E800] =	vst v63  }
0xd3: {  	_ =	swait.ge [sflag:s22], $0x4000  }
0xd4: {  	[sflag:s22] =	ssyncset.done $0x0  }
0xd5: {  	[sflag:s22] =	ssyncadd.s32 $0xFFFFC000  }
0xd6: {  	[hbm4b:s16+s2] =	stream.linear.scatter [tilespmem:s21], [sflag:$0x3], $0x4000, $0x38;
	[tilespmem:$0x1E800] =	vst v63  }
0xd7: {  	_ =	swait.ge [sflag:s22], $0x4000  }
0xd8: {  	[sflag:s22] =	ssyncset.done $0x0  }
0xd9: {  	[sflag:s22] =	ssyncadd.s32 $0xFFFFC000  }
0xda: {  	[tilespmem:s21], [sflag:$0x3] =	stream.linear.gather [spmem:s8], $0x4000, $0x38;
	[tilespmem:$0x1E800] =	vst v63  }
0xdb: {  	_ =	swait.ge [sflag:s22], $0x4000  }
0xdc: {  	[sflag:s22] =	ssyncset.done $0x0  }
0xdd: {  	[sflag:s22] =	ssyncadd.s32 $0xFFFFC000  }
0xde: {  	[hbm4b:s17+s2] =	stream.linear.scatter [tilespmem:s21], [sflag:$0x3], $0x4000, $0x38;
	[tilespmem:$0x1E800] =	vst v63  }
0xdf: {  	_ =	swait.ge [sflag:s22], $0x4000  }
0xe0: {  	[sflag:s22] =	ssyncset.done $0x0  }
0xe1: {  	[sflag:s22] =	ssyncadd.s32 $0xFFFFC000  }
0xe2: {  	[tilespmem:s21], [sflag:$0x3] =	stream.linear.gather [spmem:s9], $0x4000, $0x38;
	[tilespmem:$0x1E800] =	vst v63  }
0xe3: {  	_ =	swait.ge [sflag:s22], $0x4000  }
0xe4: {  	[sflag:s22] =	ssyncset.done $0x0  }
0xe5: {  	[sflag:s22] =	ssyncadd.s32 $0xFFFFC000  }
0xe6: {  	[hbm4b:s18+s2] =	stream.linear.scatter [tilespmem:s21], [sflag:$0x3], $0x4000, $0x38;
	[tilespmem:$0x1E800] =	vst v63  }
0xe7: {  	_ =	swait.ge [sflag:s22], $0x4000  }
0xe8: {  	[sflag:s22] =	ssyncset.done $0x0  }
0xe9: {  	[sflag:s22] =	ssyncadd.s32 $0xFFFFC000  }
0xea: {  	[tilespmem:s21], [sflag:$0x3] =	stream.linear.gather [spmem:s10], $0x4000, $0x38;
	[tilespmem:$0x1E800] =	vst v63  }
0xeb: {  	s0 =	sadd.s32 $0x1, s0;
	_ =	swait.ge [sflag:s22], $0x4000  }
0xec: {  	p0 =	sne.s32 s0, s20;
	[sflag:s22] =	ssyncset.done $0x0  }
.Ltmp2:
0xed: {  	[sflag:s22] =	ssyncadd.s32 $0xFFFFC000;
	(pc) =	sbr.rel @p0 .LBB2_1-.Ltmp2, $4  }
0xee: {  	[hbm4b:s19+s2] =	stream.linear.scatter [tilespmem:s21], [sflag:$0x3], $0x4000, $0x38;
	[tilespmem:$0x1E800] =	vst v63  }
0xef: {  	_ =	swait.ge [sflag:s22], $0x4000  }
0xf0: {  	[sflag:s22] =	ssyncset.done $0x0  }
0xf1: {  	[sflag:s22] =	ssyncadd.s32 $0xFFFFC000  }
0xf2: {  	_ =	sfence.sel $0x180000  }
0xf3: {  	[bflag:$0x0] =	sbarrier.arrive $0xFFFF  }
0xf4: {  	_ =	strace $0x9000004A  }
0xf5: {  	s0 =	stileid.u32;
	[bflag:$0x2] =	sbarrier.arrive $0xFFFF  }
0xf6: {  	p0 =	sne.s32 s0, $0x0;
	s0 =	rddreg [dreg:$0x2]  }
0xf7: {  	s0 =	sadd.s32 @!p0 $0x100000, s0  }
0xf8: {  	[sflag:s0] =	ssyncadd.tile.s32 @!p0 $0x1;
	_ =	shalt  }
.Lfunc_end2:
_tile_overlayer_lowered:
.L_overlay_start_2:
0xf9: {  	(tag) =	ssettag $0x2  }
0xfa: {  	s0 =	rddreg [dreg:$0x0];
	s2 =	stileid.u32  }
0xfb: {  	s1 =	rddreg [dreg:$0x1];
	p0 =	sne.s32 s2, $0x0  }
0xfc: {  	s3 =	rddreg [dreg:$0x2];
	[bflag:$0x3] =	sbarrier.arrive $0xFFFF;
	s2 =	simm.s32 @!p0 $0x1C03  }
0xfd: {  	[timem:s3], [sflag:s2] =	dma.local @!p0 [hbm:s0], s1  }
0xfe: {  	s0 =	simm.s32 @!p0 $0x3  }
0xff: {  	_ =	swait.ge @!p0 [sflag:s0], s1  }
0x100: {  	s1 =	ssub.s32 @!p0 $0x0, s1;
	[sflag:s0] =	ssyncset.done @!p0 $0x0  }
0x101: {  	[sflag:s0] =	ssyncadd.s32 @!p0 s1  }
0x102: {  	[bflag:$0x3] =	sbarrier.arrive $0xFFFF  }
0x103: {  	_ =	shalt  }

</sc_bundles>
